<compile_context>
chip_gen: v7x
topology: tpu7x:2x2x1
jax: 0.10.2.dev20260603
libtpu: 0.0.44.dev20260713+nightly
codegen_flags: <defaults>
</compile_context>

<pallas_src>
import functools

import jax
import jax.numpy as jnp
from jax import lax
from jax.experimental import pallas as pl
from jax.experimental.pallas import tpu as pltpu
from jax.experimental.pallas import tpu_sc as plsc

_SIGMA = 9.0
_N = 2097152
_NC = 2
_NS = 16
_NW = _NC * _NS
_RW = _N // _NW
_CH = 8192
_NCH = _RW // _CH
_U = 4


def _sc_body(pred_hbm, lbl_hbm, out_hbm,
             pbuf0, pbuf1, lbuf0, lbuf1, ssum, scnt, sem0, sem1):
    cid = lax.axis_index("c")
    sid = lax.axis_index("s")
    wid = cid * _NS + sid

    pbufs = (pbuf0, pbuf1)
    lbufs = (lbuf0, lbuf1)
    sems = (sem0, sem1)

    p_base = wid * (_RW * 2)
    l_base = wid * (_RW * 3)

    def start(c, b):
        h1 = pltpu.async_copy(
            pred_hbm.at[pl.ds(p_base + c * (_CH * 2), _CH * 2)],
            pbufs[b], sems[b])
        h2 = pltpu.async_copy(
            lbl_hbm.at[pl.ds(l_base + c * (_CH * 3), _CH * 3)],
            lbufs[b], sems[b])
        return (h1, h2)

    iota = lax.iota(jnp.int32, 16)
    i3 = iota * 3
    i2 = iota * 2

    def group(pbuf, lbuf, bl, bp, s, cn):
        cls = plsc.load_gather(lbuf, [bl + i3])
        o0 = plsc.load_gather(lbuf, [bl + (i3 + 1)])
        o1 = plsc.load_gather(lbuf, [bl + (i3 + 2)])
        p0 = plsc.load_gather(pbuf, [bp + i2])
        p1 = plsc.load_gather(pbuf, [bp + (i2 + 1)])
        d0 = jnp.abs(o0 - p0)
        d1 = jnp.abs(o1 - p1)
        h0 = jnp.where(d0 < (1.0 / _SIGMA),
                       (0.5 * _SIGMA) * d0 * d0, d0 - 0.5 / _SIGMA)
        h1 = jnp.where(d1 < (1.0 / _SIGMA),
                       (0.5 * _SIGMA) * d1 * d1, d1 - 0.5 / _SIGMA)
        msk = cls == 1.0
        s = s + jnp.where(msk, h0 + h1, 0.0)
        cn = cn + jnp.where(msk, 1.0, 0.0)
        return s, cn

    def compute(b, s, cn):
        pbuf = pbufs[b]
        lbuf = lbufs[b]

        def body(m, carry):
            s, cn = carry
            bl = m * (48 * _U)
            bp = m * (32 * _U)
            for u in range(_U):
                s, cn = group(pbuf, lbuf, bl + 48 * u, bp + 32 * u, s, cn)
            return s, cn

        return lax.fori_loop(0, _CH // (16 * _U), body, (s, cn))

    s = jnp.zeros((16,), jnp.float32)
    cn = jnp.zeros((16,), jnp.float32)
    handles = start(0, 0)
    for c in range(_NCH):
        if c + 1 < _NCH:
            nxt = start(c + 1, (c + 1) % 2)
        for h in handles:
            h.wait()
        s, cn = compute(c % 2, s, cn)
        if c + 1 < _NCH:
            handles = nxt

    ssum[...] = s
    scnt[...] = cn
    pltpu.sync_copy(ssum, out_hbm.at[wid])
    pltpu.sync_copy(scnt, out_hbm.at[_NW + wid])


@jax.jit
def _run(pred_flat, lbl_flat):
    mesh = plsc.VectorSubcoreMesh(core_axis_name="c", subcore_axis_name="s")
    k = functools.partial(
        pl.kernel,
        out_type=jax.ShapeDtypeStruct((2 * _NW, 16), jnp.float32),
        mesh=mesh,
        compiler_params=pltpu.CompilerParams(needs_layout_passes=False),
        scratch_types=[
            pltpu.VMEM((_CH * 2,), jnp.float32),
            pltpu.VMEM((_CH * 2,), jnp.float32),
            pltpu.VMEM((_CH * 3,), jnp.float32),
            pltpu.VMEM((_CH * 3,), jnp.float32),
            pltpu.VMEM((16,), jnp.float32),
            pltpu.VMEM((16,), jnp.float32),
            pltpu.SemaphoreType.DMA,
            pltpu.SemaphoreType.DMA,
        ],
    )(_sc_body)
    partials = k(pred_flat, lbl_flat)
    total = jnp.sum(partials[:_NW])
    cnt = jnp.sum(partials[_NW:])
    return jnp.where(cnt > 0, total / jnp.maximum(cnt, 1.0),
                     jnp.float32(0.0))


def kernel(输入, 标签):
    pred_flat = 输入.reshape(_N * 2)
    lbl_flat = 标签.reshape(_N * 3)
    return _run(pred_flat, lbl_flat)

# --- scband reference (transcript-rebuilt; emitter-appended) ---
"""Pipeline reference for scband-row-54992761258958 (READ-ONLY COPY).

The authoritative reference and input builder live on the scoring server;
editing this copy changes nothing except your own understanding.
"""

import jax, jax.numpy as jnp
import numpy as np

SIGMA = 9.0
N = 2097152

def setup_inputs(seed: int = 0) -> dict:
    key = jax.random.key(seed)
    k1, k2 = jax.random.split(key)
    x = jax.random.normal(k1, (1, N, 2), dtype=jnp.float32)
    labels = jax.random.randint(k2, (1, N, 3), 0, 2).astype(jnp.float32)
    return {"输入": x, "标签": labels}

def reference(输入, 标签):
    # cls==1 row selection, then smooth-L1 (Huber) on 2-d offsets, mean over selected rows.
    # Implemented as a masked reduction (mathematically identical to gather + mean).
    cls = 标签[0, :, 0]
    offs = 标签[0, :, 1:3]
    pred = 输入[0]
    mask = (cls == 1.0).astype(jnp.float32)
    diff = jnp.abs(offs - pred)
    lt1 = (diff < 1.0 / SIGMA).astype(jnp.float32)
    loss = lt1 * 0.5 * diff ** 2 * SIGMA + jnp.abs(1.0 - lt1) * (diff - 0.5 / SIGMA)
    row_loss = jnp.sum(loss, axis=1)
    cnt = jnp.sum(mask)
    total = jnp.sum(row_loss * mask)
    return jnp.where(cnt > 0, total / jnp.maximum(cnt, 1.0), jnp.float32(0.0))

if __name__ == "__main__":
    import jax
    _d = setup_inputs()
    print(jax.jit(kernel)(*tuple(_d.values())))

</pallas_src>

<mosaic_0001>
#map = affine_map<(d0, d1) -> (0)>
#map1 = affine_map<(d0, d1) -> (0, 0)>
module attributes {stable_mosaic.version = 14 : i64} {
  func.func @_sc_body(%arg0: i32, %arg1: i32, %arg2: memref<4194304xf32, #tpu.memory_space<hbm>>, %arg3: memref<6291456xf32, #tpu.memory_space<hbm>>, %arg4: memref<64x16xf32, #tpu.memory_space<hbm>>, %arg5: memref<16384xf32, #tpu.memory_space<vmem>>, %arg6: memref<16384xf32, #tpu.memory_space<vmem>>, %arg7: memref<24576xf32, #tpu.memory_space<vmem>>, %arg8: memref<24576xf32, #tpu.memory_space<vmem>>, %arg9: memref<16xf32, #tpu.memory_space<vmem>>, %arg10: memref<16xf32, #tpu.memory_space<vmem>>, %arg11: memref<!tpu.dma_semaphore, #tpu.memory_space<semaphore_mem>>, %arg12: memref<!tpu.dma_semaphore, #tpu.memory_space<semaphore_mem>>) attributes {dimension_semantics = [#tpu.dimension_semantics<core_parallel>, #tpu.dimension_semantics<subcore_parallel>], iteration_bounds = array<i64: 2, 16>, scalar_prefetch = 0 : i64, scratch_operands = 8 : i64, tpu.core_type = #tpu.core_type<sc_vector_subcore>, window_params = [{transform_indices = #map}, {transform_indices = #map}, {transform_indices = #map1}]} {
    %mul3A = arith.constant 16 : i32
    %mul3A_0 = arith.muli %arg0, %mul3A : i32
    %add3A = arith.addi %mul3A_0, %arg1 : i32
    %mul3A_1 = arith.constant 131072 : i32
    %mul3A_2 = arith.muli %add3A, %mul3A_1 : i32
    %mul3A_3 = arith.constant 196608 : i32
    %mul3A_4 = arith.muli %add3A, %mul3A_3 : i32
    %iota3A = tpu.iota {dimensions = array<i32: 0>} : vector<16xi32>
    %mul3A_5 = arith.constant 3 : i32
    %mul3A_6 = vector.broadcast %mul3A_5 : i32 to vector<16xi32>
    %mul3A_7 = arith.muli %iota3A, %mul3A_6 : vector<16xi32>
    %mul3A_8 = arith.constant 2 : i32
    %mul3A_9 = vector.broadcast %mul3A_8 : i32 to vector<16xi32>
    %mul3A_10 = arith.muli %iota3A, %mul3A_9 : vector<16xi32>
    %broadcast_in_dim3A = arith.constant 0.000000e+00 : f32
    %broadcast_in_dim3A_11 = vector.broadcast %broadcast_in_dim3A : f32 to vector<16xf32>
    %broadcast_in_dim3A_12 = arith.constant 0.000000e+00 : f32
    %broadcast_in_dim3A_13 = vector.broadcast %broadcast_in_dim3A_12 : f32 to vector<16xf32>
    %add3A_14 = arith.constant 0 : i32
    %add3A_15 = arith.addi %mul3A_2, %add3A_14 : i32
    %dma_start3A = tpu.memref_slice %arg2[%add3A_15] : memref<4194304xf32, #tpu.memory_space<hbm>> -> memref<16384xf32, #tpu.memory_space<hbm>>
    %dma_start3A_16 = tpu.memref_slice %arg2[%add3A_15] : memref<4194304xf32, #tpu.memory_space<hbm>> -> memref<16384xf32, #tpu.memory_space<hbm>>
    tpu.enqueue_dma source(%dma_start3A_16 : memref<16384xf32, #tpu.memory_space<hbm>>) target(%arg5 : memref<16384xf32, #tpu.memory_space<vmem>>) target_semaphore(%arg11 : memref<!tpu.dma_semaphore, #tpu.memory_space<semaphore_mem>>)
    %add3A_17 = arith.constant 0 : i32
    %add3A_18 = arith.addi %mul3A_4, %add3A_17 : i32
    %dma_start3A_19 = tpu.memref_slice %arg3[%add3A_18] : memref<6291456xf32, #tpu.memory_space<hbm>> -> memref<24576xf32, #tpu.memory_space<hbm>>
    %dma_start3A_20 = tpu.memref_slice %arg3[%add3A_18] : memref<6291456xf32, #tpu.memory_space<hbm>> -> memref<24576xf32, #tpu.memory_space<hbm>>
    tpu.enqueue_dma source(%dma_start3A_20 : memref<24576xf32, #tpu.memory_space<hbm>>) target(%arg7 : memref<24576xf32, #tpu.memory_space<vmem>>) target_semaphore(%arg11 : memref<!tpu.dma_semaphore, #tpu.memory_space<semaphore_mem>>)
    %add3A_21 = arith.constant 16384 : i32
    %add3A_22 = arith.addi %mul3A_2, %add3A_21 : i32
    %dma_start3A_23 = tpu.memref_slice %arg2[%add3A_22] : memref<4194304xf32, #tpu.memory_space<hbm>> -> memref<16384xf32, #tpu.memory_space<hbm>>
    %dma_start3A_24 = tpu.memref_slice %arg2[%add3A_22] : memref<4194304xf32, #tpu.memory_space<hbm>> -> memref<16384xf32, #tpu.memory_space<hbm>>
    tpu.enqueue_dma source(%dma_start3A_24 : memref<16384xf32, #tpu.memory_space<hbm>>) target(%arg6 : memref<16384xf32, #tpu.memory_space<vmem>>) target_semaphore(%arg12 : memref<!tpu.dma_semaphore, #tpu.memory_space<semaphore_mem>>)
    %add3A_25 = arith.constant 24576 : i32
    %add3A_26 = arith.addi %mul3A_4, %add3A_25 : i32
    %dma_start3A_27 = tpu.memref_slice %arg3[%add3A_26] : memref<6291456xf32, #tpu.memory_space<hbm>> -> memref<24576xf32, #tpu.memory_space<hbm>>
    %dma_start3A_28 = tpu.memref_slice %arg3[%add3A_26] : memref<6291456xf32, #tpu.memory_space<hbm>> -> memref<24576xf32, #tpu.memory_space<hbm>>
    tpu.enqueue_dma source(%dma_start3A_28 : memref<24576xf32, #tpu.memory_space<hbm>>) target(%arg8 : memref<24576xf32, #tpu.memory_space<vmem>>) target_semaphore(%arg12 : memref<!tpu.dma_semaphore, #tpu.memory_space<semaphore_mem>>)
    %dma_wait3A = tpu.memref_slice %arg2[%add3A_15] : memref<4194304xf32, #tpu.memory_space<hbm>> -> memref<16384xf32, #tpu.memory_space<hbm>>
    %dma_wait3A_29 = tpu.memref_slice %arg2[%add3A_15] : memref<4194304xf32, #tpu.memory_space<hbm>> -> memref<16384xf32, #tpu.memory_space<hbm>>
    tpu.wait_dma2 semaphore(%arg11 : memref<!tpu.dma_semaphore, #tpu.memory_space<semaphore_mem>>) src(%dma_wait3A_29 : memref<16384xf32, #tpu.memory_space<hbm>>) dst(%arg5 : memref<16384xf32, #tpu.memory_space<vmem>>)
    %dma_wait3A_30 = tpu.memref_slice %arg3[%add3A_18] : memref<6291456xf32, #tpu.memory_space<hbm>> -> memref<24576xf32, #tpu.memory_space<hbm>>
    %dma_wait3A_31 = tpu.memref_slice %arg3[%add3A_18] : memref<6291456xf32, #tpu.memory_space<hbm>> -> memref<24576xf32, #tpu.memory_space<hbm>>
    tpu.wait_dma2 semaphore(%arg11 : memref<!tpu.dma_semaphore, #tpu.memory_space<semaphore_mem>>) src(%dma_wait3A_31 : memref<24576xf32, #tpu.memory_space<hbm>>) dst(%arg7 : memref<24576xf32, #tpu.memory_space<vmem>>)
    %scan3A = arith.constant 0 : i32
    %scan3A_32 = arith.constant 128 : i32
    %scan3A_33 = arith.addi %scan3A, %scan3A_32 : i32
    %scan3A_34 = arith.constant 1 : i32
    %scan3A_35:2 = scf.for %scan3A_160 = %scan3A to %scan3A_33 step %scan3A_34 iter_args(%scan3A_161 = %broadcast_in_dim3A_11, %scan3A_162 = %broadcast_in_dim3A_13) -> (vector<16xf32>, vector<16xf32>)  : i32 {
      %mul3A_163 = arith.constant 192 : i32
      %mul3A_164 = arith.muli %scan3A_160, %mul3A_163 : i32
      %mul3A_165 = arith.constant 128 : i32
      %mul3A_166 = arith.muli %scan3A_160, %mul3A_165 : i32
      %add3A_167 = arith.constant 0 : i32
      %add3A_168 = arith.addi %mul3A_164, %add3A_167 : i32
      %add3A_169 = arith.constant 0 : i32
      %add3A_170 = arith.addi %mul3A_166, %add3A_169 : i32
      %add3A_171 = vector.broadcast %add3A_168 : i32 to vector<16xi32>
      %add3A_172 = arith.addi %add3A_171, %mul3A_7 : vector<16xi32>
      %gather3A = tpu.vector_load_idx %arg7[%add3A_172] : memref<24576xf32, #tpu.memory_space<vmem>>[vector<16xi32>], vector<16xf32>,
      %add3A_173 = arith.constant 1 : i32
      %add3A_174 = vector.broadcast %add3A_173 : i32 to vector<16xi32>
      %add3A_175 = arith.addi %mul3A_7, %add3A_174 : vector<16xi32>
      %add3A_176 = vector.broadcast %add3A_168 : i32 to vector<16xi32>
      %add3A_177 = arith.addi %add3A_176, %add3A_175 : vector<16xi32>
      %gather3A_178 = tpu.vector_load_idx %arg7[%add3A_177] : memref<24576xf32, #tpu.memory_space<vmem>>[vector<16xi32>], vector<16xf32>,
      %add3A_179 = arith.constant 2 : i32
      %add3A_180 = vector.broadcast %add3A_179 : i32 to vector<16xi32>
      %add3A_181 = arith.addi %mul3A_7, %add3A_180 : vector<16xi32>
      %add3A_182 = vector.broadcast %add3A_168 : i32 to vector<16xi32>
      %add3A_183 = arith.addi %add3A_182, %add3A_181 : vector<16xi32>
      %gather3A_184 = tpu.vector_load_idx %arg7[%add3A_183] : memref<24576xf32, #tpu.memory_space<vmem>>[vector<16xi32>], vector<16xf32>,
      %add3A_185 = vector.broadcast %add3A_170 : i32 to vector<16xi32>
      %add3A_186 = arith.addi %add3A_185, %mul3A_10 : vector<16xi32>
      %gather3A_187 = tpu.vector_load_idx %arg5[%add3A_186] : memref<16384xf32, #tpu.memory_space<vmem>>[vector<16xi32>], vector<16xf32>,
      %add3A_188 = arith.constant 1 : i32
      %add3A_189 = vector.broadcast %add3A_188 : i32 to vector<16xi32>
      %add3A_190 = arith.addi %mul3A_10, %add3A_189 : vector<16xi32>
      %add3A_191 = vector.broadcast %add3A_170 : i32 to vector<16xi32>
      %add3A_192 = arith.addi %add3A_191, %add3A_190 : vector<16xi32>
      %gather3A_193 = tpu.vector_load_idx %arg5[%add3A_192] : memref<16384xf32, #tpu.memory_space<vmem>>[vector<16xi32>], vector<16xf32>,
      %sub3A = arith.subf %gather3A_178, %gather3A_187 : vector<16xf32>
      %abs3A = math.absf %sub3A : vector<16xf32>
      %sub3A_194 = arith.subf %gather3A_184, %gather3A_193 : vector<16xf32>
      %abs3A_195 = math.absf %sub3A_194 : vector<16xf32>
      %lt3A = arith.constant 0.111111112 : f32
      %lt3A_196 = vector.broadcast %lt3A : f32 to vector<16xf32>
      %lt3A_197 = arith.cmpf olt, %abs3A, %lt3A_196 : vector<16xf32>
      %mul3A_198 = arith.constant 4.500000e+00 : f32
      %mul3A_199 = vector.broadcast %mul3A_198 : f32 to vector<16xf32>
      %mul3A_200 = arith.mulf %mul3A_199, %abs3A : vector<16xf32>
      %mul3A_201 = arith.mulf %mul3A_200, %abs3A : vector<16xf32>
      %sub3A_202 = arith.constant 0.055555556 : f32
      %sub3A_203 = vector.broadcast %sub3A_202 : f32 to vector<16xf32>
      %sub3A_204 = arith.subf %abs3A, %sub3A_203 : vector<16xf32>
      %select_n3A = arith.select %lt3A_197, %mul3A_201, %sub3A_204 : vector<16xi1>, vector<16xf32>
      %lt3A_205 = arith.constant 0.111111112 : f32
      %lt3A_206 = vector.broadcast %lt3A_205 : f32 to vector<16xf32>
      %lt3A_207 = arith.cmpf olt, %abs3A_195, %lt3A_206 : vector<16xf32>
      %mul3A_208 = arith.constant 4.500000e+00 : f32
      %mul3A_209 = vector.broadcast %mul3A_208 : f32 to vector<16xf32>
      %mul3A_210 = arith.mulf %mul3A_209, %abs3A_195 : vector<16xf32>
      %mul3A_211 = arith.mulf %mul3A_210, %abs3A_195 : vector<16xf32>
      %sub3A_212 = arith.constant 0.055555556 : f32
      %sub3A_213 = vector.broadcast %sub3A_212 : f32 to vector<16xf32>
      %sub3A_214 = arith.subf %abs3A_195, %sub3A_213 : vector<16xf32>
      %select_n3A_215 = arith.select %lt3A_207, %mul3A_211, %sub3A_214 : vector<16xi1>, vector<16xf32>
      %eq3A = arith.constant 1.000000e+00 : f32
      %eq3A_216 = vector.broadcast %eq3A : f32 to vector<16xf32>
      %eq3A_217 = arith.cmpf oeq, %gather3A, %eq3A_216 : vector<16xf32>
      %add3A_218 = arith.addf %select_n3A, %select_n3A_215 : vector<16xf32>
      %jit3A = arith.constant 0.000000e+00 : f32
      %broadcast_in_dim3A_219 = vector.broadcast %jit3A : f32 to vector<16xf32>
      %select_n3A_220 = arith.select %eq3A_217, %add3A_218, %broadcast_in_dim3A_219 : vector<16xi1>, vector<16xf32>
      %add3A_221 = arith.addf %scan3A_161, %select_n3A_220 : vector<16xf32>
      %jit3A_222 = arith.constant 1.000000e+00 : f32
      %jit3A_223 = arith.constant 0.000000e+00 : f32
      %broadcast_in_dim3A_224 = vector.broadcast %jit3A_222 : f32 to vector<16xf32>
      %broadcast_in_dim3A_225 = vector.broadcast %jit3A_223 : f32 to vector<16xf32>
      %select_n3A_226 = arith.select %eq3A_217, %broadcast_in_dim3A_224, %broadcast_in_dim3A_225 : vector<16xi1>, vector<16xf32>
      %add3A_227 = arith.addf %scan3A_162, %select_n3A_226 : vector<16xf32>
      %add3A_228 = arith.constant 48 : i32
      %add3A_229 = arith.addi %mul3A_164, %add3A_228 : i32
      %add3A_230 = arith.constant 32 : i32
      %add3A_231 = arith.addi %mul3A_166, %add3A_230 : i32
      %add3A_232 = vector.broadcast %add3A_229 : i32 to vector<16xi32>
      %add3A_233 = arith.addi %add3A_232, %mul3A_7 : vector<16xi32>
      %gather3A_234 = tpu.vector_load_idx %arg7[%add3A_233] : memref<24576xf32, #tpu.memory_space<vmem>>[vector<16xi32>], vector<16xf32>,
      %add3A_235 = arith.constant 1 : i32
      %add3A_236 = vector.broadcast %add3A_235 : i32 to vector<16xi32>
      %add3A_237 = arith.addi %mul3A_7, %add3A_236 : vector<16xi32>
      %add3A_238 = vector.broadcast %add3A_229 : i32 to vector<16xi32>
      %add3A_239 = arith.addi %add3A_238, %add3A_237 : vector<16xi32>
      %gather3A_240 = tpu.vector_load_idx %arg7[%add3A_239] : memref<24576xf32, #tpu.memory_space<vmem>>[vector<16xi32>], vector<16xf32>,
      %add3A_241 = arith.constant 2 : i32
      %add3A_242 = vector.broadcast %add3A_241 : i32 to vector<16xi32>
      %add3A_243 = arith.addi %mul3A_7, %add3A_242 : vector<16xi32>
      %add3A_244 = vector.broadcast %add3A_229 : i32 to vector<16xi32>
      %add3A_245 = arith.addi %add3A_244, %add3A_243 : vector<16xi32>
      %gather3A_246 = tpu.vector_load_idx %arg7[%add3A_245] : memref<24576xf32, #tpu.memory_space<vmem>>[vector<16xi32>], vector<16xf32>,
      %add3A_247 = vector.broadcast %add3A_231 : i32 to vector<16xi32>
      %add3A_248 = arith.addi %add3A_247, %mul3A_10 : vector<16xi32>
      %gather3A_249 = tpu.vector_load_idx %arg5[%add3A_248] : memref<16384xf32, #tpu.memory_space<vmem>>[vector<16xi32>], vector<16xf32>,
      %add3A_250 = arith.constant 1 : i32
      %add3A_251 = vector.broadcast %add3A_250 : i32 to vector<16xi32>
      %add3A_252 = arith.addi %mul3A_10, %add3A_251 : vector<16xi32>
      %add3A_253 = vector.broadcast %add3A_231 : i32 to vector<16xi32>
      %add3A_254 = arith.addi %add3A_253, %add3A_252 : vector<16xi32>
      %gather3A_255 = tpu.vector_load_idx %arg5[%add3A_254] : memref<16384xf32, #tpu.memory_space<vmem>>[vector<16xi32>], vector<16xf32>,
      %sub3A_256 = arith.subf %gather3A_240, %gather3A_249 : vector<16xf32>
      %abs3A_257 = math.absf %sub3A_256 : vector<16xf32>
      %sub3A_258 = arith.subf %gather3A_246, %gather3A_255 : vector<16xf32>
      %abs3A_259 = math.absf %sub3A_258 : vector<16xf32>
      %lt3A_260 = arith.constant 0.111111112 : f32
      %lt3A_261 = vector.broadcast %lt3A_260 : f32 to vector<16xf32>
      %lt3A_262 = arith.cmpf olt, %abs3A_257, %lt3A_261 : vector<16xf32>
      %mul3A_263 = arith.constant 4.500000e+00 : f32
      %mul3A_264 = vector.broadcast %mul3A_263 : f32 to vector<16xf32>
      %mul3A_265 = arith.mulf %mul3A_264, %abs3A_257 : vector<16xf32>
      %mul3A_266 = arith.mulf %mul3A_265, %abs3A_257 : vector<16xf32>
      %sub3A_267 = arith.constant 0.055555556 : f32
      %sub3A_268 = vector.broadcast %sub3A_267 : f32 to vector<16xf32>
      %sub3A_269 = arith.subf %abs3A_257, %sub3A_268 : vector<16xf32>
      %select_n3A_270 = arith.select %lt3A_262, %mul3A_266, %sub3A_269 : vector<16xi1>, vector<16xf32>
      %lt3A_271 = arith.constant 0.111111112 : f32
      %lt3A_272 = vector.broadcast %lt3A_271 : f32 to vector<16xf32>
      %lt3A_273 = arith.cmpf olt, %abs3A_259, %lt3A_272 : vector<16xf32>
      %mul3A_274 = arith.constant 4.500000e+00 : f32
      %mul3A_275 = vector.broadcast %mul3A_274 : f32 to vector<16xf32>
      %mul3A_276 = arith.mulf %mul3A_275, %abs3A_259 : vector<16xf32>
      %mul3A_277 = arith.mulf %mul3A_276, %abs3A_259 : vector<16xf32>
      %sub3A_278 = arith.constant 0.055555556 : f32
      %sub3A_279 = vector.broadcast %sub3A_278 : f32 to vector<16xf32>
      %sub3A_280 = arith.subf %abs3A_259, %sub3A_279 : vector<16xf32>
      %select_n3A_281 = arith.select %lt3A_273, %mul3A_277, %sub3A_280 : vector<16xi1>, vector<16xf32>
      %eq3A_282 = arith.constant 1.000000e+00 : f32
      %eq3A_283 = vector.broadcast %eq3A_282 : f32 to vector<16xf32>
      %eq3A_284 = arith.cmpf oeq, %gather3A_234, %eq3A_283 : vector<16xf32>
      %add3A_285 = arith.addf %select_n3A_270, %select_n3A_281 : vector<16xf32>
      %jit3A_286 = arith.constant 0.000000e+00 : f32
      %broadcast_in_dim3A_287 = vector.broadcast %jit3A_286 : f32 to vector<16xf32>
      %select_n3A_288 = arith.select %eq3A_284, %add3A_285, %broadcast_in_dim3A_287 : vector<16xi1>, vector<16xf32>
      %add3A_289 = arith.addf %add3A_221, %select_n3A_288 : vector<16xf32>
      %jit3A_290 = arith.constant 1.000000e+00 : f32
      %jit3A_291 = arith.constant 0.000000e+00 : f32
      %broadcast_in_dim3A_292 = vector.broadcast %jit3A_290 : f32 to vector<16xf32>
      %broadcast_in_dim3A_293 = vector.broadcast %jit3A_291 : f32 to vector<16xf32>
      %select_n3A_294 = arith.select %eq3A_284, %broadcast_in_dim3A_292, %broadcast_in_dim3A_293 : vector<16xi1>, vector<16xf32>
      %add3A_295 = arith.addf %add3A_227, %select_n3A_294 : vector<16xf32>
      %add3A_296 = arith.constant 96 : i32
      %add3A_297 = arith.addi %mul3A_164, %add3A_296 : i32
      %add3A_298 = arith.constant 64 : i32
      %add3A_299 = arith.addi %mul3A_166, %add3A_298 : i32
      %add3A_300 = vector.broadcast %add3A_297 : i32 to vector<16xi32>
      %add3A_301 = arith.addi %add3A_300, %mul3A_7 : vector<16xi32>
      %gather3A_302 = tpu.vector_load_idx %arg7[%add3A_301] : memref<24576xf32, #tpu.memory_space<vmem>>[vector<16xi32>], vector<16xf32>,
      %add3A_303 = arith.constant 1 : i32
      %add3A_304 = vector.broadcast %add3A_303 : i32 to vector<16xi32>
      %add3A_305 = arith.addi %mul3A_7, %add3A_304 : vector<16xi32>
      %add3A_306 = vector.broadcast %add3A_297 : i32 to vector<16xi32>
      %add3A_307 = arith.addi %add3A_306, %add3A_305 : vector<16xi32>
      %gather3A_308 = tpu.vector_load_idx %arg7[%add3A_307] : memref<24576xf32, #tpu.memory_space<vmem>>[vector<16xi32>], vector<16xf32>,
      %add3A_309 = arith.constant 2 : i32
      %add3A_310 = vector.broadcast %add3A_309 : i32 to vector<16xi32>
      %add3A_311 = arith.addi %mul3A_7, %add3A_310 : vector<16xi32>
      %add3A_312 = vector.broadcast %add3A_297 : i32 to vector<16xi32>
      %add3A_313 = arith.addi %add3A_312, %add3A_311 : vector<16xi32>
      %gather3A_314 = tpu.vector_load_idx %arg7[%add3A_313] : memref<24576xf32, #tpu.memory_space<vmem>>[vector<16xi32>], vector<16xf32>,
      %add3A_315 = vector.broadcast %add3A_299 : i32 to vector<16xi32>
      %add3A_316 = arith.addi %add3A_315, %mul3A_10 : vector<16xi32>
      %gather3A_317 = tpu.vector_load_idx %arg5[%add3A_316] : memref<16384xf32, #tpu.memory_space<vmem>>[vector<16xi32>], vector<16xf32>,
      %add3A_318 = arith.constant 1 : i32
      %add3A_319 = vector.broadcast %add3A_318 : i32 to vector<16xi32>
      %add3A_320 = arith.addi %mul3A_10, %add3A_319 : vector<16xi32>
      %add3A_321 = vector.broadcast %add3A_299 : i32 to vector<16xi32>
      %add3A_322 = arith.addi %add3A_321, %add3A_320 : vector<16xi32>
      %gather3A_323 = tpu.vector_load_idx %arg5[%add3A_322] : memref<16384xf32, #tpu.memory_space<vmem>>[vector<16xi32>], vector<16xf32>,
      %sub3A_324 = arith.subf %gather3A_308, %gather3A_317 : vector<16xf32>
      %abs3A_325 = math.absf %sub3A_324 : vector<16xf32>
      %sub3A_326 = arith.subf %gather3A_314, %gather3A_323 : vector<16xf32>
      %abs3A_327 = math.absf %sub3A_326 : vector<16xf32>
      %lt3A_328 = arith.constant 0.111111112 : f32
      %lt3A_329 = vector.broadcast %lt3A_328 : f32 to vector<16xf32>
      %lt3A_330 = arith.cmpf olt, %abs3A_325, %lt3A_329 : vector<16xf32>
      %mul3A_331 = arith.constant 4.500000e+00 : f32
      %mul3A_332 = vector.broadcast %mul3A_331 : f32 to vector<16xf32>
      %mul3A_333 = arith.mulf %mul3A_332, %abs3A_325 : vector<16xf32>
      %mul3A_334 = arith.mulf %mul3A_333, %abs3A_325 : vector<16xf32>
      %sub3A_335 = arith.constant 0.055555556 : f32
      %sub3A_336 = vector.broadcast %sub3A_335 : f32 to vector<16xf32>
      %sub3A_337 = arith.subf %abs3A_325, %sub3A_336 : vector<16xf32>
      %select_n3A_338 = arith.select %lt3A_330, %mul3A_334, %sub3A_337 : vector<16xi1>, vector<16xf32>
      %lt3A_339 = arith.constant 0.111111112 : f32
      %lt3A_340 = vector.broadcast %lt3A_339 : f32 to vector<16xf32>
      %lt3A_341 = arith.cmpf olt, %abs3A_327, %lt3A_340 : vector<16xf32>
      %mul3A_342 = arith.constant 4.500000e+00 : f32
      %mul3A_343 = vector.broadcast %mul3A_342 : f32 to vector<16xf32>
      %mul3A_344 = arith.mulf %mul3A_343, %abs3A_327 : vector<16xf32>
      %mul3A_345 = arith.mulf %mul3A_344, %abs3A_327 : vector<16xf32>
      %sub3A_346 = arith.constant 0.055555556 : f32
      %sub3A_347 = vector.broadcast %sub3A_346 : f32 to vector<16xf32>
      %sub3A_348 = arith.subf %abs3A_327, %sub3A_347 : vector<16xf32>
      %select_n3A_349 = arith.select %lt3A_341, %mul3A_345, %sub3A_348 : vector<16xi1>, vector<16xf32>
      %eq3A_350 = arith.constant 1.000000e+00 : f32
      %eq3A_351 = vector.broadcast %eq3A_350 : f32 to vector<16xf32>
      %eq3A_352 = arith.cmpf oeq, %gather3A_302, %eq3A_351 : vector<16xf32>
      %add3A_353 = arith.addf %select_n3A_338, %select_n3A_349 : vector<16xf32>
      %jit3A_354 = arith.constant 0.000000e+00 : f32
      %broadcast_in_dim3A_355 = vector.broadcast %jit3A_354 : f32 to vector<16xf32>
      %select_n3A_356 = arith.select %eq3A_352, %add3A_353, %broadcast_in_dim3A_355 : vector<16xi1>, vector<16xf32>
      %add3A_357 = arith.addf %add3A_289, %select_n3A_356 : vector<16xf32>
      %jit3A_358 = arith.constant 1.000000e+00 : f32
      %jit3A_359 = arith.constant 0.000000e+00 : f32
      %broadcast_in_dim3A_360 = vector.broadcast %jit3A_358 : f32 to vector<16xf32>
      %broadcast_in_dim3A_361 = vector.broadcast %jit3A_359 : f32 to vector<16xf32>
      %select_n3A_362 = arith.select %eq3A_352, %broadcast_in_dim3A_360, %broadcast_in_dim3A_361 : vector<16xi1>, vector<16xf32>
      %add3A_363 = arith.addf %add3A_295, %select_n3A_362 : vector<16xf32>
      %add3A_364 = arith.constant 144 : i32
      %add3A_365 = arith.addi %mul3A_164, %add3A_364 : i32
      %add3A_366 = arith.constant 96 : i32
      %add3A_367 = arith.addi %mul3A_166, %add3A_366 : i32
      %add3A_368 = vector.broadcast %add3A_365 : i32 to vector<16xi32>
      %add3A_369 = arith.addi %add3A_368, %mul3A_7 : vector<16xi32>
      %gather3A_370 = tpu.vector_load_idx %arg7[%add3A_369] : memref<24576xf32, #tpu.memory_space<vmem>>[vector<16xi32>], vector<16xf32>,
      %add3A_371 = arith.constant 1 : i32
      %add3A_372 = vector.broadcast %add3A_371 : i32 to vector<16xi32>
      %add3A_373 = arith.addi %mul3A_7, %add3A_372 : vector<16xi32>
      %add3A_374 = vector.broadcast %add3A_365 : i32 to vector<16xi32>
      %add3A_375 = arith.addi %add3A_374, %add3A_373 : vector<16xi32>
      %gather3A_376 = tpu.vector_load_idx %arg7[%add3A_375] : memref<24576xf32, #tpu.memory_space<vmem>>[vector<16xi32>], vector<16xf32>,
      %add3A_377 = arith.constant 2 : i32
      %add3A_378 = vector.broadcast %add3A_377 : i32 to vector<16xi32>
      %add3A_379 = arith.addi %mul3A_7, %add3A_378 : vector<16xi32>
      %add3A_380 = vector.broadcast %add3A_365 : i32 to vector<16xi32>
      %add3A_381 = arith.addi %add3A_380, %add3A_379 : vector<16xi32>
      %gather3A_382 = tpu.vector_load_idx %arg7[%add3A_381] : memref<24576xf32, #tpu.memory_space<vmem>>[vector<16xi32>], vector<16xf32>,
      %add3A_383 = vector.broadcast %add3A_367 : i32 to vector<16xi32>
      %add3A_384 = arith.addi %add3A_383, %mul3A_10 : vector<16xi32>
      %gather3A_385 = tpu.vector_load_idx %arg5[%add3A_384] : memref<16384xf32, #tpu.memory_space<vmem>>[vector<16xi32>], vector<16xf32>,
      %add3A_386 = arith.constant 1 : i32
      %add3A_387 = vector.broadcast %add3A_386 : i32 to vector<16xi32>
      %add3A_388 = arith.addi %mul3A_10, %add3A_387 : vector<16xi32>
      %add3A_389 = vector.broadcast %add3A_367 : i32 to vector<16xi32>
      %add3A_390 = arith.addi %add3A_389, %add3A_388 : vector<16xi32>
      %gather3A_391 = tpu.vector_load_idx %arg5[%add3A_390] : memref<16384xf32, #tpu.memory_space<vmem>>[vector<16xi32>], vector<16xf32>,
      %sub3A_392 = arith.subf %gather3A_376, %gather3A_385 : vector<16xf32>
      %abs3A_393 = math.absf %sub3A_392 : vector<16xf32>
      %sub3A_394 = arith.subf %gather3A_382, %gather3A_391 : vector<16xf32>
      %abs3A_395 = math.absf %sub3A_394 : vector<16xf32>
      %lt3A_396 = arith.constant 0.111111112 : f32
      %lt3A_397 = vector.broadcast %lt3A_396 : f32 to vector<16xf32>
      %lt3A_398 = arith.cmpf olt, %abs3A_393, %lt3A_397 : vector<16xf32>
      %mul3A_399 = arith.constant 4.500000e+00 : f32
      %mul3A_400 = vector.broadcast %mul3A_399 : f32 to vector<16xf32>
      %mul3A_401 = arith.mulf %mul3A_400, %abs3A_393 : vector<16xf32>
      %mul3A_402 = arith.mulf %mul3A_401, %abs3A_393 : vector<16xf32>
      %sub3A_403 = arith.constant 0.055555556 : f32
      %sub3A_404 = vector.broadcast %sub3A_403 : f32 to vector<16xf32>
      %sub3A_405 = arith.subf %abs3A_393, %sub3A_404 : vector<16xf32>
      %select_n3A_406 = arith.select %lt3A_398, %mul3A_402, %sub3A_405 : vector<16xi1>, vector<16xf32>
      %lt3A_407 = arith.constant 0.111111112 : f32
      %lt3A_408 = vector.broadcast %lt3A_407 : f32 to vector<16xf32>
      %lt3A_409 = arith.cmpf olt, %abs3A_395, %lt3A_408 : vector<16xf32>
      %mul3A_410 = arith.constant 4.500000e+00 : f32
      %mul3A_411 = vector.broadcast %mul3A_410 : f32 to vector<16xf32>
      %mul3A_412 = arith.mulf %mul3A_411, %abs3A_395 : vector<16xf32>
      %mul3A_413 = arith.mulf %mul3A_412, %abs3A_395 : vector<16xf32>
      %sub3A_414 = arith.constant 0.055555556 : f32
      %sub3A_415 = vector.broadcast %sub3A_414 : f32 to vector<16xf32>
      %sub3A_416 = arith.subf %abs3A_395, %sub3A_415 : vector<16xf32>
      %select_n3A_417 = arith.select %lt3A_409, %mul3A_413, %sub3A_416 : vector<16xi1>, vector<16xf32>
      %eq3A_418 = arith.constant 1.000000e+00 : f32
      %eq3A_419 = vector.broadcast %eq3A_418 : f32 to vector<16xf32>
      %eq3A_420 = arith.cmpf oeq, %gather3A_370, %eq3A_419 : vector<16xf32>
      %add3A_421 = arith.addf %select_n3A_406, %select_n3A_417 : vector<16xf32>
      %jit3A_422 = arith.constant 0.000000e+00 : f32
      %broadcast_in_dim3A_423 = vector.broadcast %jit3A_422 : f32 to vector<16xf32>
      %select_n3A_424 = arith.select %eq3A_420, %add3A_421, %broadcast_in_dim3A_423 : vector<16xi1>, vector<16xf32>
      %add3A_425 = arith.addf %add3A_357, %select_n3A_424 : vector<16xf32>
      %jit3A_426 = arith.constant 1.000000e+00 : f32
      %jit3A_427 = arith.constant 0.000000e+00 : f32
      %broadcast_in_dim3A_428 = vector.broadcast %jit3A_426 : f32 to vector<16xf32>
      %broadcast_in_dim3A_429 = vector.broadcast %jit3A_427 : f32 to vector<16xf32>
      %select_n3A_430 = arith.select %eq3A_420, %broadcast_in_dim3A_428, %broadcast_in_dim3A_429 : vector<16xi1>, vector<16xf32>
      %add3A_431 = arith.addf %add3A_363, %select_n3A_430 : vector<16xf32>
      scf.yield %add3A_425, %add3A_431 : vector<16xf32>, vector<16xf32>
    }
    %scan3A_36 = arith.constant 128 : i32
    %add3A_37 = arith.constant 32768 : i32
    %add3A_38 = arith.addi %mul3A_2, %add3A_37 : i32
    %dma_start3A_39 = tpu.memref_slice %arg2[%add3A_38] : memref<4194304xf32, #tpu.memory_space<hbm>> -> memref<16384xf32, #tpu.memory_space<hbm>>
    %dma_start3A_40 = tpu.memref_slice %arg2[%add3A_38] : memref<4194304xf32, #tpu.memory_space<hbm>> -> memref<16384xf32, #tpu.memory_space<hbm>>
    tpu.enqueue_dma source(%dma_start3A_40 : memref<16384xf32, #tpu.memory_space<hbm>>) target(%arg5 : memref<16384xf32, #tpu.memory_space<vmem>>) target_semaphore(%arg11 : memref<!tpu.dma_semaphore, #tpu.memory_space<semaphore_mem>>)
    %add3A_41 = arith.constant 49152 : i32
    %add3A_42 = arith.addi %mul3A_4, %add3A_41 : i32
    %dma_start3A_43 = tpu.memref_slice %arg3[%add3A_42] : memref<6291456xf32, #tpu.memory_space<hbm>> -> memref<24576xf32, #tpu.memory_space<hbm>>
    %dma_start3A_44 = tpu.memref_slice %arg3[%add3A_42] : memref<6291456xf32, #tpu.memory_space<hbm>> -> memref<24576xf32, #tpu.memory_space<hbm>>
    tpu.enqueue_dma source(%dma_start3A_44 : memref<24576xf32, #tpu.memory_space<hbm>>) target(%arg7 : memref<24576xf32, #tpu.memory_space<vmem>>) target_semaphore(%arg11 : memref<!tpu.dma_semaphore, #tpu.memory_space<semaphore_mem>>)
    %dma_wait3A_45 = tpu.memref_slice %arg2[%add3A_22] : memref<4194304xf32, #tpu.memory_space<hbm>> -> memref<16384xf32, #tpu.memory_space<hbm>>
    %dma_wait3A_46 = tpu.memref_slice %arg2[%add3A_22] : memref<4194304xf32, #tpu.memory_space<hbm>> -> memref<16384xf32, #tpu.memory_space<hbm>>
    tpu.wait_dma2 semaphore(%arg12 : memref<!tpu.dma_semaphore, #tpu.memory_space<semaphore_mem>>) src(%dma_wait3A_46 : memref<16384xf32, #tpu.memory_space<hbm>>) dst(%arg6 : memref<16384xf32, #tpu.memory_space<vmem>>)
    %dma_wait3A_47 = tpu.memref_slice %arg3[%add3A_26] : memref<6291456xf32, #tpu.memory_space<hbm>> -> memref<24576xf32, #tpu.memory_space<hbm>>
    %dma_wait3A_48 = tpu.memref_slice %arg3[%add3A_26] : memref<6291456xf32, #tpu.memory_space<hbm>> -> memref<24576xf32, #tpu.memory_space<hbm>>
    tpu.wait_dma2 semaphore(%arg12 : memref<!tpu.dma_semaphore, #tpu.memory_space<semaphore_mem>>) src(%dma_wait3A_48 : memref<24576xf32, #tpu.memory_space<hbm>>) dst(%arg8 : memref<24576xf32, #tpu.memory_space<vmem>>)
    %scan3A_49 = arith.constant 0 : i32
    %scan3A_50 = arith.constant 128 : i32
    %scan3A_51 = arith.addi %scan3A_49, %scan3A_50 : i32
    %scan3A_52 = arith.constant 1 : i32
    %scan3A_53:2 = scf.for %scan3A_160 = %scan3A_49 to %scan3A_51 step %scan3A_52 iter_args(%scan3A_161 = %scan3A_35#0, %scan3A_162 = %scan3A_35#1) -> (vector<16xf32>, vector<16xf32>)  : i32 {
      %mul3A_163 = arith.constant 192 : i32
      %mul3A_164 = arith.muli %scan3A_160, %mul3A_163 : i32
      %mul3A_165 = arith.constant 128 : i32
      %mul3A_166 = arith.muli %scan3A_160, %mul3A_165 : i32
      %add3A_167 = arith.constant 0 : i32
      %add3A_168 = arith.addi %mul3A_164, %add3A_167 : i32
      %add3A_169 = arith.constant 0 : i32
      %add3A_170 = arith.addi %mul3A_166, %add3A_169 : i32
      %add3A_171 = vector.broadcast %add3A_168 : i32 to vector<16xi32>
      %add3A_172 = arith.addi %add3A_171, %mul3A_7 : vector<16xi32>
      %gather3A = tpu.vector_load_idx %arg8[%add3A_172] : memref<24576xf32, #tpu.memory_space<vmem>>[vector<16xi32>], vector<16xf32>,
      %add3A_173 = arith.constant 1 : i32
      %add3A_174 = vector.broadcast %add3A_173 : i32 to vector<16xi32>
      %add3A_175 = arith.addi %mul3A_7, %add3A_174 : vector<16xi32>
      %add3A_176 = vector.broadcast %add3A_168 : i32 to vector<16xi32>
      %add3A_177 = arith.addi %add3A_176, %add3A_175 : vector<16xi32>
      %gather3A_178 = tpu.vector_load_idx %arg8[%add3A_177] : memref<24576xf32, #tpu.memory_space<vmem>>[vector<16xi32>], vector<16xf32>,
      %add3A_179 = arith.constant 2 : i32
      %add3A_180 = vector.broadcast %add3A_179 : i32 to vector<16xi32>
      %add3A_181 = arith.addi %mul3A_7, %add3A_180 : vector<16xi32>
      %add3A_182 = vector.broadcast %add3A_168 : i32 to vector<16xi32>
      %add3A_183 = arith.addi %add3A_182, %add3A_181 : vector<16xi32>
      %gather3A_184 = tpu.vector_load_idx %arg8[%add3A_183] : memref<24576xf32, #tpu.memory_space<vmem>>[vector<16xi32>], vector<16xf32>,
      %add3A_185 = vector.broadcast %add3A_170 : i32 to vector<16xi32>
      %add3A_186 = arith.addi %add3A_185, %mul3A_10 : vector<16xi32>
      %gather3A_187 = tpu.vector_load_idx %arg6[%add3A_186] : memref<16384xf32, #tpu.memory_space<vmem>>[vector<16xi32>], vector<16xf32>,
      %add3A_188 = arith.constant 1 : i32
      %add3A_189 = vector.broadcast %add3A_188 : i32 to vector<16xi32>
      %add3A_190 = arith.addi %mul3A_10, %add3A_189 : vector<16xi32>
      %add3A_191 = vector.broadcast %add3A_170 : i32 to vector<16xi32>
      %add3A_192 = arith.addi %add3A_191, %add3A_190 : vector<16xi32>
      %gather3A_193 = tpu.vector_load_idx %arg6[%add3A_192] : memref<16384xf32, #tpu.memory_space<vmem>>[vector<16xi32>], vector<16xf32>,
      %sub3A = arith.subf %gather3A_178, %gather3A_187 : vector<16xf32>
      %abs3A = math.absf %sub3A : vector<16xf32>
      %sub3A_194 = arith.subf %gather3A_184, %gather3A_193 : vector<16xf32>
      %abs3A_195 = math.absf %sub3A_194 : vector<16xf32>
      %lt3A = arith.constant 0.111111112 : f32
      %lt3A_196 = vector.broadcast %lt3A : f32 to vector<16xf32>
      %lt3A_197 = arith.cmpf olt, %abs3A, %lt3A_196 : vector<16xf32>
      %mul3A_198 = arith.constant 4.500000e+00 : f32
      %mul3A_199 = vector.broadcast %mul3A_198 : f32 to vector<16xf32>
      %mul3A_200 = arith.mulf %mul3A_199, %abs3A : vector<16xf32>
      %mul3A_201 = arith.mulf %mul3A_200, %abs3A : vector<16xf32>
      %sub3A_202 = arith.constant 0.055555556 : f32
      %sub3A_203 = vector.broadcast %sub3A_202 : f32 to vector<16xf32>
      %sub3A_204 = arith.subf %abs3A, %sub3A_203 : vector<16xf32>
      %select_n3A = arith.select %lt3A_197, %mul3A_201, %sub3A_204 : vector<16xi1>, vector<16xf32>
      %lt3A_205 = arith.constant 0.111111112 : f32
      %lt3A_206 = vector.broadcast %lt3A_205 : f32 to vector<16xf32>
      %lt3A_207 = arith.cmpf olt, %abs3A_195, %lt3A_206 : vector<16xf32>
      %mul3A_208 = arith.constant 4.500000e+00 : f32
      %mul3A_209 = vector.broadcast %mul3A_208 : f32 to vector<16xf32>
      %mul3A_210 = arith.mulf %mul3A_209, %abs3A_195 : vector<16xf32>
      %mul3A_211 = arith.mulf %mul3A_210, %abs3A_195 : vector<16xf32>
      %sub3A_212 = arith.constant 0.055555556 : f32
      %sub3A_213 = vector.broadcast %sub3A_212 : f32 to vector<16xf32>
      %sub3A_214 = arith.subf %abs3A_195, %sub3A_213 : vector<16xf32>
      %select_n3A_215 = arith.select %lt3A_207, %mul3A_211, %sub3A_214 : vector<16xi1>, vector<16xf32>
      %eq3A = arith.constant 1.000000e+00 : f32
      %eq3A_216 = vector.broadcast %eq3A : f32 to vector<16xf32>
      %eq3A_217 = arith.cmpf oeq, %gather3A, %eq3A_216 : vector<16xf32>
      %add3A_218 = arith.addf %select_n3A, %select_n3A_215 : vector<16xf32>
      %jit3A = arith.constant 0.000000e+00 : f32
      %broadcast_in_dim3A_219 = vector.broadcast %jit3A : f32 to vector<16xf32>
      %select_n3A_220 = arith.select %eq3A_217, %add3A_218, %broadcast_in_dim3A_219 : vector<16xi1>, vector<16xf32>
      %add3A_221 = arith.addf %scan3A_161, %select_n3A_220 : vector<16xf32>
      %jit3A_222 = arith.constant 1.000000e+00 : f32
      %jit3A_223 = arith.constant 0.000000e+00 : f32
      %broadcast_in_dim3A_224 = vector.broadcast %jit3A_222 : f32 to vector<16xf32>
      %broadcast_in_dim3A_225 = vector.broadcast %jit3A_223 : f32 to vector<16xf32>
      %select_n3A_226 = arith.select %eq3A_217, %broadcast_in_dim3A_224, %broadcast_in_dim3A_225 : vector<16xi1>, vector<16xf32>
      %add3A_227 = arith.addf %scan3A_162, %select_n3A_226 : vector<16xf32>
      %add3A_228 = arith.constant 48 : i32
      %add3A_229 = arith.addi %mul3A_164, %add3A_228 : i32
      %add3A_230 = arith.constant 32 : i32
      %add3A_231 = arith.addi %mul3A_166, %add3A_230 : i32
      %add3A_232 = vector.broadcast %add3A_229 : i32 to vector<16xi32>
      %add3A_233 = arith.addi %add3A_232, %mul3A_7 : vector<16xi32>
      %gather3A_234 = tpu.vector_load_idx %arg8[%add3A_233] : memref<24576xf32, #tpu.memory_space<vmem>>[vector<16xi32>], vector<16xf32>,
      %add3A_235 = arith.constant 1 : i32
      %add3A_236 = vector.broadcast %add3A_235 : i32 to vector<16xi32>
      %add3A_237 = arith.addi %mul3A_7, %add3A_236 : vector<16xi32>
      %add3A_238 = vector.broadcast %add3A_229 : i32 to vector<16xi32>
      %add3A_239 = arith.addi %add3A_238, %add3A_237 : vector<16xi32>
      %gather3A_240 = tpu.vector_load_idx %arg8[%add3A_239] : memref<24576xf32, #tpu.memory_space<vmem>>[vector<16xi32>], vector<16xf32>,
      %add3A_241 = arith.constant 2 : i32
      %add3A_242 = vector.broadcast %add3A_241 : i32 to vector<16xi32>
      %add3A_243 = arith.addi %mul3A_7, %add3A_242 : vector<16xi32>
      %add3A_244 = vector.broadcast %add3A_229 : i32 to vector<16xi32>
      %add3A_245 = arith.addi %add3A_244, %add3A_243 : vector<16xi32>
      %gather3A_246 = tpu.vector_load_idx %arg8[%add3A_245] : memref<24576xf32, #tpu.memory_space<vmem>>[vector<16xi32>], vector<16xf32>,
      %add3A_247 = vector.broadcast %add3A_231 : i32 to vector<16xi32>
      %add3A_248 = arith.addi %add3A_247, %mul3A_10 : vector<16xi32>
      %gather3A_249 = tpu.vector_load_idx %arg6[%add3A_248] : memref<16384xf32, #tpu.memory_space<vmem>>[vector<16xi32>], vector<16xf32>,
      %add3A_250 = arith.constant 1 : i32
      %add3A_251 = vector.broadcast %add3A_250 : i32 to vector<16xi32>
      %add3A_252 = arith.addi %mul3A_10, %add3A_251 : vector<16xi32>
      %add3A_253 = vector.broadcast %add3A_231 : i32 to vector<16xi32>
      %add3A_254 = arith.addi %add3A_253, %add3A_252 : vector<16xi32>
      %gather3A_255 = tpu.vector_load_idx %arg6[%add3A_254] : memref<16384xf32, #tpu.memory_space<vmem>>[vector<16xi32>], vector<16xf32>,
      %sub3A_256 = arith.subf %gather3A_240, %gather3A_249 : vector<16xf32>
      %abs3A_257 = math.absf %sub3A_256 : vector<16xf32>
      %sub3A_258 = arith.subf %gather3A_246, %gather3A_255 : vector<16xf32>
      %abs3A_259 = math.absf %sub3A_258 : vector<16xf32>
      %lt3A_260 = arith.constant 0.111111112 : f32
      %lt3A_261 = vector.broadcast %lt3A_260 : f32 to vector<16xf32>
      %lt3A_262 = arith.cmpf olt, %abs3A_257, %lt3A_261 : vector<16xf32>
      %mul3A_263 = arith.constant 4.500000e+00 : f32
      %mul3A_264 = vector.broadcast %mul3A_263 : f32 to vector<16xf32>
      %mul3A_265 = arith.mulf %mul3A_264, %abs3A_257 : vector<16xf32>
      %mul3A_266 = arith.mulf %mul3A_265, %abs3A_257 : vector<16xf32>
      %sub3A_267 = arith.constant 0.055555556 : f32
      %sub3A_268 = vector.broadcast %sub3A_267 : f32 to vector<16xf32>
      %sub3A_269 = arith.subf %abs3A_257, %sub3A_268 : vector<16xf32>
      %select_n3A_270 = arith.select %lt3A_262, %mul3A_266, %sub3A_269 : vector<16xi1>, vector<16xf32>
      %lt3A_271 = arith.constant 0.111111112 : f32
      %lt3A_272 = vector.broadcast %lt3A_271 : f32 to vector<16xf32>
      %lt3A_273 = arith.cmpf olt, %abs3A_259, %lt3A_272 : vector<16xf32>
      %mul3A_274 = arith.constant 4.500000e+00 : f32
      %mul3A_275 = vector.broadcast %mul3A_274 : f32 to vector<16xf32>
      %mul3A_276 = arith.mulf %mul3A_275, %abs3A_259 : vector<16xf32>
      %mul3A_277 = arith.mulf %mul3A_276, %abs3A_259 : vector<16xf32>
      %sub3A_278 = arith.constant 0.055555556 : f32
      %sub3A_279 = vector.broadcast %sub3A_278 : f32 to vector<16xf32>
      %sub3A_280 = arith.subf %abs3A_259, %sub3A_279 : vector<16xf32>
      %select_n3A_281 = arith.select %lt3A_273, %mul3A_277, %sub3A_280 : vector<16xi1>, vector<16xf32>
      %eq3A_282 = arith.constant 1.000000e+00 : f32
      %eq3A_283 = vector.broadcast %eq3A_282 : f32 to vector<16xf32>
      %eq3A_284 = arith.cmpf oeq, %gather3A_234, %eq3A_283 : vector<16xf32>
      %add3A_285 = arith.addf %select_n3A_270, %select_n3A_281 : vector<16xf32>
      %jit3A_286 = arith.constant 0.000000e+00 : f32
      %broadcast_in_dim3A_287 = vector.broadcast %jit3A_286 : f32 to vector<16xf32>
      %select_n3A_288 = arith.select %eq3A_284, %add3A_285, %broadcast_in_dim3A_287 : vector<16xi1>, vector<16xf32>
      %add3A_289 = arith.addf %add3A_221, %select_n3A_288 : vector<16xf32>
      %jit3A_290 = arith.constant 1.000000e+00 : f32
      %jit3A_291 = arith.constant 0.000000e+00 : f32
      %broadcast_in_dim3A_292 = vector.broadcast %jit3A_290 : f32 to vector<16xf32>
      %broadcast_in_dim3A_293 = vector.broadcast %jit3A_291 : f32 to vector<16xf32>
      %select_n3A_294 = arith.select %eq3A_284, %broadcast_in_dim3A_292, %broadcast_in_dim3A_293 : vector<16xi1>, vector<16xf32>
      %add3A_295 = arith.addf %add3A_227, %select_n3A_294 : vector<16xf32>
      %add3A_296 = arith.constant 96 : i32
      %add3A_297 = arith.addi %mul3A_164, %add3A_296 : i32
      %add3A_298 = arith.constant 64 : i32
      %add3A_299 = arith.addi %mul3A_166, %add3A_298 : i32
      %add3A_300 = vector.broadcast %add3A_297 : i32 to vector<16xi32>
      %add3A_301 = arith.addi %add3A_300, %mul3A_7 : vector<16xi32>
      %gather3A_302 = tpu.vector_load_idx %arg8[%add3A_301] : memref<24576xf32, #tpu.memory_space<vmem>>[vector<16xi32>], vector<16xf32>,
      %add3A_303 = arith.constant 1 : i32
      %add3A_304 = vector.broadcast %add3A_303 : i32 to vector<16xi32>
      %add3A_305 = arith.addi %mul3A_7, %add3A_304 : vector<16xi32>
      %add3A_306 = vector.broadcast %add3A_297 : i32 to vector<16xi32>
      %add3A_307 = arith.addi %add3A_306, %add3A_305 : vector<16xi32>
      %gather3A_308 = tpu.vector_load_idx %arg8[%add3A_307] : memref<24576xf32, #tpu.memory_space<vmem>>[vector<16xi32>], vector<16xf32>,
      %add3A_309 = arith.constant 2 : i32
      %add3A_310 = vector.broadcast %add3A_309 : i32 to vector<16xi32>
      %add3A_311 = arith.addi %mul3A_7, %add3A_310 : vector<16xi32>
      %add3A_312 = vector.broadcast %add3A_297 : i32 to vector<16xi32>
      %add3A_313 = arith.addi %add3A_312, %add3A_311 : vector<16xi32>
      %gather3A_314 = tpu.vector_load_idx %arg8[%add3A_313] : memref<24576xf32, #tpu.memory_space<vmem>>[vector<16xi32>], vector<16xf32>,
      %add3A_315 = vector.broadcast %add3A_299 : i32 to vector<16xi32>
      %add3A_316 = arith.addi %add3A_315, %mul3A_10 : vector<16xi32>
      %gather3A_317 = tpu.vector_load_idx %arg6[%add3A_316] : memref<16384xf32, #tpu.memory_space<vmem>>[vector<16xi32>], vector<16xf32>,
      %add3A_318 = arith.constant 1 : i32
      %add3A_319 = vector.broadcast %add3A_318 : i32 to vector<16xi32>
      %add3A_320 = arith.addi %mul3A_10, %add3A_319 : vector<16xi32>
      %add3A_321 = vector.broadcast %add3A_299 : i32 to vector<16xi32>
      %add3A_322 = arith.addi %add3A_321, %add3A_320 : vector<16xi32>
      %gather3A_323 = tpu.vector_load_idx %arg6[%add3A_322] : memref<16384xf32, #tpu.memory_space<vmem>>[vector<16xi32>], vector<16xf32>,
      %sub3A_324 = arith.subf %gather3A_308, %gather3A_317 : vector<16xf32>
      %abs3A_325 = math.absf %sub3A_324 : vector<16xf32>
      %sub3A_326 = arith.subf %gather3A_314, %gather3A_323 : vector<16xf32>
      %abs3A_327 = math.absf %sub3A_326 : vector<16xf32>
      %lt3A_328 = arith.constant 0.111111112 : f32
      %lt3A_329 = vector.broadcast %lt3A_328 : f32 to vector<16xf32>
      %lt3A_330 = arith.cmpf olt, %abs3A_325, %lt3A_329 : vector<16xf32>
      %mul3A_331 = arith.constant 4.500000e+00 : f32
      %mul3A_332 = vector.broadcast %mul3A_331 : f32 to vector<16xf32>
      %mul3A_333 = arith.mulf %mul3A_332, %abs3A_325 : vector<16xf32>
      %mul3A_334 = arith.mulf %mul3A_333, %abs3A_325 : vector<16xf32>
      %sub3A_335 = arith.constant 0.055555556 : f32
      %sub3A_336 = vector.broadcast %sub3A_335 : f32 to vector<16xf32>
      %sub3A_337 = arith.subf %abs3A_325, %sub3A_336 : vector<16xf32>
      %select_n3A_338 = arith.select %lt3A_330, %mul3A_334, %sub3A_337 : vector<16xi1>, vector<16xf32>
      %lt3A_339 = arith.constant 0.111111112 : f32
      %lt3A_340 = vector.broadcast %lt3A_339 : f32 to vector<16xf32>
      %lt3A_341 = arith.cmpf olt, %abs3A_327, %lt3A_340 : vector<16xf32>
      %mul3A_342 = arith.constant 4.500000e+00 : f32
      %mul3A_343 = vector.broadcast %mul3A_342 : f32 to vector<16xf32>
      %mul3A_344 = arith.mulf %mul3A_343, %abs3A_327 : vector<16xf32>
      %mul3A_345 = arith.mulf %mul3A_344, %abs3A_327 : vector<16xf32>
      %sub3A_346 = arith.constant 0.055555556 : f32
      %sub3A_347 = vector.broadcast %sub3A_346 : f32 to vector<16xf32>
      %sub3A_348 = arith.subf %abs3A_327, %sub3A_347 : vector<16xf32>
      %select_n3A_349 = arith.select %lt3A_341, %mul3A_345, %sub3A_348 : vector<16xi1>, vector<16xf32>
      %eq3A_350 = arith.constant 1.000000e+00 : f32
      %eq3A_351 = vector.broadcast %eq3A_350 : f32 to vector<16xf32>
      %eq3A_352 = arith.cmpf oeq, %gather3A_302, %eq3A_351 : vector<16xf32>
      %add3A_353 = arith.addf %select_n3A_338, %select_n3A_349 : vector<16xf32>
      %jit3A_354 = arith.constant 0.000000e+00 : f32
      %broadcast_in_dim3A_355 = vector.broadcast %jit3A_354 : f32 to vector<16xf32>
      %select_n3A_356 = arith.select %eq3A_352, %add3A_353, %broadcast_in_dim3A_355 : vector<16xi1>, vector<16xf32>
      %add3A_357 = arith.addf %add3A_289, %select_n3A_356 : vector<16xf32>
      %jit3A_358 = arith.constant 1.000000e+00 : f32
      %jit3A_359 = arith.constant 0.000000e+00 : f32
      %broadcast_in_dim3A_360 = vector.broadcast %jit3A_358 : f32 to vector<16xf32>
      %broadcast_in_dim3A_361 = vector.broadcast %jit3A_359 : f32 to vector<16xf32>
      %select_n3A_362 = arith.select %eq3A_352, %broadcast_in_dim3A_360, %broadcast_in_dim3A_361 : vector<16xi1>, vector<16xf32>
      %add3A_363 = arith.addf %add3A_295, %select_n3A_362 : vector<16xf32>
      %add3A_364 = arith.constant 144 : i32
      %add3A_365 = arith.addi %mul3A_164, %add3A_364 : i32
      %add3A_366 = arith.constant 96 : i32
      %add3A_367 = arith.addi %mul3A_166, %add3A_366 : i32
      %add3A_368 = vector.broadcast %add3A_365 : i32 to vector<16xi32>
      %add3A_369 = arith.addi %add3A_368, %mul3A_7 : vector<16xi32>
      %gather3A_370 = tpu.vector_load_idx %arg8[%add3A_369] : memref<24576xf32, #tpu.memory_space<vmem>>[vector<16xi32>], vector<16xf32>,
      %add3A_371 = arith.constant 1 : i32
      %add3A_372 = vector.broadcast %add3A_371 : i32 to vector<16xi32>
      %add3A_373 = arith.addi %mul3A_7, %add3A_372 : vector<16xi32>
      %add3A_374 = vector.broadcast %add3A_365 : i32 to vector<16xi32>
      %add3A_375 = arith.addi %add3A_374, %add3A_373 : vector<16xi32>
      %gather3A_376 = tpu.vector_load_idx %arg8[%add3A_375] : memref<24576xf32, #tpu.memory_space<vmem>>[vector<16xi32>], vector<16xf32>,
      %add3A_377 = arith.constant 2 : i32
      %add3A_378 = vector.broadcast %add3A_377 : i32 to vector<16xi32>
      %add3A_379 = arith.addi %mul3A_7, %add3A_378 : vector<16xi32>
      %add3A_380 = vector.broadcast %add3A_365 : i32 to vector<16xi32>
      %add3A_381 = arith.addi %add3A_380, %add3A_379 : vector<16xi32>
      %gather3A_382 = tpu.vector_load_idx %arg8[%add3A_381] : memref<24576xf32, #tpu.memory_space<vmem>>[vector<16xi32>], vector<16xf32>,
      %add3A_383 = vector.broadcast %add3A_367 : i32 to vector<16xi32>
      %add3A_384 = arith.addi %add3A_383, %mul3A_10 : vector<16xi32>
      %gather3A_385 = tpu.vector_load_idx %arg6[%add3A_384] : memref<16384xf32, #tpu.memory_space<vmem>>[vector<16xi32>], vector<16xf32>,
      %add3A_386 = arith.constant 1 : i32
      %add3A_387 = vector.broadcast %add3A_386 : i32 to vector<16xi32>
      %add3A_388 = arith.addi %mul3A_10, %add3A_387 : vector<16xi32>
      %add3A_389 = vector.broadcast %add3A_367 : i32 to vector<16xi32>
      %add3A_390 = arith.addi %add3A_389, %add3A_388 : vector<16xi32>
      %gather3A_391 = tpu.vector_load_idx %arg6[%add3A_390] : memref<16384xf32, #tpu.memory_space<vmem>>[vector<16xi32>], vector<16xf32>,
      %sub3A_392 = arith.subf %gather3A_376, %gather3A_385 : vector<16xf32>
      %abs3A_393 = math.absf %sub3A_392 : vector<16xf32>
      %sub3A_394 = arith.subf %gather3A_382, %gather3A_391 : vector<16xf32>
      %abs3A_395 = math.absf %sub3A_394 : vector<16xf32>
      %lt3A_396 = arith.constant 0.111111112 : f32
      %lt3A_397 = vector.broadcast %lt3A_396 : f32 to vector<16xf32>
      %lt3A_398 = arith.cmpf olt, %abs3A_393, %lt3A_397 : vector<16xf32>
      %mul3A_399 = arith.constant 4.500000e+00 : f32
      %mul3A_400 = vector.broadcast %mul3A_399 : f32 to vector<16xf32>
      %mul3A_401 = arith.mulf %mul3A_400, %abs3A_393 : vector<16xf32>
      %mul3A_402 = arith.mulf %mul3A_401, %abs3A_393 : vector<16xf32>
      %sub3A_403 = arith.constant 0.055555556 : f32
      %sub3A_404 = vector.broadcast %sub3A_403 : f32 to vector<16xf32>
      %sub3A_405 = arith.subf %abs3A_393, %sub3A_404 : vector<16xf32>
      %select_n3A_406 = arith.select %lt3A_398, %mul3A_402, %sub3A_405 : vector<16xi1>, vector<16xf32>
      %lt3A_407 = arith.constant 0.111111112 : f32
      %lt3A_408 = vector.broadcast %lt3A_407 : f32 to vector<16xf32>
      %lt3A_409 = arith.cmpf olt, %abs3A_395, %lt3A_408 : vector<16xf32>
      %mul3A_410 = arith.constant 4.500000e+00 : f32
      %mul3A_411 = vector.broadcast %mul3A_410 : f32 to vector<16xf32>
      %mul3A_412 = arith.mulf %mul3A_411, %abs3A_395 : vector<16xf32>
      %mul3A_413 = arith.mulf %mul3A_412, %abs3A_395 : vector<16xf32>
      %sub3A_414 = arith.constant 0.055555556 : f32
      %sub3A_415 = vector.broadcast %sub3A_414 : f32 to vector<16xf32>
      %sub3A_416 = arith.subf %abs3A_395, %sub3A_415 : vector<16xf32>
      %select_n3A_417 = arith.select %lt3A_409, %mul3A_413, %sub3A_416 : vector<16xi1>, vector<16xf32>
      %eq3A_418 = arith.constant 1.000000e+00 : f32
      %eq3A_419 = vector.broadcast %eq3A_418 : f32 to vector<16xf32>
      %eq3A_420 = arith.cmpf oeq, %gather3A_370, %eq3A_419 : vector<16xf32>
      %add3A_421 = arith.addf %select_n3A_406, %select_n3A_417 : vector<16xf32>
      %jit3A_422 = arith.constant 0.000000e+00 : f32
      %broadcast_in_dim3A_423 = vector.broadcast %jit3A_422 : f32 to vector<16xf32>
      %select_n3A_424 = arith.select %eq3A_420, %add3A_421, %broadcast_in_dim3A_423 : vector<16xi1>, vector<16xf32>
      %add3A_425 = arith.addf %add3A_357, %select_n3A_424 : vector<16xf32>
      %jit3A_426 = arith.constant 1.000000e+00 : f32
      %jit3A_427 = arith.constant 0.000000e+00 : f32
      %broadcast_in_dim3A_428 = vector.broadcast %jit3A_426 : f32 to vector<16xf32>
      %broadcast_in_dim3A_429 = vector.broadcast %jit3A_427 : f32 to vector<16xf32>
      %select_n3A_430 = arith.select %eq3A_420, %broadcast_in_dim3A_428, %broadcast_in_dim3A_429 : vector<16xi1>, vector<16xf32>
      %add3A_431 = arith.addf %add3A_363, %select_n3A_430 : vector<16xf32>
      scf.yield %add3A_425, %add3A_431 : vector<16xf32>, vector<16xf32>
    }
    %scan3A_54 = arith.constant 128 : i32
    %add3A_55 = arith.constant 49152 : i32
    %add3A_56 = arith.addi %mul3A_2, %add3A_55 : i32
    %dma_start3A_57 = tpu.memref_slice %arg2[%add3A_56] : memref<4194304xf32, #tpu.memory_space<hbm>> -> memref<16384xf32, #tpu.memory_space<hbm>>
    %dma_start3A_58 = tpu.memref_slice %arg2[%add3A_56] : memref<4194304xf32, #tpu.memory_space<hbm>> -> memref<16384xf32, #tpu.memory_space<hbm>>
    tpu.enqueue_dma source(%dma_start3A_58 : memref<16384xf32, #tpu.memory_space<hbm>>) target(%arg6 : memref<16384xf32, #tpu.memory_space<vmem>>) target_semaphore(%arg12 : memref<!tpu.dma_semaphore, #tpu.memory_space<semaphore_mem>>)
    %add3A_59 = arith.constant 73728 : i32
    %add3A_60 = arith.addi %mul3A_4, %add3A_59 : i32
    %dma_start3A_61 = tpu.memref_slice %arg3[%add3A_60] : memref<6291456xf32, #tpu.memory_space<hbm>> -> memref<24576xf32, #tpu.memory_space<hbm>>
    %dma_start3A_62 = tpu.memref_slice %arg3[%add3A_60] : memref<6291456xf32, #tpu.memory_space<hbm>> -> memref<24576xf32, #tpu.memory_space<hbm>>
    tpu.enqueue_dma source(%dma_start3A_62 : memref<24576xf32, #tpu.memory_space<hbm>>) target(%arg8 : memref<24576xf32, #tpu.memory_space<vmem>>) target_semaphore(%arg12 : memref<!tpu.dma_semaphore, #tpu.memory_space<semaphore_mem>>)
    %dma_wait3A_63 = tpu.memref_slice %arg2[%add3A_38] : memref<4194304xf32, #tpu.memory_space<hbm>> -> memref<16384xf32, #tpu.memory_space<hbm>>
    %dma_wait3A_64 = tpu.memref_slice %arg2[%add3A_38] : memref<4194304xf32, #tpu.memory_space<hbm>> -> memref<16384xf32, #tpu.memory_space<hbm>>
    tpu.wait_dma2 semaphore(%arg11 : memref<!tpu.dma_semaphore, #tpu.memory_space<semaphore_mem>>) src(%dma_wait3A_64 : memref<16384xf32, #tpu.memory_space<hbm>>) dst(%arg5 : memref<16384xf32, #tpu.memory_space<vmem>>)
    %dma_wait3A_65 = tpu.memref_slice %arg3[%add3A_42] : memref<6291456xf32, #tpu.memory_space<hbm>> -> memref<24576xf32, #tpu.memory_space<hbm>>
    %dma_wait3A_66 = tpu.memref_slice %arg3[%add3A_42] : memref<6291456xf32, #tpu.memory_space<hbm>> -> memref<24576xf32, #tpu.memory_space<hbm>>
    tpu.wait_dma2 semaphore(%arg11 : memref<!tpu.dma_semaphore, #tpu.memory_space<semaphore_mem>>) src(%dma_wait3A_66 : memref<24576xf32, #tpu.memory_space<hbm>>) dst(%arg7 : memref<24576xf32, #tpu.memory_space<vmem>>)
    %scan3A_67 = arith.constant 0 : i32
    %scan3A_68 = arith.constant 128 : i32
    %scan3A_69 = arith.addi %scan3A_67, %scan3A_68 : i32
    %scan3A_70 = arith.constant 1 : i32
    %scan3A_71:2 = scf.for %scan3A_160 = %scan3A_67 to %scan3A_69 step %scan3A_70 iter_args(%scan3A_161 = %scan3A_53#0, %scan3A_162 = %scan3A_53#1) -> (vector<16xf32>, vector<16xf32>)  : i32 {
      %mul3A_163 = arith.constant 192 : i32
      %mul3A_164 = arith.muli %scan3A_160, %mul3A_163 : i32
      %mul3A_165 = arith.constant 128 : i32
      %mul3A_166 = arith.muli %scan3A_160, %mul3A_165 : i32
      %add3A_167 = arith.constant 0 : i32
      %add3A_168 = arith.addi %mul3A_164, %add3A_167 : i32
      %add3A_169 = arith.constant 0 : i32
      %add3A_170 = arith.addi %mul3A_166, %add3A_169 : i32
      %add3A_171 = vector.broadcast %add3A_168 : i32 to vector<16xi32>
      %add3A_172 = arith.addi %add3A_171, %mul3A_7 : vector<16xi32>
      %gather3A = tpu.vector_load_idx %arg7[%add3A_172] : memref<24576xf32, #tpu.memory_space<vmem>>[vector<16xi32>], vector<16xf32>,
      %add3A_173 = arith.constant 1 : i32
      %add3A_174 = vector.broadcast %add3A_173 : i32 to vector<16xi32>
      %add3A_175 = arith.addi %mul3A_7, %add3A_174 : vector<16xi32>
      %add3A_176 = vector.broadcast %add3A_168 : i32 to vector<16xi32>
      %add3A_177 = arith.addi %add3A_176, %add3A_175 : vector<16xi32>
      %gather3A_178 = tpu.vector_load_idx %arg7[%add3A_177] : memref<24576xf32, #tpu.memory_space<vmem>>[vector<16xi32>], vector<16xf32>,
      %add3A_179 = arith.constant 2 : i32
      %add3A_180 = vector.broadcast %add3A_179 : i32 to vector<16xi32>
      %add3A_181 = arith.addi %mul3A_7, %add3A_180 : vector<16xi32>
      %add3A_182 = vector.broadcast %add3A_168 : i32 to vector<16xi32>
      %add3A_183 = arith.addi %add3A_182, %add3A_181 : vector<16xi32>
      %gather3A_184 = tpu.vector_load_idx %arg7[%add3A_183] : memref<24576xf32, #tpu.memory_space<vmem>>[vector<16xi32>], vector<16xf32>,
      %add3A_185 = vector.broadcast %add3A_170 : i32 to vector<16xi32>
      %add3A_186 = arith.addi %add3A_185, %mul3A_10 : vector<16xi32>
      %gather3A_187 = tpu.vector_load_idx %arg5[%add3A_186] : memref<16384xf32, #tpu.memory_space<vmem>>[vector<16xi32>], vector<16xf32>,
      %add3A_188 = arith.constant 1 : i32
      %add3A_189 = vector.broadcast %add3A_188 : i32 to vector<16xi32>
      %add3A_190 = arith.addi %mul3A_10, %add3A_189 : vector<16xi32>
      %add3A_191 = vector.broadcast %add3A_170 : i32 to vector<16xi32>
      %add3A_192 = arith.addi %add3A_191, %add3A_190 : vector<16xi32>
      %gather3A_193 = tpu.vector_load_idx %arg5[%add3A_192] : memref<16384xf32, #tpu.memory_space<vmem>>[vector<16xi32>], vector<16xf32>,
      %sub3A = arith.subf %gather3A_178, %gather3A_187 : vector<16xf32>
      %abs3A = math.absf %sub3A : vector<16xf32>
      %sub3A_194 = arith.subf %gather3A_184, %gather3A_193 : vector<16xf32>
      %abs3A_195 = math.absf %sub3A_194 : vector<16xf32>
      %lt3A = arith.constant 0.111111112 : f32
      %lt3A_196 = vector.broadcast %lt3A : f32 to vector<16xf32>
      %lt3A_197 = arith.cmpf olt, %abs3A, %lt3A_196 : vector<16xf32>
      %mul3A_198 = arith.constant 4.500000e+00 : f32
      %mul3A_199 = vector.broadcast %mul3A_198 : f32 to vector<16xf32>
      %mul3A_200 = arith.mulf %mul3A_199, %abs3A : vector<16xf32>
      %mul3A_201 = arith.mulf %mul3A_200, %abs3A : vector<16xf32>
      %sub3A_202 = arith.constant 0.055555556 : f32
      %sub3A_203 = vector.broadcast %sub3A_202 : f32 to vector<16xf32>
      %sub3A_204 = arith.subf %abs3A, %sub3A_203 : vector<16xf32>
      %select_n3A = arith.select %lt3A_197, %mul3A_201, %sub3A_204 : vector<16xi1>, vector<16xf32>
      %lt3A_205 = arith.constant 0.111111112 : f32
      %lt3A_206 = vector.broadcast %lt3A_205 : f32 to vector<16xf32>
      %lt3A_207 = arith.cmpf olt, %abs3A_195, %lt3A_206 : vector<16xf32>
      %mul3A_208 = arith.constant 4.500000e+00 : f32
      %mul3A_209 = vector.broadcast %mul3A_208 : f32 to vector<16xf32>
      %mul3A_210 = arith.mulf %mul3A_209, %abs3A_195 : vector<16xf32>
      %mul3A_211 = arith.mulf %mul3A_210, %abs3A_195 : vector<16xf32>
      %sub3A_212 = arith.constant 0.055555556 : f32
      %sub3A_213 = vector.broadcast %sub3A_212 : f32 to vector<16xf32>
      %sub3A_214 = arith.subf %abs3A_195, %sub3A_213 : vector<16xf32>
      %select_n3A_215 = arith.select %lt3A_207, %mul3A_211, %sub3A_214 : vector<16xi1>, vector<16xf32>
      %eq3A = arith.constant 1.000000e+00 : f32
      %eq3A_216 = vector.broadcast %eq3A : f32 to vector<16xf32>
      %eq3A_217 = arith.cmpf oeq, %gather3A, %eq3A_216 : vector<16xf32>
      %add3A_218 = arith.addf %select_n3A, %select_n3A_215 : vector<16xf32>
      %jit3A = arith.constant 0.000000e+00 : f32
      %broadcast_in_dim3A_219 = vector.broadcast %jit3A : f32 to vector<16xf32>
      %select_n3A_220 = arith.select %eq3A_217, %add3A_218, %broadcast_in_dim3A_219 : vector<16xi1>, vector<16xf32>
      %add3A_221 = arith.addf %scan3A_161, %select_n3A_220 : vector<16xf32>
      %jit3A_222 = arith.constant 1.000000e+00 : f32
      %jit3A_223 = arith.constant 0.000000e+00 : f32
      %broadcast_in_dim3A_224 = vector.broadcast %jit3A_222 : f32 to vector<16xf32>
      %broadcast_in_dim3A_225 = vector.broadcast %jit3A_223 : f32 to vector<16xf32>
      %select_n3A_226 = arith.select %eq3A_217, %broadcast_in_dim3A_224, %broadcast_in_dim3A_225 : vector<16xi1>, vector<16xf32>
      %add3A_227 = arith.addf %scan3A_162, %select_n3A_226 : vector<16xf32>
      %add3A_228 = arith.constant 48 : i32
      %add3A_229 = arith.addi %mul3A_164, %add3A_228 : i32
      %add3A_230 = arith.constant 32 : i32
      %add3A_231 = arith.addi %mul3A_166, %add3A_230 : i32
      %add3A_232 = vector.broadcast %add3A_229 : i32 to vector<16xi32>
      %add3A_233 = arith.addi %add3A_232, %mul3A_7 : vector<16xi32>
      %gather3A_234 = tpu.vector_load_idx %arg7[%add3A_233] : memref<24576xf32, #tpu.memory_space<vmem>>[vector<16xi32>], vector<16xf32>,
      %add3A_235 = arith.constant 1 : i32
      %add3A_236 = vector.broadcast %add3A_235 : i32 to vector<16xi32>
      %add3A_237 = arith.addi %mul3A_7, %add3A_236 : vector<16xi32>
      %add3A_238 = vector.broadcast %add3A_229 : i32 to vector<16xi32>
      %add3A_239 = arith.addi %add3A_238, %add3A_237 : vector<16xi32>
      %gather3A_240 = tpu.vector_load_idx %arg7[%add3A_239] : memref<24576xf32, #tpu.memory_space<vmem>>[vector<16xi32>], vector<16xf32>,
      %add3A_241 = arith.constant 2 : i32
      %add3A_242 = vector.broadcast %add3A_241 : i32 to vector<16xi32>
      %add3A_243 = arith.addi %mul3A_7, %add3A_242 : vector<16xi32>
      %add3A_244 = vector.broadcast %add3A_229 : i32 to vector<16xi32>
      %add3A_245 = arith.addi %add3A_244, %add3A_243 : vector<16xi32>
      %gather3A_246 = tpu.vector_load_idx %arg7[%add3A_245] : memref<24576xf32, #tpu.memory_space<vmem>>[vector<16xi32>], vector<16xf32>,
      %add3A_247 = vector.broadcast %add3A_231 : i32 to vector<16xi32>
      %add3A_248 = arith.addi %add3A_247, %mul3A_10 : vector<16xi32>
      %gather3A_249 = tpu.vector_load_idx %arg5[%add3A_248] : memref<16384xf32, #tpu.memory_space<vmem>>[vector<16xi32>], vector<16xf32>,
      %add3A_250 = arith.constant 1 : i32
      %add3A_251 = vector.broadcast %add3A_250 : i32 to vector<16xi32>
      %add3A_252 = arith.addi %mul3A_10, %add3A_251 : vector<16xi32>
      %add3A_253 = vector.broadcast %add3A_231 : i32 to vector<16xi32>
      %add3A_254 = arith.addi %add3A_253, %add3A_252 : vector<16xi32>
      %gather3A_255 = tpu.vector_load_idx %arg5[%add3A_254] : memref<16384xf32, #tpu.memory_space<vmem>>[vector<16xi32>], vector<16xf32>,
      %sub3A_256 = arith.subf %gather3A_240, %gather3A_249 : vector<16xf32>
      %abs3A_257 = math.absf %sub3A_256 : vector<16xf32>
      %sub3A_258 = arith.subf %gather3A_246, %gather3A_255 : vector<16xf32>
      %abs3A_259 = math.absf %sub3A_258 : vector<16xf32>
      %lt3A_260 = arith.constant 0.111111112 : f32
      %lt3A_261 = vector.broadcast %lt3A_260 : f32 to vector<16xf32>
      %lt3A_262 = arith.cmpf olt, %abs3A_257, %lt3A_261 : vector<16xf32>
      %mul3A_263 = arith.constant 4.500000e+00 : f32
      %mul3A_264 = vector.broadcast %mul3A_263 : f32 to vector<16xf32>
      %mul3A_265 = arith.mulf %mul3A_264, %abs3A_257 : vector<16xf32>
      %mul3A_266 = arith.mulf %mul3A_265, %abs3A_257 : vector<16xf32>
      %sub3A_267 = arith.constant 0.055555556 : f32
      %sub3A_268 = vector.broadcast %sub3A_267 : f32 to vector<16xf32>
      %sub3A_269 = arith.subf %abs3A_257, %sub3A_268 : vector<16xf32>
      %select_n3A_270 = arith.select %lt3A_262, %mul3A_266, %sub3A_269 : vector<16xi1>, vector<16xf32>
      %lt3A_271 = arith.constant 0.111111112 : f32
      %lt3A_272 = vector.broadcast %lt3A_271 : f32 to vector<16xf32>
      %lt3A_273 = arith.cmpf olt, %abs3A_259, %lt3A_272 : vector<16xf32>
      %mul3A_274 = arith.constant 4.500000e+00 : f32
      %mul3A_275 = vector.broadcast %mul3A_274 : f32 to vector<16xf32>
      %mul3A_276 = arith.mulf %mul3A_275, %abs3A_259 : vector<16xf32>
      %mul3A_277 = arith.mulf %mul3A_276, %abs3A_259 : vector<16xf32>
      %sub3A_278 = arith.constant 0.055555556 : f32
      %sub3A_279 = vector.broadcast %sub3A_278 : f32 to vector<16xf32>
      %sub3A_280 = arith.subf %abs3A_259, %sub3A_279 : vector<16xf32>
      %select_n3A_281 = arith.select %lt3A_273, %mul3A_277, %sub3A_280 : vector<16xi1>, vector<16xf32>
      %eq3A_282 = arith.constant 1.000000e+00 : f32
      %eq3A_283 = vector.broadcast %eq3A_282 : f32 to vector<16xf32>
      %eq3A_284 = arith.cmpf oeq, %gather3A_234, %eq3A_283 : vector<16xf32>
      %add3A_285 = arith.addf %select_n3A_270, %select_n3A_281 : vector<16xf32>
      %jit3A_286 = arith.constant 0.000000e+00 : f32
      %broadcast_in_dim3A_287 = vector.broadcast %jit3A_286 : f32 to vector<16xf32>
      %select_n3A_288 = arith.select %eq3A_284, %add3A_285, %broadcast_in_dim3A_287 : vector<16xi1>, vector<16xf32>
      %add3A_289 = arith.addf %add3A_221, %select_n3A_288 : vector<16xf32>
      %jit3A_290 = arith.constant 1.000000e+00 : f32
      %jit3A_291 = arith.constant 0.000000e+00 : f32
      %broadcast_in_dim3A_292 = vector.broadcast %jit3A_290 : f32 to vector<16xf32>
      %broadcast_in_dim3A_293 = vector.broadcast %jit3A_291 : f32 to vector<16xf32>
      %select_n3A_294 = arith.select %eq3A_284, %broadcast_in_dim3A_292, %broadcast_in_dim3A_293 : vector<16xi1>, vector<16xf32>
      %add3A_295 = arith.addf %add3A_227, %select_n3A_294 : vector<16xf32>
      %add3A_296 = arith.constant 96 : i32
      %add3A_297 = arith.addi %mul3A_164, %add3A_296 : i32
      %add3A_298 = arith.constant 64 : i32
      %add3A_299 = arith.addi %mul3A_166, %add3A_298 : i32
      %add3A_300 = vector.broadcast %add3A_297 : i32 to vector<16xi32>
      %add3A_301 = arith.addi %add3A_300, %mul3A_7 : vector<16xi32>
      %gather3A_302 = tpu.vector_load_idx %arg7[%add3A_301] : memref<24576xf32, #tpu.memory_space<vmem>>[vector<16xi32>], vector<16xf32>,
      %add3A_303 = arith.constant 1 : i32
      %add3A_304 = vector.broadcast %add3A_303 : i32 to vector<16xi32>
      %add3A_305 = arith.addi %mul3A_7, %add3A_304 : vector<16xi32>
      %add3A_306 = vector.broadcast %add3A_297 : i32 to vector<16xi32>
      %add3A_307 = arith.addi %add3A_306, %add3A_305 : vector<16xi32>
      %gather3A_308 = tpu.vector_load_idx %arg7[%add3A_307] : memref<24576xf32, #tpu.memory_space<vmem>>[vector<16xi32>], vector<16xf32>,
      %add3A_309 = arith.constant 2 : i32
      %add3A_310 = vector.broadcast %add3A_309 : i32 to vector<16xi32>
      %add3A_311 = arith.addi %mul3A_7, %add3A_310 : vector<16xi32>
      %add3A_312 = vector.broadcast %add3A_297 : i32 to vector<16xi32>
      %add3A_313 = arith.addi %add3A_312, %add3A_311 : vector<16xi32>
      %gather3A_314 = tpu.vector_load_idx %arg7[%add3A_313] : memref<24576xf32, #tpu.memory_space<vmem>>[vector<16xi32>], vector<16xf32>,
      %add3A_315 = vector.broadcast %add3A_299 : i32 to vector<16xi32>
      %add3A_316 = arith.addi %add3A_315, %mul3A_10 : vector<16xi32>
      %gather3A_317 = tpu.vector_load_idx %arg5[%add3A_316] : memref<16384xf32, #tpu.memory_space<vmem>>[vector<16xi32>], vector<16xf32>,
      %add3A_318 = arith.constant 1 : i32
      %add3A_319 = vector.broadcast %add3A_318 : i32 to vector<16xi32>
      %add3A_320 = arith.addi %mul3A_10, %add3A_319 : vector<16xi32>
      %add3A_321 = vector.broadcast %add3A_299 : i32 to vector<16xi32>
      %add3A_322 = arith.addi %add3A_321, %add3A_320 : vector<16xi32>
      %gather3A_323 = tpu.vector_load_idx %arg5[%add3A_322] : memref<16384xf32, #tpu.memory_space<vmem>>[vector<16xi32>], vector<16xf32>,
      %sub3A_324 = arith.subf %gather3A_308, %gather3A_317 : vector<16xf32>
      %abs3A_325 = math.absf %sub3A_324 : vector<16xf32>
      %sub3A_326 = arith.subf %gather3A_314, %gather3A_323 : vector<16xf32>
      %abs3A_327 = math.absf %sub3A_326 : vector<16xf32>
      %lt3A_328 = arith.constant 0.111111112 : f32
      %lt3A_329 = vector.broadcast %lt3A_328 : f32 to vector<16xf32>
      %lt3A_330 = arith.cmpf olt, %abs3A_325, %lt3A_329 : vector<16xf32>
      %mul3A_331 = arith.constant 4.500000e+00 : f32
      %mul3A_332 = vector.broadcast %mul3A_331 : f32 to vector<16xf32>
      %mul3A_333 = arith.mulf %mul3A_332, %abs3A_325 : vector<16xf32>
      %mul3A_334 = arith.mulf %mul3A_333, %abs3A_325 : vector<16xf32>
      %sub3A_335 = arith.constant 0.055555556 : f32
      %sub3A_336 = vector.broadcast %sub3A_335 : f32 to vector<16xf32>
      %sub3A_337 = arith.subf %abs3A_325, %sub3A_336 : vector<16xf32>
      %select_n3A_338 = arith.select %lt3A_330, %mul3A_334, %sub3A_337 : vector<16xi1>, vector<16xf32>
      %lt3A_339 = arith.constant 0.111111112 : f32
      %lt3A_340 = vector.broadcast %lt3A_339 : f32 to vector<16xf32>
      %lt3A_341 = arith.cmpf olt, %abs3A_327, %lt3A_340 : vector<16xf32>
      %mul3A_342 = arith.constant 4.500000e+00 : f32
      %mul3A_343 = vector.broadcast %mul3A_342 : f32 to vector<16xf32>
      %mul3A_344 = arith.mulf %mul3A_343, %abs3A_327 : vector<16xf32>
      %mul3A_345 = arith.mulf %mul3A_344, %abs3A_327 : vector<16xf32>
      %sub3A_346 = arith.constant 0.055555556 : f32
      %sub3A_347 = vector.broadcast %sub3A_346 : f32 to vector<16xf32>
      %sub3A_348 = arith.subf %abs3A_327, %sub3A_347 : vector<16xf32>
      %select_n3A_349 = arith.select %lt3A_341, %mul3A_345, %sub3A_348 : vector<16xi1>, vector<16xf32>
      %eq3A_350 = arith.constant 1.000000e+00 : f32
      %eq3A_351 = vector.broadcast %eq3A_350 : f32 to vector<16xf32>
      %eq3A_352 = arith.cmpf oeq, %gather3A_302, %eq3A_351 : vector<16xf32>
      %add3A_353 = arith.addf %select_n3A_338, %select_n3A_349 : vector<16xf32>
      %jit3A_354 = arith.constant 0.000000e+00 : f32
      %broadcast_in_dim3A_355 = vector.broadcast %jit3A_354 : f32 to vector<16xf32>
      %select_n3A_356 = arith.select %eq3A_352, %add3A_353, %broadcast_in_dim3A_355 : vector<16xi1>, vector<16xf32>
      %add3A_357 = arith.addf %add3A_289, %select_n3A_356 : vector<16xf32>
      %jit3A_358 = arith.constant 1.000000e+00 : f32
      %jit3A_359 = arith.constant 0.000000e+00 : f32
      %broadcast_in_dim3A_360 = vector.broadcast %jit3A_358 : f32 to vector<16xf32>
      %broadcast_in_dim3A_361 = vector.broadcast %jit3A_359 : f32 to vector<16xf32>
      %select_n3A_362 = arith.select %eq3A_352, %broadcast_in_dim3A_360, %broadcast_in_dim3A_361 : vector<16xi1>, vector<16xf32>
      %add3A_363 = arith.addf %add3A_295, %select_n3A_362 : vector<16xf32>
      %add3A_364 = arith.constant 144 : i32
      %add3A_365 = arith.addi %mul3A_164, %add3A_364 : i32
      %add3A_366 = arith.constant 96 : i32
      %add3A_367 = arith.addi %mul3A_166, %add3A_366 : i32
      %add3A_368 = vector.broadcast %add3A_365 : i32 to vector<16xi32>
      %add3A_369 = arith.addi %add3A_368, %mul3A_7 : vector<16xi32>
      %gather3A_370 = tpu.vector_load_idx %arg7[%add3A_369] : memref<24576xf32, #tpu.memory_space<vmem>>[vector<16xi32>], vector<16xf32>,
      %add3A_371 = arith.constant 1 : i32
      %add3A_372 = vector.broadcast %add3A_371 : i32 to vector<16xi32>
      %add3A_373 = arith.addi %mul3A_7, %add3A_372 : vector<16xi32>
      %add3A_374 = vector.broadcast %add3A_365 : i32 to vector<16xi32>
      %add3A_375 = arith.addi %add3A_374, %add3A_373 : vector<16xi32>
      %gather3A_376 = tpu.vector_load_idx %arg7[%add3A_375] : memref<24576xf32, #tpu.memory_space<vmem>>[vector<16xi32>], vector<16xf32>,
      %add3A_377 = arith.constant 2 : i32
      %add3A_378 = vector.broadcast %add3A_377 : i32 to vector<16xi32>
      %add3A_379 = arith.addi %mul3A_7, %add3A_378 : vector<16xi32>
      %add3A_380 = vector.broadcast %add3A_365 : i32 to vector<16xi32>
      %add3A_381 = arith.addi %add3A_380, %add3A_379 : vector<16xi32>
      %gather3A_382 = tpu.vector_load_idx %arg7[%add3A_381] : memref<24576xf32, #tpu.memory_space<vmem>>[vector<16xi32>], vector<16xf32>,
      %add3A_383 = vector.broadcast %add3A_367 : i32 to vector<16xi32>
      %add3A_384 = arith.addi %add3A_383, %mul3A_10 : vector<16xi32>
      %gather3A_385 = tpu.vector_load_idx %arg5[%add3A_384] : memref<16384xf32, #tpu.memory_space<vmem>>[vector<16xi32>], vector<16xf32>,
      %add3A_386 = arith.constant 1 : i32
      %add3A_387 = vector.broadcast %add3A_386 : i32 to vector<16xi32>
      %add3A_388 = arith.addi %mul3A_10, %add3A_387 : vector<16xi32>
      %add3A_389 = vector.broadcast %add3A_367 : i32 to vector<16xi32>
      %add3A_390 = arith.addi %add3A_389, %add3A_388 : vector<16xi32>
      %gather3A_391 = tpu.vector_load_idx %arg5[%add3A_390] : memref<16384xf32, #tpu.memory_space<vmem>>[vector<16xi32>], vector<16xf32>,
      %sub3A_392 = arith.subf %gather3A_376, %gather3A_385 : vector<16xf32>
      %abs3A_393 = math.absf %sub3A_392 : vector<16xf32>
      %sub3A_394 = arith.subf %gather3A_382, %gather3A_391 : vector<16xf32>
      %abs3A_395 = math.absf %sub3A_394 : vector<16xf32>
      %lt3A_396 = arith.constant 0.111111112 : f32
      %lt3A_397 = vector.broadcast %lt3A_396 : f32 to vector<16xf32>
      %lt3A_398 = arith.cmpf olt, %abs3A_393, %lt3A_397 : vector<16xf32>
      %mul3A_399 = arith.constant 4.500000e+00 : f32
      %mul3A_400 = vector.broadcast %mul3A_399 : f32 to vector<16xf32>
      %mul3A_401 = arith.mulf %mul3A_400, %abs3A_393 : vector<16xf32>
      %mul3A_402 = arith.mulf %mul3A_401, %abs3A_393 : vector<16xf32>
      %sub3A_403 = arith.constant 0.055555556 : f32
      %sub3A_404 = vector.broadcast %sub3A_403 : f32 to vector<16xf32>
      %sub3A_405 = arith.subf %abs3A_393, %sub3A_404 : vector<16xf32>
      %select_n3A_406 = arith.select %lt3A_398, %mul3A_402, %sub3A_405 : vector<16xi1>, vector<16xf32>
      %lt3A_407 = arith.constant 0.111111112 : f32
      %lt3A_408 = vector.broadcast %lt3A_407 : f32 to vector<16xf32>
      %lt3A_409 = arith.cmpf olt, %abs3A_395, %lt3A_408 : vector<16xf32>
      %mul3A_410 = arith.constant 4.500000e+00 : f32
      %mul3A_411 = vector.broadcast %mul3A_410 : f32 to vector<16xf32>
      %mul3A_412 = arith.mulf %mul3A_411, %abs3A_395 : vector<16xf32>
      %mul3A_413 = arith.mulf %mul3A_412, %abs3A_395 : vector<16xf32>
      %sub3A_414 = arith.constant 0.055555556 : f32
      %sub3A_415 = vector.broadcast %sub3A_414 : f32 to vector<16xf32>
      %sub3A_416 = arith.subf %abs3A_395, %sub3A_415 : vector<16xf32>
      %select_n3A_417 = arith.select %lt3A_409, %mul3A_413, %sub3A_416 : vector<16xi1>, vector<16xf32>
      %eq3A_418 = arith.constant 1.000000e+00 : f32
      %eq3A_419 = vector.broadcast %eq3A_418 : f32 to vector<16xf32>
      %eq3A_420 = arith.cmpf oeq, %gather3A_370, %eq3A_419 : vector<16xf32>
      %add3A_421 = arith.addf %select_n3A_406, %select_n3A_417 : vector<16xf32>
      %jit3A_422 = arith.constant 0.000000e+00 : f32
      %broadcast_in_dim3A_423 = vector.broadcast %jit3A_422 : f32 to vector<16xf32>
      %select_n3A_424 = arith.select %eq3A_420, %add3A_421, %broadcast_in_dim3A_423 : vector<16xi1>, vector<16xf32>
      %add3A_425 = arith.addf %add3A_357, %select_n3A_424 : vector<16xf32>
      %jit3A_426 = arith.constant 1.000000e+00 : f32
      %jit3A_427 = arith.constant 0.000000e+00 : f32
      %broadcast_in_dim3A_428 = vector.broadcast %jit3A_426 : f32 to vector<16xf32>
      %broadcast_in_dim3A_429 = vector.broadcast %jit3A_427 : f32 to vector<16xf32>
      %select_n3A_430 = arith.select %eq3A_420, %broadcast_in_dim3A_428, %broadcast_in_dim3A_429 : vector<16xi1>, vector<16xf32>
      %add3A_431 = arith.addf %add3A_363, %select_n3A_430 : vector<16xf32>
      scf.yield %add3A_425, %add3A_431 : vector<16xf32>, vector<16xf32>
    }
    %scan3A_72 = arith.constant 128 : i32
    %add3A_73 = arith.constant 65536 : i32
    %add3A_74 = arith.addi %mul3A_2, %add3A_73 : i32
    %dma_start3A_75 = tpu.memref_slice %arg2[%add3A_74] : memref<4194304xf32, #tpu.memory_space<hbm>> -> memref<16384xf32, #tpu.memory_space<hbm>>
    %dma_start3A_76 = tpu.memref_slice %arg2[%add3A_74] : memref<4194304xf32, #tpu.memory_space<hbm>> -> memref<16384xf32, #tpu.memory_space<hbm>>
    tpu.enqueue_dma source(%dma_start3A_76 : memref<16384xf32, #tpu.memory_space<hbm>>) target(%arg5 : memref<16384xf32, #tpu.memory_space<vmem>>) target_semaphore(%arg11 : memref<!tpu.dma_semaphore, #tpu.memory_space<semaphore_mem>>)
    %add3A_77 = arith.constant 98304 : i32
    %add3A_78 = arith.addi %mul3A_4, %add3A_77 : i32
    %dma_start3A_79 = tpu.memref_slice %arg3[%add3A_78] : memref<6291456xf32, #tpu.memory_space<hbm>> -> memref<24576xf32, #tpu.memory_space<hbm>>
    %dma_start3A_80 = tpu.memref_slice %arg3[%add3A_78] : memref<6291456xf32, #tpu.memory_space<hbm>> -> memref<24576xf32, #tpu.memory_space<hbm>>
    tpu.enqueue_dma source(%dma_start3A_80 : memref<24576xf32, #tpu.memory_space<hbm>>) target(%arg7 : memref<24576xf32, #tpu.memory_space<vmem>>) target_semaphore(%arg11 : memref<!tpu.dma_semaphore, #tpu.memory_space<semaphore_mem>>)
    %dma_wait3A_81 = tpu.memref_slice %arg2[%add3A_56] : memref<4194304xf32, #tpu.memory_space<hbm>> -> memref<16384xf32, #tpu.memory_space<hbm>>
    %dma_wait3A_82 = tpu.memref_slice %arg2[%add3A_56] : memref<4194304xf32, #tpu.memory_space<hbm>> -> memref<16384xf32, #tpu.memory_space<hbm>>
    tpu.wait_dma2 semaphore(%arg12 : memref<!tpu.dma_semaphore, #tpu.memory_space<semaphore_mem>>) src(%dma_wait3A_82 : memref<16384xf32, #tpu.memory_space<hbm>>) dst(%arg6 : memref<16384xf32, #tpu.memory_space<vmem>>)
    %dma_wait3A_83 = tpu.memref_slice %arg3[%add3A_60] : memref<6291456xf32, #tpu.memory_space<hbm>> -> memref<24576xf32, #tpu.memory_space<hbm>>
    %dma_wait3A_84 = tpu.memref_slice %arg3[%add3A_60] : memref<6291456xf32, #tpu.memory_space<hbm>> -> memref<24576xf32, #tpu.memory_space<hbm>>
    tpu.wait_dma2 semaphore(%arg12 : memref<!tpu.dma_semaphore, #tpu.memory_space<semaphore_mem>>) src(%dma_wait3A_84 : memref<24576xf32, #tpu.memory_space<hbm>>) dst(%arg8 : memref<24576xf32, #tpu.memory_space<vmem>>)
    %scan3A_85 = arith.constant 0 : i32
    %scan3A_86 = arith.constant 128 : i32
    %scan3A_87 = arith.addi %scan3A_85, %scan3A_86 : i32
    %scan3A_88 = arith.constant 1 : i32
    %scan3A_89:2 = scf.for %scan3A_160 = %scan3A_85 to %scan3A_87 step %scan3A_88 iter_args(%scan3A_161 = %scan3A_71#0, %scan3A_162 = %scan3A_71#1) -> (vector<16xf32>, vector<16xf32>)  : i32 {
      %mul3A_163 = arith.constant 192 : i32
      %mul3A_164 = arith.muli %scan3A_160, %mul3A_163 : i32
      %mul3A_165 = arith.constant 128 : i32
      %mul3A_166 = arith.muli %scan3A_160, %mul3A_165 : i32
      %add3A_167 = arith.constant 0 : i32
      %add3A_168 = arith.addi %mul3A_164, %add3A_167 : i32
      %add3A_169 = arith.constant 0 : i32
      %add3A_170 = arith.addi %mul3A_166, %add3A_169 : i32
      %add3A_171 = vector.broadcast %add3A_168 : i32 to vector<16xi32>
      %add3A_172 = arith.addi %add3A_171, %mul3A_7 : vector<16xi32>
      %gather3A = tpu.vector_load_idx %arg8[%add3A_172] : memref<24576xf32, #tpu.memory_space<vmem>>[vector<16xi32>], vector<16xf32>,
      %add3A_173 = arith.constant 1 : i32
      %add3A_174 = vector.broadcast %add3A_173 : i32 to vector<16xi32>
      %add3A_175 = arith.addi %mul3A_7, %add3A_174 : vector<16xi32>
      %add3A_176 = vector.broadcast %add3A_168 : i32 to vector<16xi32>
      %add3A_177 = arith.addi %add3A_176, %add3A_175 : vector<16xi32>
      %gather3A_178 = tpu.vector_load_idx %arg8[%add3A_177] : memref<24576xf32, #tpu.memory_space<vmem>>[vector<16xi32>], vector<16xf32>,
      %add3A_179 = arith.constant 2 : i32
      %add3A_180 = vector.broadcast %add3A_179 : i32 to vector<16xi32>
      %add3A_181 = arith.addi %mul3A_7, %add3A_180 : vector<16xi32>
      %add3A_182 = vector.broadcast %add3A_168 : i32 to vector<16xi32>
      %add3A_183 = arith.addi %add3A_182, %add3A_181 : vector<16xi32>
      %gather3A_184 = tpu.vector_load_idx %arg8[%add3A_183] : memref<24576xf32, #tpu.memory_space<vmem>>[vector<16xi32>], vector<16xf32>,
      %add3A_185 = vector.broadcast %add3A_170 : i32 to vector<16xi32>
      %add3A_186 = arith.addi %add3A_185, %mul3A_10 : vector<16xi32>
      %gather3A_187 = tpu.vector_load_idx %arg6[%add3A_186] : memref<16384xf32, #tpu.memory_space<vmem>>[vector<16xi32>], vector<16xf32>,
      %add3A_188 = arith.constant 1 : i32
      %add3A_189 = vector.broadcast %add3A_188 : i32 to vector<16xi32>
      %add3A_190 = arith.addi %mul3A_10, %add3A_189 : vector<16xi32>
      %add3A_191 = vector.broadcast %add3A_170 : i32 to vector<16xi32>
      %add3A_192 = arith.addi %add3A_191, %add3A_190 : vector<16xi32>
      %gather3A_193 = tpu.vector_load_idx %arg6[%add3A_192] : memref<16384xf32, #tpu.memory_space<vmem>>[vector<16xi32>], vector<16xf32>,
      %sub3A = arith.subf %gather3A_178, %gather3A_187 : vector<16xf32>
      %abs3A = math.absf %sub3A : vector<16xf32>
      %sub3A_194 = arith.subf %gather3A_184, %gather3A_193 : vector<16xf32>
      %abs3A_195 = math.absf %sub3A_194 : vector<16xf32>
      %lt3A = arith.constant 0.111111112 : f32
      %lt3A_196 = vector.broadcast %lt3A : f32 to vector<16xf32>
      %lt3A_197 = arith.cmpf olt, %abs3A, %lt3A_196 : vector<16xf32>
      %mul3A_198 = arith.constant 4.500000e+00 : f32
      %mul3A_199 = vector.broadcast %mul3A_198 : f32 to vector<16xf32>
      %mul3A_200 = arith.mulf %mul3A_199, %abs3A : vector<16xf32>
      %mul3A_201 = arith.mulf %mul3A_200, %abs3A : vector<16xf32>
      %sub3A_202 = arith.constant 0.055555556 : f32
      %sub3A_203 = vector.broadcast %sub3A_202 : f32 to vector<16xf32>
      %sub3A_204 = arith.subf %abs3A, %sub3A_203 : vector<16xf32>
      %select_n3A = arith.select %lt3A_197, %mul3A_201, %sub3A_204 : vector<16xi1>, vector<16xf32>
      %lt3A_205 = arith.constant 0.111111112 : f32
      %lt3A_206 = vector.broadcast %lt3A_205 : f32 to vector<16xf32>
      %lt3A_207 = arith.cmpf olt, %abs3A_195, %lt3A_206 : vector<16xf32>
      %mul3A_208 = arith.constant 4.500000e+00 : f32
      %mul3A_209 = vector.broadcast %mul3A_208 : f32 to vector<16xf32>
      %mul3A_210 = arith.mulf %mul3A_209, %abs3A_195 : vector<16xf32>
      %mul3A_211 = arith.mulf %mul3A_210, %abs3A_195 : vector<16xf32>
      %sub3A_212 = arith.constant 0.055555556 : f32
      %sub3A_213 = vector.broadcast %sub3A_212 : f32 to vector<16xf32>
      %sub3A_214 = arith.subf %abs3A_195, %sub3A_213 : vector<16xf32>
      %select_n3A_215 = arith.select %lt3A_207, %mul3A_211, %sub3A_214 : vector<16xi1>, vector<16xf32>
      %eq3A = arith.constant 1.000000e+00 : f32
      %eq3A_216 = vector.broadcast %eq3A : f32 to vector<16xf32>
      %eq3A_217 = arith.cmpf oeq, %gather3A, %eq3A_216 : vector<16xf32>
      %add3A_218 = arith.addf %select_n3A, %select_n3A_215 : vector<16xf32>
      %jit3A = arith.constant 0.000000e+00 : f32
      %broadcast_in_dim3A_219 = vector.broadcast %jit3A : f32 to vector<16xf32>
      %select_n3A_220 = arith.select %eq3A_217, %add3A_218, %broadcast_in_dim3A_219 : vector<16xi1>, vector<16xf32>
      %add3A_221 = arith.addf %scan3A_161, %select_n3A_220 : vector<16xf32>
      %jit3A_222 = arith.constant 1.000000e+00 : f32
      %jit3A_223 = arith.constant 0.000000e+00 : f32
      %broadcast_in_dim3A_224 = vector.broadcast %jit3A_222 : f32 to vector<16xf32>
      %broadcast_in_dim3A_225 = vector.broadcast %jit3A_223 : f32 to vector<16xf32>
      %select_n3A_226 = arith.select %eq3A_217, %broadcast_in_dim3A_224, %broadcast_in_dim3A_225 : vector<16xi1>, vector<16xf32>
      %add3A_227 = arith.addf %scan3A_162, %select_n3A_226 : vector<16xf32>
      %add3A_228 = arith.constant 48 : i32
      %add3A_229 = arith.addi %mul3A_164, %add3A_228 : i32
      %add3A_230 = arith.constant 32 : i32
      %add3A_231 = arith.addi %mul3A_166, %add3A_230 : i32
      %add3A_232 = vector.broadcast %add3A_229 : i32 to vector<16xi32>
      %add3A_233 = arith.addi %add3A_232, %mul3A_7 : vector<16xi32>
      %gather3A_234 = tpu.vector_load_idx %arg8[%add3A_233] : memref<24576xf32, #tpu.memory_space<vmem>>[vector<16xi32>], vector<16xf32>,
      %add3A_235 = arith.constant 1 : i32
      %add3A_236 = vector.broadcast %add3A_235 : i32 to vector<16xi32>
      %add3A_237 = arith.addi %mul3A_7, %add3A_236 : vector<16xi32>
      %add3A_238 = vector.broadcast %add3A_229 : i32 to vector<16xi32>
      %add3A_239 = arith.addi %add3A_238, %add3A_237 : vector<16xi32>
      %gather3A_240 = tpu.vector_load_idx %arg8[%add3A_239] : memref<24576xf32, #tpu.memory_space<vmem>>[vector<16xi32>], vector<16xf32>,
      %add3A_241 = arith.constant 2 : i32
      %add3A_242 = vector.broadcast %add3A_241 : i32 to vector<16xi32>
      %add3A_243 = arith.addi %mul3A_7, %add3A_242 : vector<16xi32>
      %add3A_244 = vector.broadcast %add3A_229 : i32 to vector<16xi32>
      %add3A_245 = arith.addi %add3A_244, %add3A_243 : vector<16xi32>
      %gather3A_246 = tpu.vector_load_idx %arg8[%add3A_245] : memref<24576xf32, #tpu.memory_space<vmem>>[vector<16xi32>], vector<16xf32>,
      %add3A_247 = vector.broadcast %add3A_231 : i32 to vector<16xi32>
      %add3A_248 = arith.addi %add3A_247, %mul3A_10 : vector<16xi32>
      %gather3A_249 = tpu.vector_load_idx %arg6[%add3A_248] : memref<16384xf32, #tpu.memory_space<vmem>>[vector<16xi32>], vector<16xf32>,
      %add3A_250 = arith.constant 1 : i32
      %add3A_251 = vector.broadcast %add3A_250 : i32 to vector<16xi32>
      %add3A_252 = arith.addi %mul3A_10, %add3A_251 : vector<16xi32>
      %add3A_253 = vector.broadcast %add3A_231 : i32 to vector<16xi32>
      %add3A_254 = arith.addi %add3A_253, %add3A_252 : vector<16xi32>
      %gather3A_255 = tpu.vector_load_idx %arg6[%add3A_254] : memref<16384xf32, #tpu.memory_space<vmem>>[vector<16xi32>], vector<16xf32>,
      %sub3A_256 = arith.subf %gather3A_240, %gather3A_249 : vector<16xf32>
      %abs3A_257 = math.absf %sub3A_256 : vector<16xf32>
      %sub3A_258 = arith.subf %gather3A_246, %gather3A_255 : vector<16xf32>
      %abs3A_259 = math.absf %sub3A_258 : vector<16xf32>
      %lt3A_260 = arith.constant 0.111111112 : f32
      %lt3A_261 = vector.broadcast %lt3A_260 : f32 to vector<16xf32>
      %lt3A_262 = arith.cmpf olt, %abs3A_257, %lt3A_261 : vector<16xf32>
      %mul3A_263 = arith.constant 4.500000e+00 : f32
      %mul3A_264 = vector.broadcast %mul3A_263 : f32 to vector<16xf32>
      %mul3A_265 = arith.mulf %mul3A_264, %abs3A_257 : vector<16xf32>
      %mul3A_266 = arith.mulf %mul3A_265, %abs3A_257 : vector<16xf32>
      %sub3A_267 = arith.constant 0.055555556 : f32
      %sub3A_268 = vector.broadcast %sub3A_267 : f32 to vector<16xf32>
      %sub3A_269 = arith.subf %abs3A_257, %sub3A_268 : vector<16xf32>
      %select_n3A_270 = arith.select %lt3A_262, %mul3A_266, %sub3A_269 : vector<16xi1>, vector<16xf32>
      %lt3A_271 = arith.constant 0.111111112 : f32
      %lt3A_272 = vector.broadcast %lt3A_271 : f32 to vector<16xf32>
      %lt3A_273 = arith.cmpf olt, %abs3A_259, %lt3A_272 : vector<16xf32>
      %mul3A_274 = arith.constant 4.500000e+00 : f32
      %mul3A_275 = vector.broadcast %mul3A_274 : f32 to vector<16xf32>
      %mul3A_276 = arith.mulf %mul3A_275, %abs3A_259 : vector<16xf32>
      %mul3A_277 = arith.mulf %mul3A_276, %abs3A_259 : vector<16xf32>
      %sub3A_278 = arith.constant 0.055555556 : f32
      %sub3A_279 = vector.broadcast %sub3A_278 : f32 to vector<16xf32>
      %sub3A_280 = arith.subf %abs3A_259, %sub3A_279 : vector<16xf32>
      %select_n3A_281 = arith.select %lt3A_273, %mul3A_277, %sub3A_280 : vector<16xi1>, vector<16xf32>
      %eq3A_282 = arith.constant 1.000000e+00 : f32
      %eq3A_283 = vector.broadcast %eq3A_282 : f32 to vector<16xf32>
      %eq3A_284 = arith.cmpf oeq, %gather3A_234, %eq3A_283 : vector<16xf32>
      %add3A_285 = arith.addf %select_n3A_270, %select_n3A_281 : vector<16xf32>
      %jit3A_286 = arith.constant 0.000000e+00 : f32
      %broadcast_in_dim3A_287 = vector.broadcast %jit3A_286 : f32 to vector<16xf32>
      %select_n3A_288 = arith.select %eq3A_284, %add3A_285, %broadcast_in_dim3A_287 : vector<16xi1>, vector<16xf32>
      %add3A_289 = arith.addf %add3A_221, %select_n3A_288 : vector<16xf32>
      %jit3A_290 = arith.constant 1.000000e+00 : f32
      %jit3A_291 = arith.constant 0.000000e+00 : f32
      %broadcast_in_dim3A_292 = vector.broadcast %jit3A_290 : f32 to vector<16xf32>
      %broadcast_in_dim3A_293 = vector.broadcast %jit3A_291 : f32 to vector<16xf32>
      %select_n3A_294 = arith.select %eq3A_284, %broadcast_in_dim3A_292, %broadcast_in_dim3A_293 : vector<16xi1>, vector<16xf32>
      %add3A_295 = arith.addf %add3A_227, %select_n3A_294 : vector<16xf32>
      %add3A_296 = arith.constant 96 : i32
      %add3A_297 = arith.addi %mul3A_164, %add3A_296 : i32
      %add3A_298 = arith.constant 64 : i32
      %add3A_299 = arith.addi %mul3A_166, %add3A_298 : i32
      %add3A_300 = vector.broadcast %add3A_297 : i32 to vector<16xi32>
      %add3A_301 = arith.addi %add3A_300, %mul3A_7 : vector<16xi32>
      %gather3A_302 = tpu.vector_load_idx %arg8[%add3A_301] : memref<24576xf32, #tpu.memory_space<vmem>>[vector<16xi32>], vector<16xf32>,
      %add3A_303 = arith.constant 1 : i32
      %add3A_304 = vector.broadcast %add3A_303 : i32 to vector<16xi32>
      %add3A_305 = arith.addi %mul3A_7, %add3A_304 : vector<16xi32>
      %add3A_306 = vector.broadcast %add3A_297 : i32 to vector<16xi32>
      %add3A_307 = arith.addi %add3A_306, %add3A_305 : vector<16xi32>
      %gather3A_308 = tpu.vector_load_idx %arg8[%add3A_307] : memref<24576xf32, #tpu.memory_space<vmem>>[vector<16xi32>], vector<16xf32>,
      %add3A_309 = arith.constant 2 : i32
      %add3A_310 = vector.broadcast %add3A_309 : i32 to vector<16xi32>
      %add3A_311 = arith.addi %mul3A_7, %add3A_310 : vector<16xi32>
      %add3A_312 = vector.broadcast %add3A_297 : i32 to vector<16xi32>
      %add3A_313 = arith.addi %add3A_312, %add3A_311 : vector<16xi32>
      %gather3A_314 = tpu.vector_load_idx %arg8[%add3A_313] : memref<24576xf32, #tpu.memory_space<vmem>>[vector<16xi32>], vector<16xf32>,
      %add3A_315 = vector.broadcast %add3A_299 : i32 to vector<16xi32>
      %add3A_316 = arith.addi %add3A_315, %mul3A_10 : vector<16xi32>
      %gather3A_317 = tpu.vector_load_idx %arg6[%add3A_316] : memref<16384xf32, #tpu.memory_space<vmem>>[vector<16xi32>], vector<16xf32>,
      %add3A_318 = arith.constant 1 : i32
      %add3A_319 = vector.broadcast %add3A_318 : i32 to vector<16xi32>
      %add3A_320 = arith.addi %mul3A_10, %add3A_319 : vector<16xi32>
      %add3A_321 = vector.broadcast %add3A_299 : i32 to vector<16xi32>
      %add3A_322 = arith.addi %add3A_321, %add3A_320 : vector<16xi32>
      %gather3A_323 = tpu.vector_load_idx %arg6[%add3A_322] : memref<16384xf32, #tpu.memory_space<vmem>>[vector<16xi32>], vector<16xf32>,
      %sub3A_324 = arith.subf %gather3A_308, %gather3A_317 : vector<16xf32>
      %abs3A_325 = math.absf %sub3A_324 : vector<16xf32>
      %sub3A_326 = arith.subf %gather3A_314, %gather3A_323 : vector<16xf32>
      %abs3A_327 = math.absf %sub3A_326 : vector<16xf32>
      %lt3A_328 = arith.constant 0.111111112 : f32
      %lt3A_329 = vector.broadcast %lt3A_328 : f32 to vector<16xf32>
      %lt3A_330 = arith.cmpf olt, %abs3A_325, %lt3A_329 : vector<16xf32>
      %mul3A_331 = arith.constant 4.500000e+00 : f32
      %mul3A_332 = vector.broadcast %mul3A_331 : f32 to vector<16xf32>
      %mul3A_333 = arith.mulf %mul3A_332, %abs3A_325 : vector<16xf32>
      %mul3A_334 = arith.mulf %mul3A_333, %abs3A_325 : vector<16xf32>
      %sub3A_335 = arith.constant 0.055555556 : f32
      %sub3A_336 = vector.broadcast %sub3A_335 : f32 to vector<16xf32>
      %sub3A_337 = arith.subf %abs3A_325, %sub3A_336 : vector<16xf32>
      %select_n3A_338 = arith.select %lt3A_330, %mul3A_334, %sub3A_337 : vector<16xi1>, vector<16xf32>
      %lt3A_339 = arith.constant 0.111111112 : f32
      %lt3A_340 = vector.broadcast %lt3A_339 : f32 to vector<16xf32>
      %lt3A_341 = arith.cmpf olt, %abs3A_327, %lt3A_340 : vector<16xf32>
      %mul3A_342 = arith.constant 4.500000e+00 : f32
      %mul3A_343 = vector.broadcast %mul3A_342 : f32 to vector<16xf32>
      %mul3A_344 = arith.mulf %mul3A_343, %abs3A_327 : vector<16xf32>
      %mul3A_345 = arith.mulf %mul3A_344, %abs3A_327 : vector<16xf32>
      %sub3A_346 = arith.constant 0.055555556 : f32
      %sub3A_347 = vector.broadcast %sub3A_346 : f32 to vector<16xf32>
      %sub3A_348 = arith.subf %abs3A_327, %sub3A_347 : vector<16xf32>
      %select_n3A_349 = arith.select %lt3A_341, %mul3A_345, %sub3A_348 : vector<16xi1>, vector<16xf32>
      %eq3A_350 = arith.constant 1.000000e+00 : f32
      %eq3A_351 = vector.broadcast %eq3A_350 : f32 to vector<16xf32>
      %eq3A_352 = arith.cmpf oeq, %gather3A_302, %eq3A_351 : vector<16xf32>
      %add3A_353 = arith.addf %select_n3A_338, %select_n3A_349 : vector<16xf32>
      %jit3A_354 = arith.constant 0.000000e+00 : f32
      %broadcast_in_dim3A_355 = vector.broadcast %jit3A_354 : f32 to vector<16xf32>
      %select_n3A_356 = arith.select %eq3A_352, %add3A_353, %broadcast_in_dim3A_355 : vector<16xi1>, vector<16xf32>
      %add3A_357 = arith.addf %add3A_289, %select_n3A_356 : vector<16xf32>
      %jit3A_358 = arith.constant 1.000000e+00 : f32
      %jit3A_359 = arith.constant 0.000000e+00 : f32
      %broadcast_in_dim3A_360 = vector.broadcast %jit3A_358 : f32 to vector<16xf32>
      %broadcast_in_dim3A_361 = vector.broadcast %jit3A_359 : f32 to vector<16xf32>
      %select_n3A_362 = arith.select %eq3A_352, %broadcast_in_dim3A_360, %broadcast_in_dim3A_361 : vector<16xi1>, vector<16xf32>
      %add3A_363 = arith.addf %add3A_295, %select_n3A_362 : vector<16xf32>
      %add3A_364 = arith.constant 144 : i32
      %add3A_365 = arith.addi %mul3A_164, %add3A_364 : i32
      %add3A_366 = arith.constant 96 : i32
      %add3A_367 = arith.addi %mul3A_166, %add3A_366 : i32
      %add3A_368 = vector.broadcast %add3A_365 : i32 to vector<16xi32>
      %add3A_369 = arith.addi %add3A_368, %mul3A_7 : vector<16xi32>
      %gather3A_370 = tpu.vector_load_idx %arg8[%add3A_369] : memref<24576xf32, #tpu.memory_space<vmem>>[vector<16xi32>], vector<16xf32>,
      %add3A_371 = arith.constant 1 : i32
      %add3A_372 = vector.broadcast %add3A_371 : i32 to vector<16xi32>
      %add3A_373 = arith.addi %mul3A_7, %add3A_372 : vector<16xi32>
      %add3A_374 = vector.broadcast %add3A_365 : i32 to vector<16xi32>
      %add3A_375 = arith.addi %add3A_374, %add3A_373 : vector<16xi32>
      %gather3A_376 = tpu.vector_load_idx %arg8[%add3A_375] : memref<24576xf32, #tpu.memory_space<vmem>>[vector<16xi32>], vector<16xf32>,
      %add3A_377 = arith.constant 2 : i32
      %add3A_378 = vector.broadcast %add3A_377 : i32 to vector<16xi32>
      %add3A_379 = arith.addi %mul3A_7, %add3A_378 : vector<16xi32>
      %add3A_380 = vector.broadcast %add3A_365 : i32 to vector<16xi32>
      %add3A_381 = arith.addi %add3A_380, %add3A_379 : vector<16xi32>
      %gather3A_382 = tpu.vector_load_idx %arg8[%add3A_381] : memref<24576xf32, #tpu.memory_space<vmem>>[vector<16xi32>], vector<16xf32>,
      %add3A_383 = vector.broadcast %add3A_367 : i32 to vector<16xi32>
      %add3A_384 = arith.addi %add3A_383, %mul3A_10 : vector<16xi32>
      %gather3A_385 = tpu.vector_load_idx %arg6[%add3A_384] : memref<16384xf32, #tpu.memory_space<vmem>>[vector<16xi32>], vector<16xf32>,
      %add3A_386 = arith.constant 1 : i32
      %add3A_387 = vector.broadcast %add3A_386 : i32 to vector<16xi32>
      %add3A_388 = arith.addi %mul3A_10, %add3A_387 : vector<16xi32>
      %add3A_389 = vector.broadcast %add3A_367 : i32 to vector<16xi32>
      %add3A_390 = arith.addi %add3A_389, %add3A_388 : vector<16xi32>
      %gather3A_391 = tpu.vector_load_idx %arg6[%add3A_390] : memref<16384xf32, #tpu.memory_space<vmem>>[vector<16xi32>], vector<16xf32>,
      %sub3A_392 = arith.subf %gather3A_376, %gather3A_385 : vector<16xf32>
      %abs3A_393 = math.absf %sub3A_392 : vector<16xf32>
      %sub3A_394 = arith.subf %gather3A_382, %gather3A_391 : vector<16xf32>
      %abs3A_395 = math.absf %sub3A_394 : vector<16xf32>
      %lt3A_396 = arith.constant 0.111111112 : f32
      %lt3A_397 = vector.broadcast %lt3A_396 : f32 to vector<16xf32>
      %lt3A_398 = arith.cmpf olt, %abs3A_393, %lt3A_397 : vector<16xf32>
      %mul3A_399 = arith.constant 4.500000e+00 : f32
      %mul3A_400 = vector.broadcast %mul3A_399 : f32 to vector<16xf32>
      %mul3A_401 = arith.mulf %mul3A_400, %abs3A_393 : vector<16xf32>
      %mul3A_402 = arith.mulf %mul3A_401, %abs3A_393 : vector<16xf32>
      %sub3A_403 = arith.constant 0.055555556 : f32
      %sub3A_404 = vector.broadcast %sub3A_403 : f32 to vector<16xf32>
      %sub3A_405 = arith.subf %abs3A_393, %sub3A_404 : vector<16xf32>
      %select_n3A_406 = arith.select %lt3A_398, %mul3A_402, %sub3A_405 : vector<16xi1>, vector<16xf32>
      %lt3A_407 = arith.constant 0.111111112 : f32
      %lt3A_408 = vector.broadcast %lt3A_407 : f32 to vector<16xf32>
      %lt3A_409 = arith.cmpf olt, %abs3A_395, %lt3A_408 : vector<16xf32>
      %mul3A_410 = arith.constant 4.500000e+00 : f32
      %mul3A_411 = vector.broadcast %mul3A_410 : f32 to vector<16xf32>
      %mul3A_412 = arith.mulf %mul3A_411, %abs3A_395 : vector<16xf32>
      %mul3A_413 = arith.mulf %mul3A_412, %abs3A_395 : vector<16xf32>
      %sub3A_414 = arith.constant 0.055555556 : f32
      %sub3A_415 = vector.broadcast %sub3A_414 : f32 to vector<16xf32>
      %sub3A_416 = arith.subf %abs3A_395, %sub3A_415 : vector<16xf32>
      %select_n3A_417 = arith.select %lt3A_409, %mul3A_413, %sub3A_416 : vector<16xi1>, vector<16xf32>
      %eq3A_418 = arith.constant 1.000000e+00 : f32
      %eq3A_419 = vector.broadcast %eq3A_418 : f32 to vector<16xf32>
      %eq3A_420 = arith.cmpf oeq, %gather3A_370, %eq3A_419 : vector<16xf32>
      %add3A_421 = arith.addf %select_n3A_406, %select_n3A_417 : vector<16xf32>
      %jit3A_422 = arith.constant 0.000000e+00 : f32
      %broadcast_in_dim3A_423 = vector.broadcast %jit3A_422 : f32 to vector<16xf32>
      %select_n3A_424 = arith.select %eq3A_420, %add3A_421, %broadcast_in_dim3A_423 : vector<16xi1>, vector<16xf32>
      %add3A_425 = arith.addf %add3A_357, %select_n3A_424 : vector<16xf32>
      %jit3A_426 = arith.constant 1.000000e+00 : f32
      %jit3A_427 = arith.constant 0.000000e+00 : f32
      %broadcast_in_dim3A_428 = vector.broadcast %jit3A_426 : f32 to vector<16xf32>
      %broadcast_in_dim3A_429 = vector.broadcast %jit3A_427 : f32 to vector<16xf32>
      %select_n3A_430 = arith.select %eq3A_420, %broadcast_in_dim3A_428, %broadcast_in_dim3A_429 : vector<16xi1>, vector<16xf32>
      %add3A_431 = arith.addf %add3A_363, %select_n3A_430 : vector<16xf32>
      scf.yield %add3A_425, %add3A_431 : vector<16xf32>, vector<16xf32>
    }
    %scan3A_90 = arith.constant 128 : i32
    %add3A_91 = arith.constant 81920 : i32
    %add3A_92 = arith.addi %mul3A_2, %add3A_91 : i32
    %dma_start3A_93 = tpu.memref_slice %arg2[%add3A_92] : memref<4194304xf32, #tpu.memory_space<hbm>> -> memref<16384xf32, #tpu.memory_space<hbm>>
    %dma_start3A_94 = tpu.memref_slice %arg2[%add3A_92] : memref<4194304xf32, #tpu.memory_space<hbm>> -> memref<16384xf32, #tpu.memory_space<hbm>>
    tpu.enqueue_dma source(%dma_start3A_94 : memref<16384xf32, #tpu.memory_space<hbm>>) target(%arg6 : memref<16384xf32, #tpu.memory_space<vmem>>) target_semaphore(%arg12 : memref<!tpu.dma_semaphore, #tpu.memory_space<semaphore_mem>>)
    %add3A_95 = arith.constant 122880 : i32
    %add3A_96 = arith.addi %mul3A_4, %add3A_95 : i32
    %dma_start3A_97 = tpu.memref_slice %arg3[%add3A_96] : memref<6291456xf32, #tpu.memory_space<hbm>> -> memref<24576xf32, #tpu.memory_space<hbm>>
    %dma_start3A_98 = tpu.memref_slice %arg3[%add3A_96] : memref<6291456xf32, #tpu.memory_space<hbm>> -> memref<24576xf32, #tpu.memory_space<hbm>>
    tpu.enqueue_dma source(%dma_start3A_98 : memref<24576xf32, #tpu.memory_space<hbm>>) target(%arg8 : memref<24576xf32, #tpu.memory_space<vmem>>) target_semaphore(%arg12 : memref<!tpu.dma_semaphore, #tpu.memory_space<semaphore_mem>>)
    %dma_wait3A_99 = tpu.memref_slice %arg2[%add3A_74] : memref<4194304xf32, #tpu.memory_space<hbm>> -> memref<16384xf32, #tpu.memory_space<hbm>>
    %dma_wait3A_100 = tpu.memref_slice %arg2[%add3A_74] : memref<4194304xf32, #tpu.memory_space<hbm>> -> memref<16384xf32, #tpu.memory_space<hbm>>
    tpu.wait_dma2 semaphore(%arg11 : memref<!tpu.dma_semaphore, #tpu.memory_space<semaphore_mem>>) src(%dma_wait3A_100 : memref<16384xf32, #tpu.memory_space<hbm>>) dst(%arg5 : memref<16384xf32, #tpu.memory_space<vmem>>)
    %dma_wait3A_101 = tpu.memref_slice %arg3[%add3A_78] : memref<6291456xf32, #tpu.memory_space<hbm>> -> memref<24576xf32, #tpu.memory_space<hbm>>
    %dma_wait3A_102 = tpu.memref_slice %arg3[%add3A_78] : memref<6291456xf32, #tpu.memory_space<hbm>> -> memref<24576xf32, #tpu.memory_space<hbm>>
    tpu.wait_dma2 semaphore(%arg11 : memref<!tpu.dma_semaphore, #tpu.memory_space<semaphore_mem>>) src(%dma_wait3A_102 : memref<24576xf32, #tpu.memory_space<hbm>>) dst(%arg7 : memref<24576xf32, #tpu.memory_space<vmem>>)
    %scan3A_103 = arith.constant 0 : i32
    %scan3A_104 = arith.constant 128 : i32
    %scan3A_105 = arith.addi %scan3A_103, %scan3A_104 : i32
    %scan3A_106 = arith.constant 1 : i32
    %scan3A_107:2 = scf.for %scan3A_160 = %scan3A_103 to %scan3A_105 step %scan3A_106 iter_args(%scan3A_161 = %scan3A_89#0, %scan3A_162 = %scan3A_89#1) -> (vector<16xf32>, vector<16xf32>)  : i32 {
      %mul3A_163 = arith.constant 192 : i32
      %mul3A_164 = arith.muli %scan3A_160, %mul3A_163 : i32
      %mul3A_165 = arith.constant 128 : i32
      %mul3A_166 = arith.muli %scan3A_160, %mul3A_165 : i32
      %add3A_167 = arith.constant 0 : i32
      %add3A_168 = arith.addi %mul3A_164, %add3A_167 : i32
      %add3A_169 = arith.constant 0 : i32
      %add3A_170 = arith.addi %mul3A_166, %add3A_169 : i32
      %add3A_171 = vector.broadcast %add3A_168 : i32 to vector<16xi32>
      %add3A_172 = arith.addi %add3A_171, %mul3A_7 : vector<16xi32>
      %gather3A = tpu.vector_load_idx %arg7[%add3A_172] : memref<24576xf32, #tpu.memory_space<vmem>>[vector<16xi32>], vector<16xf32>,
      %add3A_173 = arith.constant 1 : i32
      %add3A_174 = vector.broadcast %add3A_173 : i32 to vector<16xi32>
      %add3A_175 = arith.addi %mul3A_7, %add3A_174 : vector<16xi32>
      %add3A_176 = vector.broadcast %add3A_168 : i32 to vector<16xi32>
      %add3A_177 = arith.addi %add3A_176, %add3A_175 : vector<16xi32>
      %gather3A_178 = tpu.vector_load_idx %arg7[%add3A_177] : memref<24576xf32, #tpu.memory_space<vmem>>[vector<16xi32>], vector<16xf32>,
      %add3A_179 = arith.constant 2 : i32
      %add3A_180 = vector.broadcast %add3A_179 : i32 to vector<16xi32>
      %add3A_181 = arith.addi %mul3A_7, %add3A_180 : vector<16xi32>
      %add3A_182 = vector.broadcast %add3A_168 : i32 to vector<16xi32>
      %add3A_183 = arith.addi %add3A_182, %add3A_181 : vector<16xi32>
      %gather3A_184 = tpu.vector_load_idx %arg7[%add3A_183] : memref<24576xf32, #tpu.memory_space<vmem>>[vector<16xi32>], vector<16xf32>,
      %add3A_185 = vector.broadcast %add3A_170 : i32 to vector<16xi32>
      %add3A_186 = arith.addi %add3A_185, %mul3A_10 : vector<16xi32>
      %gather3A_187 = tpu.vector_load_idx %arg5[%add3A_186] : memref<16384xf32, #tpu.memory_space<vmem>>[vector<16xi32>], vector<16xf32>,
      %add3A_188 = arith.constant 1 : i32
      %add3A_189 = vector.broadcast %add3A_188 : i32 to vector<16xi32>
      %add3A_190 = arith.addi %mul3A_10, %add3A_189 : vector<16xi32>
      %add3A_191 = vector.broadcast %add3A_170 : i32 to vector<16xi32>
      %add3A_192 = arith.addi %add3A_191, %add3A_190 : vector<16xi32>
      %gather3A_193 = tpu.vector_load_idx %arg5[%add3A_192] : memref<16384xf32, #tpu.memory_space<vmem>>[vector<16xi32>], vector<16xf32>,
      %sub3A = arith.subf %gather3A_178, %gather3A_187 : vector<16xf32>
      %abs3A = math.absf %sub3A : vector<16xf32>
      %sub3A_194 = arith.subf %gather3A_184, %gather3A_193 : vector<16xf32>
      %abs3A_195 = math.absf %sub3A_194 : vector<16xf32>
      %lt3A = arith.constant 0.111111112 : f32
      %lt3A_196 = vector.broadcast %lt3A : f32 to vector<16xf32>
      %lt3A_197 = arith.cmpf olt, %abs3A, %lt3A_196 : vector<16xf32>
      %mul3A_198 = arith.constant 4.500000e+00 : f32
      %mul3A_199 = vector.broadcast %mul3A_198 : f32 to vector<16xf32>
      %mul3A_200 = arith.mulf %mul3A_199, %abs3A : vector<16xf32>
      %mul3A_201 = arith.mulf %mul3A_200, %abs3A : vector<16xf32>
      %sub3A_202 = arith.constant 0.055555556 : f32
      %sub3A_203 = vector.broadcast %sub3A_202 : f32 to vector<16xf32>
      %sub3A_204 = arith.subf %abs3A, %sub3A_203 : vector<16xf32>
      %select_n3A = arith.select %lt3A_197, %mul3A_201, %sub3A_204 : vector<16xi1>, vector<16xf32>
      %lt3A_205 = arith.constant 0.111111112 : f32
      %lt3A_206 = vector.broadcast %lt3A_205 : f32 to vector<16xf32>
      %lt3A_207 = arith.cmpf olt, %abs3A_195, %lt3A_206 : vector<16xf32>
      %mul3A_208 = arith.constant 4.500000e+00 : f32
      %mul3A_209 = vector.broadcast %mul3A_208 : f32 to vector<16xf32>
      %mul3A_210 = arith.mulf %mul3A_209, %abs3A_195 : vector<16xf32>
      %mul3A_211 = arith.mulf %mul3A_210, %abs3A_195 : vector<16xf32>
      %sub3A_212 = arith.constant 0.055555556 : f32
      %sub3A_213 = vector.broadcast %sub3A_212 : f32 to vector<16xf32>
      %sub3A_214 = arith.subf %abs3A_195, %sub3A_213 : vector<16xf32>
      %select_n3A_215 = arith.select %lt3A_207, %mul3A_211, %sub3A_214 : vector<16xi1>, vector<16xf32>
      %eq3A = arith.constant 1.000000e+00 : f32
      %eq3A_216 = vector.broadcast %eq3A : f32 to vector<16xf32>
      %eq3A_217 = arith.cmpf oeq, %gather3A, %eq3A_216 : vector<16xf32>
      %add3A_218 = arith.addf %select_n3A, %select_n3A_215 : vector<16xf32>
      %jit3A = arith.constant 0.000000e+00 : f32
      %broadcast_in_dim3A_219 = vector.broadcast %jit3A : f32 to vector<16xf32>
      %select_n3A_220 = arith.select %eq3A_217, %add3A_218, %broadcast_in_dim3A_219 : vector<16xi1>, vector<16xf32>
      %add3A_221 = arith.addf %scan3A_161, %select_n3A_220 : vector<16xf32>
      %jit3A_222 = arith.constant 1.000000e+00 : f32
      %jit3A_223 = arith.constant 0.000000e+00 : f32
      %broadcast_in_dim3A_224 = vector.broadcast %jit3A_222 : f32 to vector<16xf32>
      %broadcast_in_dim3A_225 = vector.broadcast %jit3A_223 : f32 to vector<16xf32>
      %select_n3A_226 = arith.select %eq3A_217, %broadcast_in_dim3A_224, %broadcast_in_dim3A_225 : vector<16xi1>, vector<16xf32>
      %add3A_227 = arith.addf %scan3A_162, %select_n3A_226 : vector<16xf32>
      %add3A_228 = arith.constant 48 : i32
      %add3A_229 = arith.addi %mul3A_164, %add3A_228 : i32
      %add3A_230 = arith.constant 32 : i32
      %add3A_231 = arith.addi %mul3A_166, %add3A_230 : i32
      %add3A_232 = vector.broadcast %add3A_229 : i32 to vector<16xi32>
      %add3A_233 = arith.addi %add3A_232, %mul3A_7 : vector<16xi32>
      %gather3A_234 = tpu.vector_load_idx %arg7[%add3A_233] : memref<24576xf32, #tpu.memory_space<vmem>>[vector<16xi32>], vector<16xf32>,
      %add3A_235 = arith.constant 1 : i32
      %add3A_236 = vector.broadcast %add3A_235 : i32 to vector<16xi32>
      %add3A_237 = arith.addi %mul3A_7, %add3A_236 : vector<16xi32>
      %add3A_238 = vector.broadcast %add3A_229 : i32 to vector<16xi32>
      %add3A_239 = arith.addi %add3A_238, %add3A_237 : vector<16xi32>
      %gather3A_240 = tpu.vector_load_idx %arg7[%add3A_239] : memref<24576xf32, #tpu.memory_space<vmem>>[vector<16xi32>], vector<16xf32>,
      %add3A_241 = arith.constant 2 : i32
      %add3A_242 = vector.broadcast %add3A_241 : i32 to vector<16xi32>
      %add3A_243 = arith.addi %mul3A_7, %add3A_242 : vector<16xi32>
      %add3A_244 = vector.broadcast %add3A_229 : i32 to vector<16xi32>
      %add3A_245 = arith.addi %add3A_244, %add3A_243 : vector<16xi32>
      %gather3A_246 = tpu.vector_load_idx %arg7[%add3A_245] : memref<24576xf32, #tpu.memory_space<vmem>>[vector<16xi32>], vector<16xf32>,
      %add3A_247 = vector.broadcast %add3A_231 : i32 to vector<16xi32>
      %add3A_248 = arith.addi %add3A_247, %mul3A_10 : vector<16xi32>
      %gather3A_249 = tpu.vector_load_idx %arg5[%add3A_248] : memref<16384xf32, #tpu.memory_space<vmem>>[vector<16xi32>], vector<16xf32>,
      %add3A_250 = arith.constant 1 : i32
      %add3A_251 = vector.broadcast %add3A_250 : i32 to vector<16xi32>
      %add3A_252 = arith.addi %mul3A_10, %add3A_251 : vector<16xi32>
      %add3A_253 = vector.broadcast %add3A_231 : i32 to vector<16xi32>
      %add3A_254 = arith.addi %add3A_253, %add3A_252 : vector<16xi32>
      %gather3A_255 = tpu.vector_load_idx %arg5[%add3A_254] : memref<16384xf32, #tpu.memory_space<vmem>>[vector<16xi32>], vector<16xf32>,
      %sub3A_256 = arith.subf %gather3A_240, %gather3A_249 : vector<16xf32>
      %abs3A_257 = math.absf %sub3A_256 : vector<16xf32>
      %sub3A_258 = arith.subf %gather3A_246, %gather3A_255 : vector<16xf32>
      %abs3A_259 = math.absf %sub3A_258 : vector<16xf32>
      %lt3A_260 = arith.constant 0.111111112 : f32
      %lt3A_261 = vector.broadcast %lt3A_260 : f32 to vector<16xf32>
      %lt3A_262 = arith.cmpf olt, %abs3A_257, %lt3A_261 : vector<16xf32>
      %mul3A_263 = arith.constant 4.500000e+00 : f32
      %mul3A_264 = vector.broadcast %mul3A_263 : f32 to vector<16xf32>
      %mul3A_265 = arith.mulf %mul3A_264, %abs3A_257 : vector<16xf32>
      %mul3A_266 = arith.mulf %mul3A_265, %abs3A_257 : vector<16xf32>
      %sub3A_267 = arith.constant 0.055555556 : f32
      %sub3A_268 = vector.broadcast %sub3A_267 : f32 to vector<16xf32>
      %sub3A_269 = arith.subf %abs3A_257, %sub3A_268 : vector<16xf32>
      %select_n3A_270 = arith.select %lt3A_262, %mul3A_266, %sub3A_269 : vector<16xi1>, vector<16xf32>
      %lt3A_271 = arith.constant 0.111111112 : f32
      %lt3A_272 = vector.broadcast %lt3A_271 : f32 to vector<16xf32>
      %lt3A_273 = arith.cmpf olt, %abs3A_259, %lt3A_272 : vector<16xf32>
      %mul3A_274 = arith.constant 4.500000e+00 : f32
      %mul3A_275 = vector.broadcast %mul3A_274 : f32 to vector<16xf32>
      %mul3A_276 = arith.mulf %mul3A_275, %abs3A_259 : vector<16xf32>
      %mul3A_277 = arith.mulf %mul3A_276, %abs3A_259 : vector<16xf32>
      %sub3A_278 = arith.constant 0.055555556 : f32
      %sub3A_279 = vector.broadcast %sub3A_278 : f32 to vector<16xf32>
      %sub3A_280 = arith.subf %abs3A_259, %sub3A_279 : vector<16xf32>
      %select_n3A_281 = arith.select %lt3A_273, %mul3A_277, %sub3A_280 : vector<16xi1>, vector<16xf32>
      %eq3A_282 = arith.constant 1.000000e+00 : f32
      %eq3A_283 = vector.broadcast %eq3A_282 : f32 to vector<16xf32>
      %eq3A_284 = arith.cmpf oeq, %gather3A_234, %eq3A_283 : vector<16xf32>
      %add3A_285 = arith.addf %select_n3A_270, %select_n3A_281 : vector<16xf32>
      %jit3A_286 = arith.constant 0.000000e+00 : f32
      %broadcast_in_dim3A_287 = vector.broadcast %jit3A_286 : f32 to vector<16xf32>
      %select_n3A_288 = arith.select %eq3A_284, %add3A_285, %broadcast_in_dim3A_287 : vector<16xi1>, vector<16xf32>
      %add3A_289 = arith.addf %add3A_221, %select_n3A_288 : vector<16xf32>
      %jit3A_290 = arith.constant 1.000000e+00 : f32
      %jit3A_291 = arith.constant 0.000000e+00 : f32
      %broadcast_in_dim3A_292 = vector.broadcast %jit3A_290 : f32 to vector<16xf32>
      %broadcast_in_dim3A_293 = vector.broadcast %jit3A_291 : f32 to vector<16xf32>
      %select_n3A_294 = arith.select %eq3A_284, %broadcast_in_dim3A_292, %broadcast_in_dim3A_293 : vector<16xi1>, vector<16xf32>
      %add3A_295 = arith.addf %add3A_227, %select_n3A_294 : vector<16xf32>
      %add3A_296 = arith.constant 96 : i32
      %add3A_297 = arith.addi %mul3A_164, %add3A_296 : i32
      %add3A_298 = arith.constant 64 : i32
      %add3A_299 = arith.addi %mul3A_166, %add3A_298 : i32
      %add3A_300 = vector.broadcast %add3A_297 : i32 to vector<16xi32>
      %add3A_301 = arith.addi %add3A_300, %mul3A_7 : vector<16xi32>
      %gather3A_302 = tpu.vector_load_idx %arg7[%add3A_301] : memref<24576xf32, #tpu.memory_space<vmem>>[vector<16xi32>], vector<16xf32>,
      %add3A_303 = arith.constant 1 : i32
      %add3A_304 = vector.broadcast %add3A_303 : i32 to vector<16xi32>
      %add3A_305 = arith.addi %mul3A_7, %add3A_304 : vector<16xi32>
      %add3A_306 = vector.broadcast %add3A_297 : i32 to vector<16xi32>
      %add3A_307 = arith.addi %add3A_306, %add3A_305 : vector<16xi32>
      %gather3A_308 = tpu.vector_load_idx %arg7[%add3A_307] : memref<24576xf32, #tpu.memory_space<vmem>>[vector<16xi32>], vector<16xf32>,
      %add3A_309 = arith.constant 2 : i32
      %add3A_310 = vector.broadcast %add3A_309 : i32 to vector<16xi32>
      %add3A_311 = arith.addi %mul3A_7, %add3A_310 : vector<16xi32>
      %add3A_312 = vector.broadcast %add3A_297 : i32 to vector<16xi32>
      %add3A_313 = arith.addi %add3A_312, %add3A_311 : vector<16xi32>
      %gather3A_314 = tpu.vector_load_idx %arg7[%add3A_313] : memref<24576xf32, #tpu.memory_space<vmem>>[vector<16xi32>], vector<16xf32>,
      %add3A_315 = vector.broadcast %add3A_299 : i32 to vector<16xi32>
      %add3A_316 = arith.addi %add3A_315, %mul3A_10 : vector<16xi32>
      %gather3A_317 = tpu.vector_load_idx %arg5[%add3A_316] : memref<16384xf32, #tpu.memory_space<vmem>>[vector<16xi32>], vector<16xf32>,
      %add3A_318 = arith.constant 1 : i32
      %add3A_319 = vector.broadcast %add3A_318 : i32 to vector<16xi32>
      %add3A_320 = arith.addi %mul3A_10, %add3A_319 : vector<16xi32>
      %add3A_321 = vector.broadcast %add3A_299 : i32 to vector<16xi32>
      %add3A_322 = arith.addi %add3A_321, %add3A_320 : vector<16xi32>
      %gather3A_323 = tpu.vector_load_idx %arg5[%add3A_322] : memref<16384xf32, #tpu.memory_space<vmem>>[vector<16xi32>], vector<16xf32>,
      %sub3A_324 = arith.subf %gather3A_308, %gather3A_317 : vector<16xf32>
      %abs3A_325 = math.absf %sub3A_324 : vector<16xf32>
      %sub3A_326 = arith.subf %gather3A_314, %gather3A_323 : vector<16xf32>
      %abs3A_327 = math.absf %sub3A_326 : vector<16xf32>
      %lt3A_328 = arith.constant 0.111111112 : f32
      %lt3A_329 = vector.broadcast %lt3A_328 : f32 to vector<16xf32>
      %lt3A_330 = arith.cmpf olt, %abs3A_325, %lt3A_329 : vector<16xf32>
      %mul3A_331 = arith.constant 4.500000e+00 : f32
      %mul3A_332 = vector.broadcast %mul3A_331 : f32 to vector<16xf32>
      %mul3A_333 = arith.mulf %mul3A_332, %abs3A_325 : vector<16xf32>
      %mul3A_334 = arith.mulf %mul3A_333, %abs3A_325 : vector<16xf32>
      %sub3A_335 = arith.constant 0.055555556 : f32
      %sub3A_336 = vector.broadcast %sub3A_335 : f32 to vector<16xf32>
      %sub3A_337 = arith.subf %abs3A_325, %sub3A_336 : vector<16xf32>
      %select_n3A_338 = arith.select %lt3A_330, %mul3A_334, %sub3A_337 : vector<16xi1>, vector<16xf32>
      %lt3A_339 = arith.constant 0.111111112 : f32
      %lt3A_340 = vector.broadcast %lt3A_339 : f32 to vector<16xf32>
      %lt3A_341 = arith.cmpf olt, %abs3A_327, %lt3A_340 : vector<16xf32>
      %mul3A_342 = arith.constant 4.500000e+00 : f32
      %mul3A_343 = vector.broadcast %mul3A_342 : f32 to vector<16xf32>
      %mul3A_344 = arith.mulf %mul3A_343, %abs3A_327 : vector<16xf32>
      %mul3A_345 = arith.mulf %mul3A_344, %abs3A_327 : vector<16xf32>
      %sub3A_346 = arith.constant 0.055555556 : f32
      %sub3A_347 = vector.broadcast %sub3A_346 : f32 to vector<16xf32>
      %sub3A_348 = arith.subf %abs3A_327, %sub3A_347 : vector<16xf32>
      %select_n3A_349 = arith.select %lt3A_341, %mul3A_345, %sub3A_348 : vector<16xi1>, vector<16xf32>
      %eq3A_350 = arith.constant 1.000000e+00 : f32
      %eq3A_351 = vector.broadcast %eq3A_350 : f32 to vector<16xf32>
      %eq3A_352 = arith.cmpf oeq, %gather3A_302, %eq3A_351 : vector<16xf32>
      %add3A_353 = arith.addf %select_n3A_338, %select_n3A_349 : vector<16xf32>
      %jit3A_354 = arith.constant 0.000000e+00 : f32
      %broadcast_in_dim3A_355 = vector.broadcast %jit3A_354 : f32 to vector<16xf32>
      %select_n3A_356 = arith.select %eq3A_352, %add3A_353, %broadcast_in_dim3A_355 : vector<16xi1>, vector<16xf32>
      %add3A_357 = arith.addf %add3A_289, %select_n3A_356 : vector<16xf32>
      %jit3A_358 = arith.constant 1.000000e+00 : f32
      %jit3A_359 = arith.constant 0.000000e+00 : f32
      %broadcast_in_dim3A_360 = vector.broadcast %jit3A_358 : f32 to vector<16xf32>
      %broadcast_in_dim3A_361 = vector.broadcast %jit3A_359 : f32 to vector<16xf32>
      %select_n3A_362 = arith.select %eq3A_352, %broadcast_in_dim3A_360, %broadcast_in_dim3A_361 : vector<16xi1>, vector<16xf32>
      %add3A_363 = arith.addf %add3A_295, %select_n3A_362 : vector<16xf32>
      %add3A_364 = arith.constant 144 : i32
      %add3A_365 = arith.addi %mul3A_164, %add3A_364 : i32
      %add3A_366 = arith.constant 96 : i32
      %add3A_367 = arith.addi %mul3A_166, %add3A_366 : i32
      %add3A_368 = vector.broadcast %add3A_365 : i32 to vector<16xi32>
      %add3A_369 = arith.addi %add3A_368, %mul3A_7 : vector<16xi32>
      %gather3A_370 = tpu.vector_load_idx %arg7[%add3A_369] : memref<24576xf32, #tpu.memory_space<vmem>>[vector<16xi32>], vector<16xf32>,
      %add3A_371 = arith.constant 1 : i32
      %add3A_372 = vector.broadcast %add3A_371 : i32 to vector<16xi32>
      %add3A_373 = arith.addi %mul3A_7, %add3A_372 : vector<16xi32>
      %add3A_374 = vector.broadcast %add3A_365 : i32 to vector<16xi32>
      %add3A_375 = arith.addi %add3A_374, %add3A_373 : vector<16xi32>
      %gather3A_376 = tpu.vector_load_idx %arg7[%add3A_375] : memref<24576xf32, #tpu.memory_space<vmem>>[vector<16xi32>], vector<16xf32>,
      %add3A_377 = arith.constant 2 : i32
      %add3A_378 = vector.broadcast %add3A_377 : i32 to vector<16xi32>
      %add3A_379 = arith.addi %mul3A_7, %add3A_378 : vector<16xi32>
      %add3A_380 = vector.broadcast %add3A_365 : i32 to vector<16xi32>
      %add3A_381 = arith.addi %add3A_380, %add3A_379 : vector<16xi32>
      %gather3A_382 = tpu.vector_load_idx %arg7[%add3A_381] : memref<24576xf32, #tpu.memory_space<vmem>>[vector<16xi32>], vector<16xf32>,
      %add3A_383 = vector.broadcast %add3A_367 : i32 to vector<16xi32>
      %add3A_384 = arith.addi %add3A_383, %mul3A_10 : vector<16xi32>
      %gather3A_385 = tpu.vector_load_idx %arg5[%add3A_384] : memref<16384xf32, #tpu.memory_space<vmem>>[vector<16xi32>], vector<16xf32>,
      %add3A_386 = arith.constant 1 : i32
      %add3A_387 = vector.broadcast %add3A_386 : i32 to vector<16xi32>
      %add3A_388 = arith.addi %mul3A_10, %add3A_387 : vector<16xi32>
      %add3A_389 = vector.broadcast %add3A_367 : i32 to vector<16xi32>
      %add3A_390 = arith.addi %add3A_389, %add3A_388 : vector<16xi32>
      %gather3A_391 = tpu.vector_load_idx %arg5[%add3A_390] : memref<16384xf32, #tpu.memory_space<vmem>>[vector<16xi32>], vector<16xf32>,
      %sub3A_392 = arith.subf %gather3A_376, %gather3A_385 : vector<16xf32>
      %abs3A_393 = math.absf %sub3A_392 : vector<16xf32>
      %sub3A_394 = arith.subf %gather3A_382, %gather3A_391 : vector<16xf32>
      %abs3A_395 = math.absf %sub3A_394 : vector<16xf32>
      %lt3A_396 = arith.constant 0.111111112 : f32
      %lt3A_397 = vector.broadcast %lt3A_396 : f32 to vector<16xf32>
      %lt3A_398 = arith.cmpf olt, %abs3A_393, %lt3A_397 : vector<16xf32>
      %mul3A_399 = arith.constant 4.500000e+00 : f32
      %mul3A_400 = vector.broadcast %mul3A_399 : f32 to vector<16xf32>
      %mul3A_401 = arith.mulf %mul3A_400, %abs3A_393 : vector<16xf32>
      %mul3A_402 = arith.mulf %mul3A_401, %abs3A_393 : vector<16xf32>
      %sub3A_403 = arith.constant 0.055555556 : f32
      %sub3A_404 = vector.broadcast %sub3A_403 : f32 to vector<16xf32>
      %sub3A_405 = arith.subf %abs3A_393, %sub3A_404 : vector<16xf32>
      %select_n3A_406 = arith.select %lt3A_398, %mul3A_402, %sub3A_405 : vector<16xi1>, vector<16xf32>
      %lt3A_407 = arith.constant 0.111111112 : f32
      %lt3A_408 = vector.broadcast %lt3A_407 : f32 to vector<16xf32>
      %lt3A_409 = arith.cmpf olt, %abs3A_395, %lt3A_408 : vector<16xf32>
      %mul3A_410 = arith.constant 4.500000e+00 : f32
      %mul3A_411 = vector.broadcast %mul3A_410 : f32 to vector<16xf32>
      %mul3A_412 = arith.mulf %mul3A_411, %abs3A_395 : vector<16xf32>
      %mul3A_413 = arith.mulf %mul3A_412, %abs3A_395 : vector<16xf32>
      %sub3A_414 = arith.constant 0.055555556 : f32
      %sub3A_415 = vector.broadcast %sub3A_414 : f32 to vector<16xf32>
      %sub3A_416 = arith.subf %abs3A_395, %sub3A_415 : vector<16xf32>
      %select_n3A_417 = arith.select %lt3A_409, %mul3A_413, %sub3A_416 : vector<16xi1>, vector<16xf32>
      %eq3A_418 = arith.constant 1.000000e+00 : f32
      %eq3A_419 = vector.broadcast %eq3A_418 : f32 to vector<16xf32>
      %eq3A_420 = arith.cmpf oeq, %gather3A_370, %eq3A_419 : vector<16xf32>
      %add3A_421 = arith.addf %select_n3A_406, %select_n3A_417 : vector<16xf32>
      %jit3A_422 = arith.constant 0.000000e+00 : f32
      %broadcast_in_dim3A_423 = vector.broadcast %jit3A_422 : f32 to vector<16xf32>
      %select_n3A_424 = arith.select %eq3A_420, %add3A_421, %broadcast_in_dim3A_423 : vector<16xi1>, vector<16xf32>
      %add3A_425 = arith.addf %add3A_357, %select_n3A_424 : vector<16xf32>
      %jit3A_426 = arith.constant 1.000000e+00 : f32
      %jit3A_427 = arith.constant 0.000000e+00 : f32
      %broadcast_in_dim3A_428 = vector.broadcast %jit3A_426 : f32 to vector<16xf32>
      %broadcast_in_dim3A_429 = vector.broadcast %jit3A_427 : f32 to vector<16xf32>
      %select_n3A_430 = arith.select %eq3A_420, %broadcast_in_dim3A_428, %broadcast_in_dim3A_429 : vector<16xi1>, vector<16xf32>
      %add3A_431 = arith.addf %add3A_363, %select_n3A_430 : vector<16xf32>
      scf.yield %add3A_425, %add3A_431 : vector<16xf32>, vector<16xf32>
    }
    %scan3A_108 = arith.constant 128 : i32
    %add3A_109 = arith.constant 98304 : i32
    %add3A_110 = arith.addi %mul3A_2, %add3A_109 : i32
    %dma_start3A_111 = tpu.memref_slice %arg2[%add3A_110] : memref<4194304xf32, #tpu.memory_space<hbm>> -> memref<16384xf32, #tpu.memory_space<hbm>>
    %dma_start3A_112 = tpu.memref_slice %arg2[%add3A_110] : memref<4194304xf32, #tpu.memory_space<hbm>> -> memref<16384xf32, #tpu.memory_space<hbm>>
    tpu.enqueue_dma source(%dma_start3A_112 : memref<16384xf32, #tpu.memory_space<hbm>>) target(%arg5 : memref<16384xf32, #tpu.memory_space<vmem>>) target_semaphore(%arg11 : memref<!tpu.dma_semaphore, #tpu.memory_space<semaphore_mem>>)
    %add3A_113 = arith.constant 147456 : i32
    %add3A_114 = arith.addi %mul3A_4, %add3A_113 : i32
    %dma_start3A_115 = tpu.memref_slice %arg3[%add3A_114] : memref<6291456xf32, #tpu.memory_space<hbm>> -> memref<24576xf32, #tpu.memory_space<hbm>>
    %dma_start3A_116 = tpu.memref_slice %arg3[%add3A_114] : memref<6291456xf32, #tpu.memory_space<hbm>> -> memref<24576xf32, #tpu.memory_space<hbm>>
    tpu.enqueue_dma source(%dma_start3A_116 : memref<24576xf32, #tpu.memory_space<hbm>>) target(%arg7 : memref<24576xf32, #tpu.memory_space<vmem>>) target_semaphore(%arg11 : memref<!tpu.dma_semaphore, #tpu.memory_space<semaphore_mem>>)
    %dma_wait3A_117 = tpu.memref_slice %arg2[%add3A_92] : memref<4194304xf32, #tpu.memory_space<hbm>> -> memref<16384xf32, #tpu.memory_space<hbm>>
    %dma_wait3A_118 = tpu.memref_slice %arg2[%add3A_92] : memref<4194304xf32, #tpu.memory_space<hbm>> -> memref<16384xf32, #tpu.memory_space<hbm>>
    tpu.wait_dma2 semaphore(%arg12 : memref<!tpu.dma_semaphore, #tpu.memory_space<semaphore_mem>>) src(%dma_wait3A_118 : memref<16384xf32, #tpu.memory_space<hbm>>) dst(%arg6 : memref<16384xf32, #tpu.memory_space<vmem>>)
    %dma_wait3A_119 = tpu.memref_slice %arg3[%add3A_96] : memref<6291456xf32, #tpu.memory_space<hbm>> -> memref<24576xf32, #tpu.memory_space<hbm>>
    %dma_wait3A_120 = tpu.memref_slice %arg3[%add3A_96] : memref<6291456xf32, #tpu.memory_space<hbm>> -> memref<24576xf32, #tpu.memory_space<hbm>>
    tpu.wait_dma2 semaphore(%arg12 : memref<!tpu.dma_semaphore, #tpu.memory_space<semaphore_mem>>) src(%dma_wait3A_120 : memref<24576xf32, #tpu.memory_space<hbm>>) dst(%arg8 : memref<24576xf32, #tpu.memory_space<vmem>>)
    %scan3A_121 = arith.constant 0 : i32
    %scan3A_122 = arith.constant 128 : i32
    %scan3A_123 = arith.addi %scan3A_121, %scan3A_122 : i32
    %scan3A_124 = arith.constant 1 : i32
    %scan3A_125:2 = scf.for %scan3A_160 = %scan3A_121 to %scan3A_123 step %scan3A_124 iter_args(%scan3A_161 = %scan3A_107#0, %scan3A_162 = %scan3A_107#1) -> (vector<16xf32>, vector<16xf32>)  : i32 {
      %mul3A_163 = arith.constant 192 : i32
      %mul3A_164 = arith.muli %scan3A_160, %mul3A_163 : i32
      %mul3A_165 = arith.constant 128 : i32
      %mul3A_166 = arith.muli %scan3A_160, %mul3A_165 : i32
      %add3A_167 = arith.constant 0 : i32
      %add3A_168 = arith.addi %mul3A_164, %add3A_167 : i32
      %add3A_169 = arith.constant 0 : i32
      %add3A_170 = arith.addi %mul3A_166, %add3A_169 : i32
      %add3A_171 = vector.broadcast %add3A_168 : i32 to vector<16xi32>
      %add3A_172 = arith.addi %add3A_171, %mul3A_7 : vector<16xi32>
      %gather3A = tpu.vector_load_idx %arg8[%add3A_172] : memref<24576xf32, #tpu.memory_space<vmem>>[vector<16xi32>], vector<16xf32>,
      %add3A_173 = arith.constant 1 : i32
      %add3A_174 = vector.broadcast %add3A_173 : i32 to vector<16xi32>
      %add3A_175 = arith.addi %mul3A_7, %add3A_174 : vector<16xi32>
      %add3A_176 = vector.broadcast %add3A_168 : i32 to vector<16xi32>
      %add3A_177 = arith.addi %add3A_176, %add3A_175 : vector<16xi32>
      %gather3A_178 = tpu.vector_load_idx %arg8[%add3A_177] : memref<24576xf32, #tpu.memory_space<vmem>>[vector<16xi32>], vector<16xf32>,
      %add3A_179 = arith.constant 2 : i32
      %add3A_180 = vector.broadcast %add3A_179 : i32 to vector<16xi32>
      %add3A_181 = arith.addi %mul3A_7, %add3A_180 : vector<16xi32>
      %add3A_182 = vector.broadcast %add3A_168 : i32 to vector<16xi32>
      %add3A_183 = arith.addi %add3A_182, %add3A_181 : vector<16xi32>
      %gather3A_184 = tpu.vector_load_idx %arg8[%add3A_183] : memref<24576xf32, #tpu.memory_space<vmem>>[vector<16xi32>], vector<16xf32>,
      %add3A_185 = vector.broadcast %add3A_170 : i32 to vector<16xi32>
      %add3A_186 = arith.addi %add3A_185, %mul3A_10 : vector<16xi32>
      %gather3A_187 = tpu.vector_load_idx %arg6[%add3A_186] : memref<16384xf32, #tpu.memory_space<vmem>>[vector<16xi32>], vector<16xf32>,
      %add3A_188 = arith.constant 1 : i32
      %add3A_189 = vector.broadcast %add3A_188 : i32 to vector<16xi32>
      %add3A_190 = arith.addi %mul3A_10, %add3A_189 : vector<16xi32>
      %add3A_191 = vector.broadcast %add3A_170 : i32 to vector<16xi32>
      %add3A_192 = arith.addi %add3A_191, %add3A_190 : vector<16xi32>
      %gather3A_193 = tpu.vector_load_idx %arg6[%add3A_192] : memref<16384xf32, #tpu.memory_space<vmem>>[vector<16xi32>], vector<16xf32>,
      %sub3A = arith.subf %gather3A_178, %gather3A_187 : vector<16xf32>
      %abs3A = math.absf %sub3A : vector<16xf32>
      %sub3A_194 = arith.subf %gather3A_184, %gather3A_193 : vector<16xf32>
      %abs3A_195 = math.absf %sub3A_194 : vector<16xf32>
      %lt3A = arith.constant 0.111111112 : f32
      %lt3A_196 = vector.broadcast %lt3A : f32 to vector<16xf32>
      %lt3A_197 = arith.cmpf olt, %abs3A, %lt3A_196 : vector<16xf32>
      %mul3A_198 = arith.constant 4.500000e+00 : f32
      %mul3A_199 = vector.broadcast %mul3A_198 : f32 to vector<16xf32>
      %mul3A_200 = arith.mulf %mul3A_199, %abs3A : vector<16xf32>
      %mul3A_201 = arith.mulf %mul3A_200, %abs3A : vector<16xf32>
      %sub3A_202 = arith.constant 0.055555556 : f32
      %sub3A_203 = vector.broadcast %sub3A_202 : f32 to vector<16xf32>
      %sub3A_204 = arith.subf %abs3A, %sub3A_203 : vector<16xf32>
      %select_n3A = arith.select %lt3A_197, %mul3A_201, %sub3A_204 : vector<16xi1>, vector<16xf32>
      %lt3A_205 = arith.constant 0.111111112 : f32
      %lt3A_206 = vector.broadcast %lt3A_205 : f32 to vector<16xf32>
      %lt3A_207 = arith.cmpf olt, %abs3A_195, %lt3A_206 : vector<16xf32>
      %mul3A_208 = arith.constant 4.500000e+00 : f32
      %mul3A_209 = vector.broadcast %mul3A_208 : f32 to vector<16xf32>
      %mul3A_210 = arith.mulf %mul3A_209, %abs3A_195 : vector<16xf32>
      %mul3A_211 = arith.mulf %mul3A_210, %abs3A_195 : vector<16xf32>
      %sub3A_212 = arith.constant 0.055555556 : f32
      %sub3A_213 = vector.broadcast %sub3A_212 : f32 to vector<16xf32>
      %sub3A_214 = arith.subf %abs3A_195, %sub3A_213 : vector<16xf32>
      %select_n3A_215 = arith.select %lt3A_207, %mul3A_211, %sub3A_214 : vector<16xi1>, vector<16xf32>
      %eq3A = arith.constant 1.000000e+00 : f32
      %eq3A_216 = vector.broadcast %eq3A : f32 to vector<16xf32>
      %eq3A_217 = arith.cmpf oeq, %gather3A, %eq3A_216 : vector<16xf32>
      %add3A_218 = arith.addf %select_n3A, %select_n3A_215 : vector<16xf32>
      %jit3A = arith.constant 0.000000e+00 : f32
      %broadcast_in_dim3A_219 = vector.broadcast %jit3A : f32 to vector<16xf32>
      %select_n3A_220 = arith.select %eq3A_217, %add3A_218, %broadcast_in_dim3A_219 : vector<16xi1>, vector<16xf32>
      %add3A_221 = arith.addf %scan3A_161, %select_n3A_220 : vector<16xf32>
      %jit3A_222 = arith.constant 1.000000e+00 : f32
      %jit3A_223 = arith.constant 0.000000e+00 : f32
      %broadcast_in_dim3A_224 = vector.broadcast %jit3A_222 : f32 to vector<16xf32>
      %broadcast_in_dim3A_225 = vector.broadcast %jit3A_223 : f32 to vector<16xf32>
      %select_n3A_226 = arith.select %eq3A_217, %broadcast_in_dim3A_224, %broadcast_in_dim3A_225 : vector<16xi1>, vector<16xf32>
      %add3A_227 = arith.addf %scan3A_162, %select_n3A_226 : vector<16xf32>
      %add3A_228 = arith.constant 48 : i32
      %add3A_229 = arith.addi %mul3A_164, %add3A_228 : i32
      %add3A_230 = arith.constant 32 : i32
      %add3A_231 = arith.addi %mul3A_166, %add3A_230 : i32
      %add3A_232 = vector.broadcast %add3A_229 : i32 to vector<16xi32>
      %add3A_233 = arith.addi %add3A_232, %mul3A_7 : vector<16xi32>
      %gather3A_234 = tpu.vector_load_idx %arg8[%add3A_233] : memref<24576xf32, #tpu.memory_space<vmem>>[vector<16xi32>], vector<16xf32>,
      %add3A_235 = arith.constant 1 : i32
      %add3A_236 = vector.broadcast %add3A_235 : i32 to vector<16xi32>
      %add3A_237 = arith.addi %mul3A_7, %add3A_236 : vector<16xi32>
      %add3A_238 = vector.broadcast %add3A_229 : i32 to vector<16xi32>
      %add3A_239 = arith.addi %add3A_238, %add3A_237 : vector<16xi32>
      %gather3A_240 = tpu.vector_load_idx %arg8[%add3A_239] : memref<24576xf32, #tpu.memory_space<vmem>>[vector<16xi32>], vector<16xf32>,
      %add3A_241 = arith.constant 2 : i32
      %add3A_242 = vector.broadcast %add3A_241 : i32 to vector<16xi32>
      %add3A_243 = arith.addi %mul3A_7, %add3A_242 : vector<16xi32>
      %add3A_244 = vector.broadcast %add3A_229 : i32 to vector<16xi32>
      %add3A_245 = arith.addi %add3A_244, %add3A_243 : vector<16xi32>
      %gather3A_246 = tpu.vector_load_idx %arg8[%add3A_245] : memref<24576xf32, #tpu.memory_space<vmem>>[vector<16xi32>], vector<16xf32>,
      %add3A_247 = vector.broadcast %add3A_231 : i32 to vector<16xi32>
      %add3A_248 = arith.addi %add3A_247, %mul3A_10 : vector<16xi32>
      %gather3A_249 = tpu.vector_load_idx %arg6[%add3A_248] : memref<16384xf32, #tpu.memory_space<vmem>>[vector<16xi32>], vector<16xf32>,
      %add3A_250 = arith.constant 1 : i32
      %add3A_251 = vector.broadcast %add3A_250 : i32 to vector<16xi32>
      %add3A_252 = arith.addi %mul3A_10, %add3A_251 : vector<16xi32>
      %add3A_253 = vector.broadcast %add3A_231 : i32 to vector<16xi32>
      %add3A_254 = arith.addi %add3A_253, %add3A_252 : vector<16xi32>
      %gather3A_255 = tpu.vector_load_idx %arg6[%add3A_254] : memref<16384xf32, #tpu.memory_space<vmem>>[vector<16xi32>], vector<16xf32>,
      %sub3A_256 = arith.subf %gather3A_240, %gather3A_249 : vector<16xf32>
      %abs3A_257 = math.absf %sub3A_256 : vector<16xf32>
      %sub3A_258 = arith.subf %gather3A_246, %gather3A_255 : vector<16xf32>
      %abs3A_259 = math.absf %sub3A_258 : vector<16xf32>
      %lt3A_260 = arith.constant 0.111111112 : f32
      %lt3A_261 = vector.broadcast %lt3A_260 : f32 to vector<16xf32>
      %lt3A_262 = arith.cmpf olt, %abs3A_257, %lt3A_261 : vector<16xf32>
      %mul3A_263 = arith.constant 4.500000e+00 : f32
      %mul3A_264 = vector.broadcast %mul3A_263 : f32 to vector<16xf32>
      %mul3A_265 = arith.mulf %mul3A_264, %abs3A_257 : vector<16xf32>
      %mul3A_266 = arith.mulf %mul3A_265, %abs3A_257 : vector<16xf32>
      %sub3A_267 = arith.constant 0.055555556 : f32
      %sub3A_268 = vector.broadcast %sub3A_267 : f32 to vector<16xf32>
      %sub3A_269 = arith.subf %abs3A_257, %sub3A_268 : vector<16xf32>
      %select_n3A_270 = arith.select %lt3A_262, %mul3A_266, %sub3A_269 : vector<16xi1>, vector<16xf32>
      %lt3A_271 = arith.constant 0.111111112 : f32
      %lt3A_272 = vector.broadcast %lt3A_271 : f32 to vector<16xf32>
      %lt3A_273 = arith.cmpf olt, %abs3A_259, %lt3A_272 : vector<16xf32>
      %mul3A_274 = arith.constant 4.500000e+00 : f32
      %mul3A_275 = vector.broadcast %mul3A_274 : f32 to vector<16xf32>
      %mul3A_276 = arith.mulf %mul3A_275, %abs3A_259 : vector<16xf32>
      %mul3A_277 = arith.mulf %mul3A_276, %abs3A_259 : vector<16xf32>
      %sub3A_278 = arith.constant 0.055555556 : f32
      %sub3A_279 = vector.broadcast %sub3A_278 : f32 to vector<16xf32>
      %sub3A_280 = arith.subf %abs3A_259, %sub3A_279 : vector<16xf32>
      %select_n3A_281 = arith.select %lt3A_273, %mul3A_277, %sub3A_280 : vector<16xi1>, vector<16xf32>
      %eq3A_282 = arith.constant 1.000000e+00 : f32
      %eq3A_283 = vector.broadcast %eq3A_282 : f32 to vector<16xf32>
      %eq3A_284 = arith.cmpf oeq, %gather3A_234, %eq3A_283 : vector<16xf32>
      %add3A_285 = arith.addf %select_n3A_270, %select_n3A_281 : vector<16xf32>
      %jit3A_286 = arith.constant 0.000000e+00 : f32
      %broadcast_in_dim3A_287 = vector.broadcast %jit3A_286 : f32 to vector<16xf32>
      %select_n3A_288 = arith.select %eq3A_284, %add3A_285, %broadcast_in_dim3A_287 : vector<16xi1>, vector<16xf32>
      %add3A_289 = arith.addf %add3A_221, %select_n3A_288 : vector<16xf32>
      %jit3A_290 = arith.constant 1.000000e+00 : f32
      %jit3A_291 = arith.constant 0.000000e+00 : f32
      %broadcast_in_dim3A_292 = vector.broadcast %jit3A_290 : f32 to vector<16xf32>
      %broadcast_in_dim3A_293 = vector.broadcast %jit3A_291 : f32 to vector<16xf32>
      %select_n3A_294 = arith.select %eq3A_284, %broadcast_in_dim3A_292, %broadcast_in_dim3A_293 : vector<16xi1>, vector<16xf32>
      %add3A_295 = arith.addf %add3A_227, %select_n3A_294 : vector<16xf32>
      %add3A_296 = arith.constant 96 : i32
      %add3A_297 = arith.addi %mul3A_164, %add3A_296 : i32
      %add3A_298 = arith.constant 64 : i32
      %add3A_299 = arith.addi %mul3A_166, %add3A_298 : i32
      %add3A_300 = vector.broadcast %add3A_297 : i32 to vector<16xi32>
      %add3A_301 = arith.addi %add3A_300, %mul3A_7 : vector<16xi32>
      %gather3A_302 = tpu.vector_load_idx %arg8[%add3A_301] : memref<24576xf32, #tpu.memory_space<vmem>>[vector<16xi32>], vector<16xf32>,
      %add3A_303 = arith.constant 1 : i32
      %add3A_304 = vector.broadcast %add3A_303 : i32 to vector<16xi32>
      %add3A_305 = arith.addi %mul3A_7, %add3A_304 : vector<16xi32>
      %add3A_306 = vector.broadcast %add3A_297 : i32 to vector<16xi32>
      %add3A_307 = arith.addi %add3A_306, %add3A_305 : vector<16xi32>
      %gather3A_308 = tpu.vector_load_idx %arg8[%add3A_307] : memref<24576xf32, #tpu.memory_space<vmem>>[vector<16xi32>], vector<16xf32>,
      %add3A_309 = arith.constant 2 : i32
      %add3A_310 = vector.broadcast %add3A_309 : i32 to vector<16xi32>
      %add3A_311 = arith.addi %mul3A_7, %add3A_310 : vector<16xi32>
      %add3A_312 = vector.broadcast %add3A_297 : i32 to vector<16xi32>
      %add3A_313 = arith.addi %add3A_312, %add3A_311 : vector<16xi32>
      %gather3A_314 = tpu.vector_load_idx %arg8[%add3A_313] : memref<24576xf32, #tpu.memory_space<vmem>>[vector<16xi32>], vector<16xf32>,
      %add3A_315 = vector.broadcast %add3A_299 : i32 to vector<16xi32>
      %add3A_316 = arith.addi %add3A_315, %mul3A_10 : vector<16xi32>
      %gather3A_317 = tpu.vector_load_idx %arg6[%add3A_316] : memref<16384xf32, #tpu.memory_space<vmem>>[vector<16xi32>], vector<16xf32>,
      %add3A_318 = arith.constant 1 : i32
      %add3A_319 = vector.broadcast %add3A_318 : i32 to vector<16xi32>
      %add3A_320 = arith.addi %mul3A_10, %add3A_319 : vector<16xi32>
      %add3A_321 = vector.broadcast %add3A_299 : i32 to vector<16xi32>
      %add3A_322 = arith.addi %add3A_321, %add3A_320 : vector<16xi32>
      %gather3A_323 = tpu.vector_load_idx %arg6[%add3A_322] : memref<16384xf32, #tpu.memory_space<vmem>>[vector<16xi32>], vector<16xf32>,
      %sub3A_324 = arith.subf %gather3A_308, %gather3A_317 : vector<16xf32>
      %abs3A_325 = math.absf %sub3A_324 : vector<16xf32>
      %sub3A_326 = arith.subf %gather3A_314, %gather3A_323 : vector<16xf32>
      %abs3A_327 = math.absf %sub3A_326 : vector<16xf32>
      %lt3A_328 = arith.constant 0.111111112 : f32
      %lt3A_329 = vector.broadcast %lt3A_328 : f32 to vector<16xf32>
      %lt3A_330 = arith.cmpf olt, %abs3A_325, %lt3A_329 : vector<16xf32>
      %mul3A_331 = arith.constant 4.500000e+00 : f32
      %mul3A_332 = vector.broadcast %mul3A_331 : f32 to vector<16xf32>
      %mul3A_333 = arith.mulf %mul3A_332, %abs3A_325 : vector<16xf32>
      %mul3A_334 = arith.mulf %mul3A_333, %abs3A_325 : vector<16xf32>
      %sub3A_335 = arith.constant 0.055555556 : f32
      %sub3A_336 = vector.broadcast %sub3A_335 : f32 to vector<16xf32>
      %sub3A_337 = arith.subf %abs3A_325, %sub3A_336 : vector<16xf32>
      %select_n3A_338 = arith.select %lt3A_330, %mul3A_334, %sub3A_337 : vector<16xi1>, vector<16xf32>
      %lt3A_339 = arith.constant 0.111111112 : f32
      %lt3A_340 = vector.broadcast %lt3A_339 : f32 to vector<16xf32>
      %lt3A_341 = arith.cmpf olt, %abs3A_327, %lt3A_340 : vector<16xf32>
      %mul3A_342 = arith.constant 4.500000e+00 : f32
      %mul3A_343 = vector.broadcast %mul3A_342 : f32 to vector<16xf32>
      %mul3A_344 = arith.mulf %mul3A_343, %abs3A_327 : vector<16xf32>
      %mul3A_345 = arith.mulf %mul3A_344, %abs3A_327 : vector<16xf32>
      %sub3A_346 = arith.constant 0.055555556 : f32
      %sub3A_347 = vector.broadcast %sub3A_346 : f32 to vector<16xf32>
      %sub3A_348 = arith.subf %abs3A_327, %sub3A_347 : vector<16xf32>
      %select_n3A_349 = arith.select %lt3A_341, %mul3A_345, %sub3A_348 : vector<16xi1>, vector<16xf32>
      %eq3A_350 = arith.constant 1.000000e+00 : f32
      %eq3A_351 = vector.broadcast %eq3A_350 : f32 to vector<16xf32>
      %eq3A_352 = arith.cmpf oeq, %gather3A_302, %eq3A_351 : vector<16xf32>
      %add3A_353 = arith.addf %select_n3A_338, %select_n3A_349 : vector<16xf32>
      %jit3A_354 = arith.constant 0.000000e+00 : f32
      %broadcast_in_dim3A_355 = vector.broadcast %jit3A_354 : f32 to vector<16xf32>
      %select_n3A_356 = arith.select %eq3A_352, %add3A_353, %broadcast_in_dim3A_355 : vector<16xi1>, vector<16xf32>
      %add3A_357 = arith.addf %add3A_289, %select_n3A_356 : vector<16xf32>
      %jit3A_358 = arith.constant 1.000000e+00 : f32
      %jit3A_359 = arith.constant 0.000000e+00 : f32
      %broadcast_in_dim3A_360 = vector.broadcast %jit3A_358 : f32 to vector<16xf32>
      %broadcast_in_dim3A_361 = vector.broadcast %jit3A_359 : f32 to vector<16xf32>
      %select_n3A_362 = arith.select %eq3A_352, %broadcast_in_dim3A_360, %broadcast_in_dim3A_361 : vector<16xi1>, vector<16xf32>
      %add3A_363 = arith.addf %add3A_295, %select_n3A_362 : vector<16xf32>
      %add3A_364 = arith.constant 144 : i32
      %add3A_365 = arith.addi %mul3A_164, %add3A_364 : i32
      %add3A_366 = arith.constant 96 : i32
      %add3A_367 = arith.addi %mul3A_166, %add3A_366 : i32
      %add3A_368 = vector.broadcast %add3A_365 : i32 to vector<16xi32>
      %add3A_369 = arith.addi %add3A_368, %mul3A_7 : vector<16xi32>
      %gather3A_370 = tpu.vector_load_idx %arg8[%add3A_369] : memref<24576xf32, #tpu.memory_space<vmem>>[vector<16xi32>], vector<16xf32>,
      %add3A_371 = arith.constant 1 : i32
      %add3A_372 = vector.broadcast %add3A_371 : i32 to vector<16xi32>
      %add3A_373 = arith.addi %mul3A_7, %add3A_372 : vector<16xi32>
      %add3A_374 = vector.broadcast %add3A_365 : i32 to vector<16xi32>
      %add3A_375 = arith.addi %add3A_374, %add3A_373 : vector<16xi32>
      %gather3A_376 = tpu.vector_load_idx %arg8[%add3A_375] : memref<24576xf32, #tpu.memory_space<vmem>>[vector<16xi32>], vector<16xf32>,
      %add3A_377 = arith.constant 2 : i32
      %add3A_378 = vector.broadcast %add3A_377 : i32 to vector<16xi32>
      %add3A_379 = arith.addi %mul3A_7, %add3A_378 : vector<16xi32>
      %add3A_380 = vector.broadcast %add3A_365 : i32 to vector<16xi32>
      %add3A_381 = arith.addi %add3A_380, %add3A_379 : vector<16xi32>
      %gather3A_382 = tpu.vector_load_idx %arg8[%add3A_381] : memref<24576xf32, #tpu.memory_space<vmem>>[vector<16xi32>], vector<16xf32>,
      %add3A_383 = vector.broadcast %add3A_367 : i32 to vector<16xi32>
      %add3A_384 = arith.addi %add3A_383, %mul3A_10 : vector<16xi32>
      %gather3A_385 = tpu.vector_load_idx %arg6[%add3A_384] : memref<16384xf32, #tpu.memory_space<vmem>>[vector<16xi32>], vector<16xf32>,
      %add3A_386 = arith.constant 1 : i32
      %add3A_387 = vector.broadcast %add3A_386 : i32 to vector<16xi32>
      %add3A_388 = arith.addi %mul3A_10, %add3A_387 : vector<16xi32>
      %add3A_389 = vector.broadcast %add3A_367 : i32 to vector<16xi32>
      %add3A_390 = arith.addi %add3A_389, %add3A_388 : vector<16xi32>
      %gather3A_391 = tpu.vector_load_idx %arg6[%add3A_390] : memref<16384xf32, #tpu.memory_space<vmem>>[vector<16xi32>], vector<16xf32>,
      %sub3A_392 = arith.subf %gather3A_376, %gather3A_385 : vector<16xf32>
      %abs3A_393 = math.absf %sub3A_392 : vector<16xf32>
      %sub3A_394 = arith.subf %gather3A_382, %gather3A_391 : vector<16xf32>
      %abs3A_395 = math.absf %sub3A_394 : vector<16xf32>
      %lt3A_396 = arith.constant 0.111111112 : f32
      %lt3A_397 = vector.broadcast %lt3A_396 : f32 to vector<16xf32>
      %lt3A_398 = arith.cmpf olt, %abs3A_393, %lt3A_397 : vector<16xf32>
      %mul3A_399 = arith.constant 4.500000e+00 : f32
      %mul3A_400 = vector.broadcast %mul3A_399 : f32 to vector<16xf32>
      %mul3A_401 = arith.mulf %mul3A_400, %abs3A_393 : vector<16xf32>
      %mul3A_402 = arith.mulf %mul3A_401, %abs3A_393 : vector<16xf32>
      %sub3A_403 = arith.constant 0.055555556 : f32
      %sub3A_404 = vector.broadcast %sub3A_403 : f32 to vector<16xf32>
      %sub3A_405 = arith.subf %abs3A_393, %sub3A_404 : vector<16xf32>
      %select_n3A_406 = arith.select %lt3A_398, %mul3A_402, %sub3A_405 : vector<16xi1>, vector<16xf32>
      %lt3A_407 = arith.constant 0.111111112 : f32
      %lt3A_408 = vector.broadcast %lt3A_407 : f32 to vector<16xf32>
      %lt3A_409 = arith.cmpf olt, %abs3A_395, %lt3A_408 : vector<16xf32>
      %mul3A_410 = arith.constant 4.500000e+00 : f32
      %mul3A_411 = vector.broadcast %mul3A_410 : f32 to vector<16xf32>
      %mul3A_412 = arith.mulf %mul3A_411, %abs3A_395 : vector<16xf32>
      %mul3A_413 = arith.mulf %mul3A_412, %abs3A_395 : vector<16xf32>
      %sub3A_414 = arith.constant 0.055555556 : f32
      %sub3A_415 = vector.broadcast %sub3A_414 : f32 to vector<16xf32>
      %sub3A_416 = arith.subf %abs3A_395, %sub3A_415 : vector<16xf32>
      %select_n3A_417 = arith.select %lt3A_409, %mul3A_413, %sub3A_416 : vector<16xi1>, vector<16xf32>
      %eq3A_418 = arith.constant 1.000000e+00 : f32
      %eq3A_419 = vector.broadcast %eq3A_418 : f32 to vector<16xf32>
      %eq3A_420 = arith.cmpf oeq, %gather3A_370, %eq3A_419 : vector<16xf32>
      %add3A_421 = arith.addf %select_n3A_406, %select_n3A_417 : vector<16xf32>
      %jit3A_422 = arith.constant 0.000000e+00 : f32
      %broadcast_in_dim3A_423 = vector.broadcast %jit3A_422 : f32 to vector<16xf32>
      %select_n3A_424 = arith.select %eq3A_420, %add3A_421, %broadcast_in_dim3A_423 : vector<16xi1>, vector<16xf32>
      %add3A_425 = arith.addf %add3A_357, %select_n3A_424 : vector<16xf32>
      %jit3A_426 = arith.constant 1.000000e+00 : f32
      %jit3A_427 = arith.constant 0.000000e+00 : f32
      %broadcast_in_dim3A_428 = vector.broadcast %jit3A_426 : f32 to vector<16xf32>
      %broadcast_in_dim3A_429 = vector.broadcast %jit3A_427 : f32 to vector<16xf32>
      %select_n3A_430 = arith.select %eq3A_420, %broadcast_in_dim3A_428, %broadcast_in_dim3A_429 : vector<16xi1>, vector<16xf32>
      %add3A_431 = arith.addf %add3A_363, %select_n3A_430 : vector<16xf32>
      scf.yield %add3A_425, %add3A_431 : vector<16xf32>, vector<16xf32>
    }
    %scan3A_126 = arith.constant 128 : i32
    %add3A_127 = arith.constant 114688 : i32
    %add3A_128 = arith.addi %mul3A_2, %add3A_127 : i32
    %dma_start3A_129 = tpu.memref_slice %arg2[%add3A_128] : memref<4194304xf32, #tpu.memory_space<hbm>> -> memref<16384xf32, #tpu.memory_space<hbm>>
    %dma_start3A_130 = tpu.memref_slice %arg2[%add3A_128] : memref<4194304xf32, #tpu.memory_space<hbm>> -> memref<16384xf32, #tpu.memory_space<hbm>>
    tpu.enqueue_dma source(%dma_start3A_130 : memref<16384xf32, #tpu.memory_space<hbm>>) target(%arg6 : memref<16384xf32, #tpu.memory_space<vmem>>) target_semaphore(%arg12 : memref<!tpu.dma_semaphore, #tpu.memory_space<semaphore_mem>>)
    %add3A_131 = arith.constant 172032 : i32
    %add3A_132 = arith.addi %mul3A_4, %add3A_131 : i32
    %dma_start3A_133 = tpu.memref_slice %arg3[%add3A_132] : memref<6291456xf32, #tpu.memory_space<hbm>> -> memref<24576xf32, #tpu.memory_space<hbm>>
    %dma_start3A_134 = tpu.memref_slice %arg3[%add3A_132] : memref<6291456xf32, #tpu.memory_space<hbm>> -> memref<24576xf32, #tpu.memory_space<hbm>>
    tpu.enqueue_dma source(%dma_start3A_134 : memref<24576xf32, #tpu.memory_space<hbm>>) target(%arg8 : memref<24576xf32, #tpu.memory_space<vmem>>) target_semaphore(%arg12 : memref<!tpu.dma_semaphore, #tpu.memory_space<semaphore_mem>>)
    %dma_wait3A_135 = tpu.memref_slice %arg2[%add3A_110] : memref<4194304xf32, #tpu.memory_space<hbm>> -> memref<16384xf32, #tpu.memory_space<hbm>>
    %dma_wait3A_136 = tpu.memref_slice %arg2[%add3A_110] : memref<4194304xf32, #tpu.memory_space<hbm>> -> memref<16384xf32, #tpu.memory_space<hbm>>
    tpu.wait_dma2 semaphore(%arg11 : memref<!tpu.dma_semaphore, #tpu.memory_space<semaphore_mem>>) src(%dma_wait3A_136 : memref<16384xf32, #tpu.memory_space<hbm>>) dst(%arg5 : memref<16384xf32, #tpu.memory_space<vmem>>)
    %dma_wait3A_137 = tpu.memref_slice %arg3[%add3A_114] : memref<6291456xf32, #tpu.memory_space<hbm>> -> memref<24576xf32, #tpu.memory_space<hbm>>
    %dma_wait3A_138 = tpu.memref_slice %arg3[%add3A_114] : memref<6291456xf32, #tpu.memory_space<hbm>> -> memref<24576xf32, #tpu.memory_space<hbm>>
    tpu.wait_dma2 semaphore(%arg11 : memref<!tpu.dma_semaphore, #tpu.memory_space<semaphore_mem>>) src(%dma_wait3A_138 : memref<24576xf32, #tpu.memory_space<hbm>>) dst(%arg7 : memref<24576xf32, #tpu.memory_space<vmem>>)
    %scan3A_139 = arith.constant 0 : i32
    %scan3A_140 = arith.constant 128 : i32
    %scan3A_141 = arith.addi %scan3A_139, %scan3A_140 : i32
    %scan3A_142 = arith.constant 1 : i32
    %scan3A_143:2 = scf.for %scan3A_160 = %scan3A_139 to %scan3A_141 step %scan3A_142 iter_args(%scan3A_161 = %scan3A_125#0, %scan3A_162 = %scan3A_125#1) -> (vector<16xf32>, vector<16xf32>)  : i32 {
      %mul3A_163 = arith.constant 192 : i32
      %mul3A_164 = arith.muli %scan3A_160, %mul3A_163 : i32
      %mul3A_165 = arith.constant 128 : i32
      %mul3A_166 = arith.muli %scan3A_160, %mul3A_165 : i32
      %add3A_167 = arith.constant 0 : i32
      %add3A_168 = arith.addi %mul3A_164, %add3A_167 : i32
      %add3A_169 = arith.constant 0 : i32
      %add3A_170 = arith.addi %mul3A_166, %add3A_169 : i32
      %add3A_171 = vector.broadcast %add3A_168 : i32 to vector<16xi32>
      %add3A_172 = arith.addi %add3A_171, %mul3A_7 : vector<16xi32>
      %gather3A = tpu.vector_load_idx %arg7[%add3A_172] : memref<24576xf32, #tpu.memory_space<vmem>>[vector<16xi32>], vector<16xf32>,
      %add3A_173 = arith.constant 1 : i32
      %add3A_174 = vector.broadcast %add3A_173 : i32 to vector<16xi32>
      %add3A_175 = arith.addi %mul3A_7, %add3A_174 : vector<16xi32>
      %add3A_176 = vector.broadcast %add3A_168 : i32 to vector<16xi32>
      %add3A_177 = arith.addi %add3A_176, %add3A_175 : vector<16xi32>
      %gather3A_178 = tpu.vector_load_idx %arg7[%add3A_177] : memref<24576xf32, #tpu.memory_space<vmem>>[vector<16xi32>], vector<16xf32>,
      %add3A_179 = arith.constant 2 : i32
      %add3A_180 = vector.broadcast %add3A_179 : i32 to vector<16xi32>
      %add3A_181 = arith.addi %mul3A_7, %add3A_180 : vector<16xi32>
      %add3A_182 = vector.broadcast %add3A_168 : i32 to vector<16xi32>
      %add3A_183 = arith.addi %add3A_182, %add3A_181 : vector<16xi32>
      %gather3A_184 = tpu.vector_load_idx %arg7[%add3A_183] : memref<24576xf32, #tpu.memory_space<vmem>>[vector<16xi32>], vector<16xf32>,
      %add3A_185 = vector.broadcast %add3A_170 : i32 to vector<16xi32>
      %add3A_186 = arith.addi %add3A_185, %mul3A_10 : vector<16xi32>
      %gather3A_187 = tpu.vector_load_idx %arg5[%add3A_186] : memref<16384xf32, #tpu.memory_space<vmem>>[vector<16xi32>], vector<16xf32>,
      %add3A_188 = arith.constant 1 : i32
      %add3A_189 = vector.broadcast %add3A_188 : i32 to vector<16xi32>
      %add3A_190 = arith.addi %mul3A_10, %add3A_189 : vector<16xi32>
      %add3A_191 = vector.broadcast %add3A_170 : i32 to vector<16xi32>
      %add3A_192 = arith.addi %add3A_191, %add3A_190 : vector<16xi32>
      %gather3A_193 = tpu.vector_load_idx %arg5[%add3A_192] : memref<16384xf32, #tpu.memory_space<vmem>>[vector<16xi32>], vector<16xf32>,
      %sub3A = arith.subf %gather3A_178, %gather3A_187 : vector<16xf32>
      %abs3A = math.absf %sub3A : vector<16xf32>
      %sub3A_194 = arith.subf %gather3A_184, %gather3A_193 : vector<16xf32>
      %abs3A_195 = math.absf %sub3A_194 : vector<16xf32>
      %lt3A = arith.constant 0.111111112 : f32
      %lt3A_196 = vector.broadcast %lt3A : f32 to vector<16xf32>
      %lt3A_197 = arith.cmpf olt, %abs3A, %lt3A_196 : vector<16xf32>
      %mul3A_198 = arith.constant 4.500000e+00 : f32
      %mul3A_199 = vector.broadcast %mul3A_198 : f32 to vector<16xf32>
      %mul3A_200 = arith.mulf %mul3A_199, %abs3A : vector<16xf32>
      %mul3A_201 = arith.mulf %mul3A_200, %abs3A : vector<16xf32>
      %sub3A_202 = arith.constant 0.055555556 : f32
      %sub3A_203 = vector.broadcast %sub3A_202 : f32 to vector<16xf32>
      %sub3A_204 = arith.subf %abs3A, %sub3A_203 : vector<16xf32>
      %select_n3A = arith.select %lt3A_197, %mul3A_201, %sub3A_204 : vector<16xi1>, vector<16xf32>
      %lt3A_205 = arith.constant 0.111111112 : f32
      %lt3A_206 = vector.broadcast %lt3A_205 : f32 to vector<16xf32>
      %lt3A_207 = arith.cmpf olt, %abs3A_195, %lt3A_206 : vector<16xf32>
      %mul3A_208 = arith.constant 4.500000e+00 : f32
      %mul3A_209 = vector.broadcast %mul3A_208 : f32 to vector<16xf32>
      %mul3A_210 = arith.mulf %mul3A_209, %abs3A_195 : vector<16xf32>
      %mul3A_211 = arith.mulf %mul3A_210, %abs3A_195 : vector<16xf32>
      %sub3A_212 = arith.constant 0.055555556 : f32
      %sub3A_213 = vector.broadcast %sub3A_212 : f32 to vector<16xf32>
      %sub3A_214 = arith.subf %abs3A_195, %sub3A_213 : vector<16xf32>
      %select_n3A_215 = arith.select %lt3A_207, %mul3A_211, %sub3A_214 : vector<16xi1>, vector<16xf32>
      %eq3A = arith.constant 1.000000e+00 : f32
      %eq3A_216 = vector.broadcast %eq3A : f32 to vector<16xf32>
      %eq3A_217 = arith.cmpf oeq, %gather3A, %eq3A_216 : vector<16xf32>
      %add3A_218 = arith.addf %select_n3A, %select_n3A_215 : vector<16xf32>
      %jit3A = arith.constant 0.000000e+00 : f32
      %broadcast_in_dim3A_219 = vector.broadcast %jit3A : f32 to vector<16xf32>
      %select_n3A_220 = arith.select %eq3A_217, %add3A_218, %broadcast_in_dim3A_219 : vector<16xi1>, vector<16xf32>
      %add3A_221 = arith.addf %scan3A_161, %select_n3A_220 : vector<16xf32>
      %jit3A_222 = arith.constant 1.000000e+00 : f32
      %jit3A_223 = arith.constant 0.000000e+00 : f32
      %broadcast_in_dim3A_224 = vector.broadcast %jit3A_222 : f32 to vector<16xf32>
      %broadcast_in_dim3A_225 = vector.broadcast %jit3A_223 : f32 to vector<16xf32>
      %select_n3A_226 = arith.select %eq3A_217, %broadcast_in_dim3A_224, %broadcast_in_dim3A_225 : vector<16xi1>, vector<16xf32>
      %add3A_227 = arith.addf %scan3A_162, %select_n3A_226 : vector<16xf32>
      %add3A_228 = arith.constant 48 : i32
      %add3A_229 = arith.addi %mul3A_164, %add3A_228 : i32
      %add3A_230 = arith.constant 32 : i32
      %add3A_231 = arith.addi %mul3A_166, %add3A_230 : i32
      %add3A_232 = vector.broadcast %add3A_229 : i32 to vector<16xi32>
      %add3A_233 = arith.addi %add3A_232, %mul3A_7 : vector<16xi32>
      %gather3A_234 = tpu.vector_load_idx %arg7[%add3A_233] : memref<24576xf32, #tpu.memory_space<vmem>>[vector<16xi32>], vector<16xf32>,
      %add3A_235 = arith.constant 1 : i32
      %add3A_236 = vector.broadcast %add3A_235 : i32 to vector<16xi32>
      %add3A_237 = arith.addi %mul3A_7, %add3A_236 : vector<16xi32>
      %add3A_238 = vector.broadcast %add3A_229 : i32 to vector<16xi32>
      %add3A_239 = arith.addi %add3A_238, %add3A_237 : vector<16xi32>
      %gather3A_240 = tpu.vector_load_idx %arg7[%add3A_239] : memref<24576xf32, #tpu.memory_space<vmem>>[vector<16xi32>], vector<16xf32>,
      %add3A_241 = arith.constant 2 : i32
      %add3A_242 = vector.broadcast %add3A_241 : i32 to vector<16xi32>
      %add3A_243 = arith.addi %mul3A_7, %add3A_242 : vector<16xi32>
      %add3A_244 = vector.broadcast %add3A_229 : i32 to vector<16xi32>
      %add3A_245 = arith.addi %add3A_244, %add3A_243 : vector<16xi32>
      %gather3A_246 = tpu.vector_load_idx %arg7[%add3A_245] : memref<24576xf32, #tpu.memory_space<vmem>>[vector<16xi32>], vector<16xf32>,
      %add3A_247 = vector.broadcast %add3A_231 : i32 to vector<16xi32>
      %add3A_248 = arith.addi %add3A_247, %mul3A_10 : vector<16xi32>
      %gather3A_249 = tpu.vector_load_idx %arg5[%add3A_248] : memref<16384xf32, #tpu.memory_space<vmem>>[vector<16xi32>], vector<16xf32>,
      %add3A_250 = arith.constant 1 : i32
      %add3A_251 = vector.broadcast %add3A_250 : i32 to vector<16xi32>
      %add3A_252 = arith.addi %mul3A_10, %add3A_251 : vector<16xi32>
      %add3A_253 = vector.broadcast %add3A_231 : i32 to vector<16xi32>
      %add3A_254 = arith.addi %add3A_253, %add3A_252 : vector<16xi32>
      %gather3A_255 = tpu.vector_load_idx %arg5[%add3A_254] : memref<16384xf32, #tpu.memory_space<vmem>>[vector<16xi32>], vector<16xf32>,
      %sub3A_256 = arith.subf %gather3A_240, %gather3A_249 : vector<16xf32>
      %abs3A_257 = math.absf %sub3A_256 : vector<16xf32>
      %sub3A_258 = arith.subf %gather3A_246, %gather3A_255 : vector<16xf32>
      %abs3A_259 = math.absf %sub3A_258 : vector<16xf32>
      %lt3A_260 = arith.constant 0.111111112 : f32
      %lt3A_261 = vector.broadcast %lt3A_260 : f32 to vector<16xf32>
      %lt3A_262 = arith.cmpf olt, %abs3A_257, %lt3A_261 : vector<16xf32>
      %mul3A_263 = arith.constant 4.500000e+00 : f32
      %mul3A_264 = vector.broadcast %mul3A_263 : f32 to vector<16xf32>
      %mul3A_265 = arith.mulf %mul3A_264, %abs3A_257 : vector<16xf32>
      %mul3A_266 = arith.mulf %mul3A_265, %abs3A_257 : vector<16xf32>
      %sub3A_267 = arith.constant 0.055555556 : f32
      %sub3A_268 = vector.broadcast %sub3A_267 : f32 to vector<16xf32>
      %sub3A_269 = arith.subf %abs3A_257, %sub3A_268 : vector<16xf32>
      %select_n3A_270 = arith.select %lt3A_262, %mul3A_266, %sub3A_269 : vector<16xi1>, vector<16xf32>
      %lt3A_271 = arith.constant 0.111111112 : f32
      %lt3A_272 = vector.broadcast %lt3A_271 : f32 to vector<16xf32>
      %lt3A_273 = arith.cmpf olt, %abs3A_259, %lt3A_272 : vector<16xf32>
      %mul3A_274 = arith.constant 4.500000e+00 : f32
      %mul3A_275 = vector.broadcast %mul3A_274 : f32 to vector<16xf32>
      %mul3A_276 = arith.mulf %mul3A_275, %abs3A_259 : vector<16xf32>
      %mul3A_277 = arith.mulf %mul3A_276, %abs3A_259 : vector<16xf32>
      %sub3A_278 = arith.constant 0.055555556 : f32
      %sub3A_279 = vector.broadcast %sub3A_278 : f32 to vector<16xf32>
      %sub3A_280 = arith.subf %abs3A_259, %sub3A_279 : vector<16xf32>
      %select_n3A_281 = arith.select %lt3A_273, %mul3A_277, %sub3A_280 : vector<16xi1>, vector<16xf32>
      %eq3A_282 = arith.constant 1.000000e+00 : f32
      %eq3A_283 = vector.broadcast %eq3A_282 : f32 to vector<16xf32>
      %eq3A_284 = arith.cmpf oeq, %gather3A_234, %eq3A_283 : vector<16xf32>
      %add3A_285 = arith.addf %select_n3A_270, %select_n3A_281 : vector<16xf32>
      %jit3A_286 = arith.constant 0.000000e+00 : f32
      %broadcast_in_dim3A_287 = vector.broadcast %jit3A_286 : f32 to vector<16xf32>
      %select_n3A_288 = arith.select %eq3A_284, %add3A_285, %broadcast_in_dim3A_287 : vector<16xi1>, vector<16xf32>
      %add3A_289 = arith.addf %add3A_221, %select_n3A_288 : vector<16xf32>
      %jit3A_290 = arith.constant 1.000000e+00 : f32
      %jit3A_291 = arith.constant 0.000000e+00 : f32
      %broadcast_in_dim3A_292 = vector.broadcast %jit3A_290 : f32 to vector<16xf32>
      %broadcast_in_dim3A_293 = vector.broadcast %jit3A_291 : f32 to vector<16xf32>
      %select_n3A_294 = arith.select %eq3A_284, %broadcast_in_dim3A_292, %broadcast_in_dim3A_293 : vector<16xi1>, vector<16xf32>
      %add3A_295 = arith.addf %add3A_227, %select_n3A_294 : vector<16xf32>
      %add3A_296 = arith.constant 96 : i32
      %add3A_297 = arith.addi %mul3A_164, %add3A_296 : i32
      %add3A_298 = arith.constant 64 : i32
      %add3A_299 = arith.addi %mul3A_166, %add3A_298 : i32
      %add3A_300 = vector.broadcast %add3A_297 : i32 to vector<16xi32>
      %add3A_301 = arith.addi %add3A_300, %mul3A_7 : vector<16xi32>
      %gather3A_302 = tpu.vector_load_idx %arg7[%add3A_301] : memref<24576xf32, #tpu.memory_space<vmem>>[vector<16xi32>], vector<16xf32>,
      %add3A_303 = arith.constant 1 : i32
      %add3A_304 = vector.broadcast %add3A_303 : i32 to vector<16xi32>
      %add3A_305 = arith.addi %mul3A_7, %add3A_304 : vector<16xi32>
      %add3A_306 = vector.broadcast %add3A_297 : i32 to vector<16xi32>
      %add3A_307 = arith.addi %add3A_306, %add3A_305 : vector<16xi32>
      %gather3A_308 = tpu.vector_load_idx %arg7[%add3A_307] : memref<24576xf32, #tpu.memory_space<vmem>>[vector<16xi32>], vector<16xf32>,
      %add3A_309 = arith.constant 2 : i32
      %add3A_310 = vector.broadcast %add3A_309 : i32 to vector<16xi32>
      %add3A_311 = arith.addi %mul3A_7, %add3A_310 : vector<16xi32>
      %add3A_312 = vector.broadcast %add3A_297 : i32 to vector<16xi32>
      %add3A_313 = arith.addi %add3A_312, %add3A_311 : vector<16xi32>
      %gather3A_314 = tpu.vector_load_idx %arg7[%add3A_313] : memref<24576xf32, #tpu.memory_space<vmem>>[vector<16xi32>], vector<16xf32>,
      %add3A_315 = vector.broadcast %add3A_299 : i32 to vector<16xi32>
      %add3A_316 = arith.addi %add3A_315, %mul3A_10 : vector<16xi32>
      %gather3A_317 = tpu.vector_load_idx %arg5[%add3A_316] : memref<16384xf32, #tpu.memory_space<vmem>>[vector<16xi32>], vector<16xf32>,
      %add3A_318 = arith.constant 1 : i32
      %add3A_319 = vector.broadcast %add3A_318 : i32 to vector<16xi32>
      %add3A_320 = arith.addi %mul3A_10, %add3A_319 : vector<16xi32>
      %add3A_321 = vector.broadcast %add3A_299 : i32 to vector<16xi32>
      %add3A_322 = arith.addi %add3A_321, %add3A_320 : vector<16xi32>
      %gather3A_323 = tpu.vector_load_idx %arg5[%add3A_322] : memref<16384xf32, #tpu.memory_space<vmem>>[vector<16xi32>], vector<16xf32>,
      %sub3A_324 = arith.subf %gather3A_308, %gather3A_317 : vector<16xf32>
      %abs3A_325 = math.absf %sub3A_324 : vector<16xf32>
      %sub3A_326 = arith.subf %gather3A_314, %gather3A_323 : vector<16xf32>
      %abs3A_327 = math.absf %sub3A_326 : vector<16xf32>
      %lt3A_328 = arith.constant 0.111111112 : f32
      %lt3A_329 = vector.broadcast %lt3A_328 : f32 to vector<16xf32>
      %lt3A_330 = arith.cmpf olt, %abs3A_325, %lt3A_329 : vector<16xf32>
      %mul3A_331 = arith.constant 4.500000e+00 : f32
      %mul3A_332 = vector.broadcast %mul3A_331 : f32 to vector<16xf32>
      %mul3A_333 = arith.mulf %mul3A_332, %abs3A_325 : vector<16xf32>
      %mul3A_334 = arith.mulf %mul3A_333, %abs3A_325 : vector<16xf32>
      %sub3A_335 = arith.constant 0.055555556 : f32
      %sub3A_336 = vector.broadcast %sub3A_335 : f32 to vector<16xf32>
      %sub3A_337 = arith.subf %abs3A_325, %sub3A_336 : vector<16xf32>
      %select_n3A_338 = arith.select %lt3A_330, %mul3A_334, %sub3A_337 : vector<16xi1>, vector<16xf32>
      %lt3A_339 = arith.constant 0.111111112 : f32
      %lt3A_340 = vector.broadcast %lt3A_339 : f32 to vector<16xf32>
      %lt3A_341 = arith.cmpf olt, %abs3A_327, %lt3A_340 : vector<16xf32>
      %mul3A_342 = arith.constant 4.500000e+00 : f32
      %mul3A_343 = vector.broadcast %mul3A_342 : f32 to vector<16xf32>
      %mul3A_344 = arith.mulf %mul3A_343, %abs3A_327 : vector<16xf32>
      %mul3A_345 = arith.mulf %mul3A_344, %abs3A_327 : vector<16xf32>
      %sub3A_346 = arith.constant 0.055555556 : f32
      %sub3A_347 = vector.broadcast %sub3A_346 : f32 to vector<16xf32>
      %sub3A_348 = arith.subf %abs3A_327, %sub3A_347 : vector<16xf32>
      %select_n3A_349 = arith.select %lt3A_341, %mul3A_345, %sub3A_348 : vector<16xi1>, vector<16xf32>
      %eq3A_350 = arith.constant 1.000000e+00 : f32
      %eq3A_351 = vector.broadcast %eq3A_350 : f32 to vector<16xf32>
      %eq3A_352 = arith.cmpf oeq, %gather3A_302, %eq3A_351 : vector<16xf32>
      %add3A_353 = arith.addf %select_n3A_338, %select_n3A_349 : vector<16xf32>
      %jit3A_354 = arith.constant 0.000000e+00 : f32
      %broadcast_in_dim3A_355 = vector.broadcast %jit3A_354 : f32 to vector<16xf32>
      %select_n3A_356 = arith.select %eq3A_352, %add3A_353, %broadcast_in_dim3A_355 : vector<16xi1>, vector<16xf32>
      %add3A_357 = arith.addf %add3A_289, %select_n3A_356 : vector<16xf32>
      %jit3A_358 = arith.constant 1.000000e+00 : f32
      %jit3A_359 = arith.constant 0.000000e+00 : f32
      %broadcast_in_dim3A_360 = vector.broadcast %jit3A_358 : f32 to vector<16xf32>
      %broadcast_in_dim3A_361 = vector.broadcast %jit3A_359 : f32 to vector<16xf32>
      %select_n3A_362 = arith.select %eq3A_352, %broadcast_in_dim3A_360, %broadcast_in_dim3A_361 : vector<16xi1>, vector<16xf32>
      %add3A_363 = arith.addf %add3A_295, %select_n3A_362 : vector<16xf32>
      %add3A_364 = arith.constant 144 : i32
      %add3A_365 = arith.addi %mul3A_164, %add3A_364 : i32
      %add3A_366 = arith.constant 96 : i32
      %add3A_367 = arith.addi %mul3A_166, %add3A_366 : i32
      %add3A_368 = vector.broadcast %add3A_365 : i32 to vector<16xi32>
      %add3A_369 = arith.addi %add3A_368, %mul3A_7 : vector<16xi32>
      %gather3A_370 = tpu.vector_load_idx %arg7[%add3A_369] : memref<24576xf32, #tpu.memory_space<vmem>>[vector<16xi32>], vector<16xf32>,
      %add3A_371 = arith.constant 1 : i32
      %add3A_372 = vector.broadcast %add3A_371 : i32 to vector<16xi32>
      %add3A_373 = arith.addi %mul3A_7, %add3A_372 : vector<16xi32>
      %add3A_374 = vector.broadcast %add3A_365 : i32 to vector<16xi32>
      %add3A_375 = arith.addi %add3A_374, %add3A_373 : vector<16xi32>
      %gather3A_376 = tpu.vector_load_idx %arg7[%add3A_375] : memref<24576xf32, #tpu.memory_space<vmem>>[vector<16xi32>], vector<16xf32>,
      %add3A_377 = arith.constant 2 : i32
      %add3A_378 = vector.broadcast %add3A_377 : i32 to vector<16xi32>
      %add3A_379 = arith.addi %mul3A_7, %add3A_378 : vector<16xi32>
      %add3A_380 = vector.broadcast %add3A_365 : i32 to vector<16xi32>
      %add3A_381 = arith.addi %add3A_380, %add3A_379 : vector<16xi32>
      %gather3A_382 = tpu.vector_load_idx %arg7[%add3A_381] : memref<24576xf32, #tpu.memory_space<vmem>>[vector<16xi32>], vector<16xf32>,
      %add3A_383 = vector.broadcast %add3A_367 : i32 to vector<16xi32>
      %add3A_384 = arith.addi %add3A_383, %mul3A_10 : vector<16xi32>
      %gather3A_385 = tpu.vector_load_idx %arg5[%add3A_384] : memref<16384xf32, #tpu.memory_space<vmem>>[vector<16xi32>], vector<16xf32>,
      %add3A_386 = arith.constant 1 : i32
      %add3A_387 = vector.broadcast %add3A_386 : i32 to vector<16xi32>
      %add3A_388 = arith.addi %mul3A_10, %add3A_387 : vector<16xi32>
      %add3A_389 = vector.broadcast %add3A_367 : i32 to vector<16xi32>
      %add3A_390 = arith.addi %add3A_389, %add3A_388 : vector<16xi32>
      %gather3A_391 = tpu.vector_load_idx %arg5[%add3A_390] : memref<16384xf32, #tpu.memory_space<vmem>>[vector<16xi32>], vector<16xf32>,
      %sub3A_392 = arith.subf %gather3A_376, %gather3A_385 : vector<16xf32>
      %abs3A_393 = math.absf %sub3A_392 : vector<16xf32>
      %sub3A_394 = arith.subf %gather3A_382, %gather3A_391 : vector<16xf32>
      %abs3A_395 = math.absf %sub3A_394 : vector<16xf32>
      %lt3A_396 = arith.constant 0.111111112 : f32
      %lt3A_397 = vector.broadcast %lt3A_396 : f32 to vector<16xf32>
      %lt3A_398 = arith.cmpf olt, %abs3A_393, %lt3A_397 : vector<16xf32>
      %mul3A_399 = arith.constant 4.500000e+00 : f32
      %mul3A_400 = vector.broadcast %mul3A_399 : f32 to vector<16xf32>
      %mul3A_401 = arith.mulf %mul3A_400, %abs3A_393 : vector<16xf32>
      %mul3A_402 = arith.mulf %mul3A_401, %abs3A_393 : vector<16xf32>
      %sub3A_403 = arith.constant 0.055555556 : f32
      %sub3A_404 = vector.broadcast %sub3A_403 : f32 to vector<16xf32>
      %sub3A_405 = arith.subf %abs3A_393, %sub3A_404 : vector<16xf32>
      %select_n3A_406 = arith.select %lt3A_398, %mul3A_402, %sub3A_405 : vector<16xi1>, vector<16xf32>
      %lt3A_407 = arith.constant 0.111111112 : f32
      %lt3A_408 = vector.broadcast %lt3A_407 : f32 to vector<16xf32>
      %lt3A_409 = arith.cmpf olt, %abs3A_395, %lt3A_408 : vector<16xf32>
      %mul3A_410 = arith.constant 4.500000e+00 : f32
      %mul3A_411 = vector.broadcast %mul3A_410 : f32 to vector<16xf32>
      %mul3A_412 = arith.mulf %mul3A_411, %abs3A_395 : vector<16xf32>
      %mul3A_413 = arith.mulf %mul3A_412, %abs3A_395 : vector<16xf32>
      %sub3A_414 = arith.constant 0.055555556 : f32
      %sub3A_415 = vector.broadcast %sub3A_414 : f32 to vector<16xf32>
      %sub3A_416 = arith.subf %abs3A_395, %sub3A_415 : vector<16xf32>
      %select_n3A_417 = arith.select %lt3A_409, %mul3A_413, %sub3A_416 : vector<16xi1>, vector<16xf32>
      %eq3A_418 = arith.constant 1.000000e+00 : f32
      %eq3A_419 = vector.broadcast %eq3A_418 : f32 to vector<16xf32>
      %eq3A_420 = arith.cmpf oeq, %gather3A_370, %eq3A_419 : vector<16xf32>
      %add3A_421 = arith.addf %select_n3A_406, %select_n3A_417 : vector<16xf32>
      %jit3A_422 = arith.constant 0.000000e+00 : f32
      %broadcast_in_dim3A_423 = vector.broadcast %jit3A_422 : f32 to vector<16xf32>
      %select_n3A_424 = arith.select %eq3A_420, %add3A_421, %broadcast_in_dim3A_423 : vector<16xi1>, vector<16xf32>
      %add3A_425 = arith.addf %add3A_357, %select_n3A_424 : vector<16xf32>
      %jit3A_426 = arith.constant 1.000000e+00 : f32
      %jit3A_427 = arith.constant 0.000000e+00 : f32
      %broadcast_in_dim3A_428 = vector.broadcast %jit3A_426 : f32 to vector<16xf32>
      %broadcast_in_dim3A_429 = vector.broadcast %jit3A_427 : f32 to vector<16xf32>
      %select_n3A_430 = arith.select %eq3A_420, %broadcast_in_dim3A_428, %broadcast_in_dim3A_429 : vector<16xi1>, vector<16xf32>
      %add3A_431 = arith.addf %add3A_363, %select_n3A_430 : vector<16xf32>
      scf.yield %add3A_425, %add3A_431 : vector<16xf32>, vector<16xf32>
    }
    %scan3A_144 = arith.constant 128 : i32
    %dma_wait3A_145 = tpu.memref_slice %arg2[%add3A_128] : memref<4194304xf32, #tpu.memory_space<hbm>> -> memref<16384xf32, #tpu.memory_space<hbm>>
    %dma_wait3A_146 = tpu.memref_slice %arg2[%add3A_128] : memref<4194304xf32, #tpu.memory_space<hbm>> -> memref<16384xf32, #tpu.memory_space<hbm>>
    tpu.wait_dma2 semaphore(%arg12 : memref<!tpu.dma_semaphore, #tpu.memory_space<semaphore_mem>>) src(%dma_wait3A_146 : memref<16384xf32, #tpu.memory_space<hbm>>) dst(%arg6 : memref<16384xf32, #tpu.memory_space<vmem>>)
    %dma_wait3A_147 = tpu.memref_slice %arg3[%add3A_132] : memref<6291456xf32, #tpu.memory_space<hbm>> -> memref<24576xf32, #tpu.memory_space<hbm>>
    %dma_wait3A_148 = tpu.memref_slice %arg3[%add3A_132] : memref<6291456xf32, #tpu.memory_space<hbm>> -> memref<24576xf32, #tpu.memory_space<hbm>>
    tpu.wait_dma2 semaphore(%arg12 : memref<!tpu.dma_semaphore, #tpu.memory_space<semaphore_mem>>) src(%dma_wait3A_148 : memref<24576xf32, #tpu.memory_space<hbm>>) dst(%arg8 : memref<24576xf32, #tpu.memory_space<vmem>>)
    %scan3A_149 = arith.constant 0 : i32
    %scan3A_150 = arith.constant 128 : i32
    %scan3A_151 = arith.addi %scan3A_149, %scan3A_150 : i32
    %scan3A_152 = arith.constant 1 : i32
    %scan3A_153:2 = scf.for %scan3A_160 = %scan3A_149 to %scan3A_151 step %scan3A_152 iter_args(%scan3A_161 = %scan3A_143#0, %scan3A_162 = %scan3A_143#1) -> (vector<16xf32>, vector<16xf32>)  : i32 {
      %mul3A_163 = arith.constant 192 : i32
      %mul3A_164 = arith.muli %scan3A_160, %mul3A_163 : i32
      %mul3A_165 = arith.constant 128 : i32
      %mul3A_166 = arith.muli %scan3A_160, %mul3A_165 : i32
      %add3A_167 = arith.constant 0 : i32
      %add3A_168 = arith.addi %mul3A_164, %add3A_167 : i32
      %add3A_169 = arith.constant 0 : i32
      %add3A_170 = arith.addi %mul3A_166, %add3A_169 : i32
      %add3A_171 = vector.broadcast %add3A_168 : i32 to vector<16xi32>
      %add3A_172 = arith.addi %add3A_171, %mul3A_7 : vector<16xi32>
      %gather3A = tpu.vector_load_idx %arg8[%add3A_172] : memref<24576xf32, #tpu.memory_space<vmem>>[vector<16xi32>], vector<16xf32>,
      %add3A_173 = arith.constant 1 : i32
      %add3A_174 = vector.broadcast %add3A_173 : i32 to vector<16xi32>
      %add3A_175 = arith.addi %mul3A_7, %add3A_174 : vector<16xi32>
      %add3A_176 = vector.broadcast %add3A_168 : i32 to vector<16xi32>
      %add3A_177 = arith.addi %add3A_176, %add3A_175 : vector<16xi32>
      %gather3A_178 = tpu.vector_load_idx %arg8[%add3A_177] : memref<24576xf32, #tpu.memory_space<vmem>>[vector<16xi32>], vector<16xf32>,
      %add3A_179 = arith.constant 2 : i32
      %add3A_180 = vector.broadcast %add3A_179 : i32 to vector<16xi32>
      %add3A_181 = arith.addi %mul3A_7, %add3A_180 : vector<16xi32>
      %add3A_182 = vector.broadcast %add3A_168 : i32 to vector<16xi32>
      %add3A_183 = arith.addi %add3A_182, %add3A_181 : vector<16xi32>
      %gather3A_184 = tpu.vector_load_idx %arg8[%add3A_183] : memref<24576xf32, #tpu.memory_space<vmem>>[vector<16xi32>], vector<16xf32>,
      %add3A_185 = vector.broadcast %add3A_170 : i32 to vector<16xi32>
      %add3A_186 = arith.addi %add3A_185, %mul3A_10 : vector<16xi32>
      %gather3A_187 = tpu.vector_load_idx %arg6[%add3A_186] : memref<16384xf32, #tpu.memory_space<vmem>>[vector<16xi32>], vector<16xf32>,
      %add3A_188 = arith.constant 1 : i32
      %add3A_189 = vector.broadcast %add3A_188 : i32 to vector<16xi32>
      %add3A_190 = arith.addi %mul3A_10, %add3A_189 : vector<16xi32>
      %add3A_191 = vector.broadcast %add3A_170 : i32 to vector<16xi32>
      %add3A_192 = arith.addi %add3A_191, %add3A_190 : vector<16xi32>
      %gather3A_193 = tpu.vector_load_idx %arg6[%add3A_192] : memref<16384xf32, #tpu.memory_space<vmem>>[vector<16xi32>], vector<16xf32>,
      %sub3A = arith.subf %gather3A_178, %gather3A_187 : vector<16xf32>
      %abs3A = math.absf %sub3A : vector<16xf32>
      %sub3A_194 = arith.subf %gather3A_184, %gather3A_193 : vector<16xf32>
      %abs3A_195 = math.absf %sub3A_194 : vector<16xf32>
      %lt3A = arith.constant 0.111111112 : f32
      %lt3A_196 = vector.broadcast %lt3A : f32 to vector<16xf32>
      %lt3A_197 = arith.cmpf olt, %abs3A, %lt3A_196 : vector<16xf32>
      %mul3A_198 = arith.constant 4.500000e+00 : f32
      %mul3A_199 = vector.broadcast %mul3A_198 : f32 to vector<16xf32>
      %mul3A_200 = arith.mulf %mul3A_199, %abs3A : vector<16xf32>
      %mul3A_201 = arith.mulf %mul3A_200, %abs3A : vector<16xf32>
      %sub3A_202 = arith.constant 0.055555556 : f32
      %sub3A_203 = vector.broadcast %sub3A_202 : f32 to vector<16xf32>
      %sub3A_204 = arith.subf %abs3A, %sub3A_203 : vector<16xf32>
      %select_n3A = arith.select %lt3A_197, %mul3A_201, %sub3A_204 : vector<16xi1>, vector<16xf32>
      %lt3A_205 = arith.constant 0.111111112 : f32
      %lt3A_206 = vector.broadcast %lt3A_205 : f32 to vector<16xf32>
      %lt3A_207 = arith.cmpf olt, %abs3A_195, %lt3A_206 : vector<16xf32>
      %mul3A_208 = arith.constant 4.500000e+00 : f32
      %mul3A_209 = vector.broadcast %mul3A_208 : f32 to vector<16xf32>
      %mul3A_210 = arith.mulf %mul3A_209, %abs3A_195 : vector<16xf32>
      %mul3A_211 = arith.mulf %mul3A_210, %abs3A_195 : vector<16xf32>
      %sub3A_212 = arith.constant 0.055555556 : f32
      %sub3A_213 = vector.broadcast %sub3A_212 : f32 to vector<16xf32>
      %sub3A_214 = arith.subf %abs3A_195, %sub3A_213 : vector<16xf32>
      %select_n3A_215 = arith.select %lt3A_207, %mul3A_211, %sub3A_214 : vector<16xi1>, vector<16xf32>
      %eq3A = arith.constant 1.000000e+00 : f32
      %eq3A_216 = vector.broadcast %eq3A : f32 to vector<16xf32>
      %eq3A_217 = arith.cmpf oeq, %gather3A, %eq3A_216 : vector<16xf32>
      %add3A_218 = arith.addf %select_n3A, %select_n3A_215 : vector<16xf32>
      %jit3A = arith.constant 0.000000e+00 : f32
      %broadcast_in_dim3A_219 = vector.broadcast %jit3A : f32 to vector<16xf32>
      %select_n3A_220 = arith.select %eq3A_217, %add3A_218, %broadcast_in_dim3A_219 : vector<16xi1>, vector<16xf32>
      %add3A_221 = arith.addf %scan3A_161, %select_n3A_220 : vector<16xf32>
      %jit3A_222 = arith.constant 1.000000e+00 : f32
      %jit3A_223 = arith.constant 0.000000e+00 : f32
      %broadcast_in_dim3A_224 = vector.broadcast %jit3A_222 : f32 to vector<16xf32>
      %broadcast_in_dim3A_225 = vector.broadcast %jit3A_223 : f32 to vector<16xf32>
      %select_n3A_226 = arith.select %eq3A_217, %broadcast_in_dim3A_224, %broadcast_in_dim3A_225 : vector<16xi1>, vector<16xf32>
      %add3A_227 = arith.addf %scan3A_162, %select_n3A_226 : vector<16xf32>
      %add3A_228 = arith.constant 48 : i32
      %add3A_229 = arith.addi %mul3A_164, %add3A_228 : i32
      %add3A_230 = arith.constant 32 : i32
      %add3A_231 = arith.addi %mul3A_166, %add3A_230 : i32
      %add3A_232 = vector.broadcast %add3A_229 : i32 to vector<16xi32>
      %add3A_233 = arith.addi %add3A_232, %mul3A_7 : vector<16xi32>
      %gather3A_234 = tpu.vector_load_idx %arg8[%add3A_233] : memref<24576xf32, #tpu.memory_space<vmem>>[vector<16xi32>], vector<16xf32>,
      %add3A_235 = arith.constant 1 : i32
      %add3A_236 = vector.broadcast %add3A_235 : i32 to vector<16xi32>
      %add3A_237 = arith.addi %mul3A_7, %add3A_236 : vector<16xi32>
      %add3A_238 = vector.broadcast %add3A_229 : i32 to vector<16xi32>
      %add3A_239 = arith.addi %add3A_238, %add3A_237 : vector<16xi32>
      %gather3A_240 = tpu.vector_load_idx %arg8[%add3A_239] : memref<24576xf32, #tpu.memory_space<vmem>>[vector<16xi32>], vector<16xf32>,
      %add3A_241 = arith.constant 2 : i32
      %add3A_242 = vector.broadcast %add3A_241 : i32 to vector<16xi32>
      %add3A_243 = arith.addi %mul3A_7, %add3A_242 : vector<16xi32>
      %add3A_244 = vector.broadcast %add3A_229 : i32 to vector<16xi32>
      %add3A_245 = arith.addi %add3A_244, %add3A_243 : vector<16xi32>
      %gather3A_246 = tpu.vector_load_idx %arg8[%add3A_245] : memref<24576xf32, #tpu.memory_space<vmem>>[vector<16xi32>], vector<16xf32>,
      %add3A_247 = vector.broadcast %add3A_231 : i32 to vector<16xi32>
      %add3A_248 = arith.addi %add3A_247, %mul3A_10 : vector<16xi32>
      %gather3A_249 = tpu.vector_load_idx %arg6[%add3A_248] : memref<16384xf32, #tpu.memory_space<vmem>>[vector<16xi32>], vector<16xf32>,
      %add3A_250 = arith.constant 1 : i32
      %add3A_251 = vector.broadcast %add3A_250 : i32 to vector<16xi32>
      %add3A_252 = arith.addi %mul3A_10, %add3A_251 : vector<16xi32>
      %add3A_253 = vector.broadcast %add3A_231 : i32 to vector<16xi32>
      %add3A_254 = arith.addi %add3A_253, %add3A_252 : vector<16xi32>
      %gather3A_255 = tpu.vector_load_idx %arg6[%add3A_254] : memref<16384xf32, #tpu.memory_space<vmem>>[vector<16xi32>], vector<16xf32>,
      %sub3A_256 = arith.subf %gather3A_240, %gather3A_249 : vector<16xf32>
      %abs3A_257 = math.absf %sub3A_256 : vector<16xf32>
      %sub3A_258 = arith.subf %gather3A_246, %gather3A_255 : vector<16xf32>
      %abs3A_259 = math.absf %sub3A_258 : vector<16xf32>
      %lt3A_260 = arith.constant 0.111111112 : f32
      %lt3A_261 = vector.broadcast %lt3A_260 : f32 to vector<16xf32>
      %lt3A_262 = arith.cmpf olt, %abs3A_257, %lt3A_261 : vector<16xf32>
      %mul3A_263 = arith.constant 4.500000e+00 : f32
      %mul3A_264 = vector.broadcast %mul3A_263 : f32 to vector<16xf32>
      %mul3A_265 = arith.mulf %mul3A_264, %abs3A_257 : vector<16xf32>
      %mul3A_266 = arith.mulf %mul3A_265, %abs3A_257 : vector<16xf32>
      %sub3A_267 = arith.constant 0.055555556 : f32
      %sub3A_268 = vector.broadcast %sub3A_267 : f32 to vector<16xf32>
      %sub3A_269 = arith.subf %abs3A_257, %sub3A_268 : vector<16xf32>
      %select_n3A_270 = arith.select %lt3A_262, %mul3A_266, %sub3A_269 : vector<16xi1>, vector<16xf32>
      %lt3A_271 = arith.constant 0.111111112 : f32
      %lt3A_272 = vector.broadcast %lt3A_271 : f32 to vector<16xf32>
      %lt3A_273 = arith.cmpf olt, %abs3A_259, %lt3A_272 : vector<16xf32>
      %mul3A_274 = arith.constant 4.500000e+00 : f32
      %mul3A_275 = vector.broadcast %mul3A_274 : f32 to vector<16xf32>
      %mul3A_276 = arith.mulf %mul3A_275, %abs3A_259 : vector<16xf32>
      %mul3A_277 = arith.mulf %mul3A_276, %abs3A_259 : vector<16xf32>
      %sub3A_278 = arith.constant 0.055555556 : f32
      %sub3A_279 = vector.broadcast %sub3A_278 : f32 to vector<16xf32>
      %sub3A_280 = arith.subf %abs3A_259, %sub3A_279 : vector<16xf32>
      %select_n3A_281 = arith.select %lt3A_273, %mul3A_277, %sub3A_280 : vector<16xi1>, vector<16xf32>
      %eq3A_282 = arith.constant 1.000000e+00 : f32
      %eq3A_283 = vector.broadcast %eq3A_282 : f32 to vector<16xf32>
      %eq3A_284 = arith.cmpf oeq, %gather3A_234, %eq3A_283 : vector<16xf32>
      %add3A_285 = arith.addf %select_n3A_270, %select_n3A_281 : vector<16xf32>
      %jit3A_286 = arith.constant 0.000000e+00 : f32
      %broadcast_in_dim3A_287 = vector.broadcast %jit3A_286 : f32 to vector<16xf32>
      %select_n3A_288 = arith.select %eq3A_284, %add3A_285, %broadcast_in_dim3A_287 : vector<16xi1>, vector<16xf32>
      %add3A_289 = arith.addf %add3A_221, %select_n3A_288 : vector<16xf32>
      %jit3A_290 = arith.constant 1.000000e+00 : f32
      %jit3A_291 = arith.constant 0.000000e+00 : f32
      %broadcast_in_dim3A_292 = vector.broadcast %jit3A_290 : f32 to vector<16xf32>
      %broadcast_in_dim3A_293 = vector.broadcast %jit3A_291 : f32 to vector<16xf32>
      %select_n3A_294 = arith.select %eq3A_284, %broadcast_in_dim3A_292, %broadcast_in_dim3A_293 : vector<16xi1>, vector<16xf32>
      %add3A_295 = arith.addf %add3A_227, %select_n3A_294 : vector<16xf32>
      %add3A_296 = arith.constant 96 : i32
      %add3A_297 = arith.addi %mul3A_164, %add3A_296 : i32
      %add3A_298 = arith.constant 64 : i32
      %add3A_299 = arith.addi %mul3A_166, %add3A_298 : i32
      %add3A_300 = vector.broadcast %add3A_297 : i32 to vector<16xi32>
      %add3A_301 = arith.addi %add3A_300, %mul3A_7 : vector<16xi32>
      %gather3A_302 = tpu.vector_load_idx %arg8[%add3A_301] : memref<24576xf32, #tpu.memory_space<vmem>>[vector<16xi32>], vector<16xf32>,
      %add3A_303 = arith.constant 1 : i32
      %add3A_304 = vector.broadcast %add3A_303 : i32 to vector<16xi32>
      %add3A_305 = arith.addi %mul3A_7, %add3A_304 : vector<16xi32>
      %add3A_306 = vector.broadcast %add3A_297 : i32 to vector<16xi32>
      %add3A_307 = arith.addi %add3A_306, %add3A_305 : vector<16xi32>
      %gather3A_308 = tpu.vector_load_idx %arg8[%add3A_307] : memref<24576xf32, #tpu.memory_space<vmem>>[vector<16xi32>], vector<16xf32>,
      %add3A_309 = arith.constant 2 : i32
      %add3A_310 = vector.broadcast %add3A_309 : i32 to vector<16xi32>
      %add3A_311 = arith.addi %mul3A_7, %add3A_310 : vector<16xi32>
      %add3A_312 = vector.broadcast %add3A_297 : i32 to vector<16xi32>
      %add3A_313 = arith.addi %add3A_312, %add3A_311 : vector<16xi32>
      %gather3A_314 = tpu.vector_load_idx %arg8[%add3A_313] : memref<24576xf32, #tpu.memory_space<vmem>>[vector<16xi32>], vector<16xf32>,
      %add3A_315 = vector.broadcast %add3A_299 : i32 to vector<16xi32>
      %add3A_316 = arith.addi %add3A_315, %mul3A_10 : vector<16xi32>
      %gather3A_317 = tpu.vector_load_idx %arg6[%add3A_316] : memref<16384xf32, #tpu.memory_space<vmem>>[vector<16xi32>], vector<16xf32>,
      %add3A_318 = arith.constant 1 : i32
      %add3A_319 = vector.broadcast %add3A_318 : i32 to vector<16xi32>
      %add3A_320 = arith.addi %mul3A_10, %add3A_319 : vector<16xi32>
      %add3A_321 = vector.broadcast %add3A_299 : i32 to vector<16xi32>
      %add3A_322 = arith.addi %add3A_321, %add3A_320 : vector<16xi32>
      %gather3A_323 = tpu.vector_load_idx %arg6[%add3A_322] : memref<16384xf32, #tpu.memory_space<vmem>>[vector<16xi32>], vector<16xf32>,
      %sub3A_324 = arith.subf %gather3A_308, %gather3A_317 : vector<16xf32>
      %abs3A_325 = math.absf %sub3A_324 : vector<16xf32>
      %sub3A_326 = arith.subf %gather3A_314, %gather3A_323 : vector<16xf32>
      %abs3A_327 = math.absf %sub3A_326 : vector<16xf32>
      %lt3A_328 = arith.constant 0.111111112 : f32
      %lt3A_329 = vector.broadcast %lt3A_328 : f32 to vector<16xf32>
      %lt3A_330 = arith.cmpf olt, %abs3A_325, %lt3A_329 : vector<16xf32>
      %mul3A_331 = arith.constant 4.500000e+00 : f32
      %mul3A_332 = vector.broadcast %mul3A_331 : f32 to vector<16xf32>
      %mul3A_333 = arith.mulf %mul3A_332, %abs3A_325 : vector<16xf32>
      %mul3A_334 = arith.mulf %mul3A_333, %abs3A_325 : vector<16xf32>
      %sub3A_335 = arith.constant 0.055555556 : f32
      %sub3A_336 = vector.broadcast %sub3A_335 : f32 to vector<16xf32>
      %sub3A_337 = arith.subf %abs3A_325, %sub3A_336 : vector<16xf32>
      %select_n3A_338 = arith.select %lt3A_330, %mul3A_334, %sub3A_337 : vector<16xi1>, vector<16xf32>
      %lt3A_339 = arith.constant 0.111111112 : f32
      %lt3A_340 = vector.broadcast %lt3A_339 : f32 to vector<16xf32>
      %lt3A_341 = arith.cmpf olt, %abs3A_327, %lt3A_340 : vector<16xf32>
      %mul3A_342 = arith.constant 4.500000e+00 : f32
      %mul3A_343 = vector.broadcast %mul3A_342 : f32 to vector<16xf32>
      %mul3A_344 = arith.mulf %mul3A_343, %abs3A_327 : vector<16xf32>
      %mul3A_345 = arith.mulf %mul3A_344, %abs3A_327 : vector<16xf32>
      %sub3A_346 = arith.constant 0.055555556 : f32
      %sub3A_347 = vector.broadcast %sub3A_346 : f32 to vector<16xf32>
      %sub3A_348 = arith.subf %abs3A_327, %sub3A_347 : vector<16xf32>
      %select_n3A_349 = arith.select %lt3A_341, %mul3A_345, %sub3A_348 : vector<16xi1>, vector<16xf32>
      %eq3A_350 = arith.constant 1.000000e+00 : f32
      %eq3A_351 = vector.broadcast %eq3A_350 : f32 to vector<16xf32>
      %eq3A_352 = arith.cmpf oeq, %gather3A_302, %eq3A_351 : vector<16xf32>
      %add3A_353 = arith.addf %select_n3A_338, %select_n3A_349 : vector<16xf32>
      %jit3A_354 = arith.constant 0.000000e+00 : f32
      %broadcast_in_dim3A_355 = vector.broadcast %jit3A_354 : f32 to vector<16xf32>
      %select_n3A_356 = arith.select %eq3A_352, %add3A_353, %broadcast_in_dim3A_355 : vector<16xi1>, vector<16xf32>
      %add3A_357 = arith.addf %add3A_289, %select_n3A_356 : vector<16xf32>
      %jit3A_358 = arith.constant 1.000000e+00 : f32
      %jit3A_359 = arith.constant 0.000000e+00 : f32
      %broadcast_in_dim3A_360 = vector.broadcast %jit3A_358 : f32 to vector<16xf32>
      %broadcast_in_dim3A_361 = vector.broadcast %jit3A_359 : f32 to vector<16xf32>
      %select_n3A_362 = arith.select %eq3A_352, %broadcast_in_dim3A_360, %broadcast_in_dim3A_361 : vector<16xi1>, vector<16xf32>
      %add3A_363 = arith.addf %add3A_295, %select_n3A_362 : vector<16xf32>
      %add3A_364 = arith.constant 144 : i32
      %add3A_365 = arith.addi %mul3A_164, %add3A_364 : i32
      %add3A_366 = arith.constant 96 : i32
      %add3A_367 = arith.addi %mul3A_166, %add3A_366 : i32
      %add3A_368 = vector.broadcast %add3A_365 : i32 to vector<16xi32>
      %add3A_369 = arith.addi %add3A_368, %mul3A_7 : vector<16xi32>
      %gather3A_370 = tpu.vector_load_idx %arg8[%add3A_369] : memref<24576xf32, #tpu.memory_space<vmem>>[vector<16xi32>], vector<16xf32>,
      %add3A_371 = arith.constant 1 : i32
      %add3A_372 = vector.broadcast %add3A_371 : i32 to vector<16xi32>
      %add3A_373 = arith.addi %mul3A_7, %add3A_372 : vector<16xi32>
      %add3A_374 = vector.broadcast %add3A_365 : i32 to vector<16xi32>
      %add3A_375 = arith.addi %add3A_374, %add3A_373 : vector<16xi32>
      %gather3A_376 = tpu.vector_load_idx %arg8[%add3A_375] : memref<24576xf32, #tpu.memory_space<vmem>>[vector<16xi32>], vector<16xf32>,
      %add3A_377 = arith.constant 2 : i32
      %add3A_378 = vector.broadcast %add3A_377 : i32 to vector<16xi32>
      %add3A_379 = arith.addi %mul3A_7, %add3A_378 : vector<16xi32>
      %add3A_380 = vector.broadcast %add3A_365 : i32 to vector<16xi32>
      %add3A_381 = arith.addi %add3A_380, %add3A_379 : vector<16xi32>
      %gather3A_382 = tpu.vector_load_idx %arg8[%add3A_381] : memref<24576xf32, #tpu.memory_space<vmem>>[vector<16xi32>], vector<16xf32>,
      %add3A_383 = vector.broadcast %add3A_367 : i32 to vector<16xi32>
      %add3A_384 = arith.addi %add3A_383, %mul3A_10 : vector<16xi32>
      %gather3A_385 = tpu.vector_load_idx %arg6[%add3A_384] : memref<16384xf32, #tpu.memory_space<vmem>>[vector<16xi32>], vector<16xf32>,
      %add3A_386 = arith.constant 1 : i32
      %add3A_387 = vector.broadcast %add3A_386 : i32 to vector<16xi32>
      %add3A_388 = arith.addi %mul3A_10, %add3A_387 : vector<16xi32>
      %add3A_389 = vector.broadcast %add3A_367 : i32 to vector<16xi32>
      %add3A_390 = arith.addi %add3A_389, %add3A_388 : vector<16xi32>
      %gather3A_391 = tpu.vector_load_idx %arg6[%add3A_390] : memref<16384xf32, #tpu.memory_space<vmem>>[vector<16xi32>], vector<16xf32>,
      %sub3A_392 = arith.subf %gather3A_376, %gather3A_385 : vector<16xf32>
      %abs3A_393 = math.absf %sub3A_392 : vector<16xf32>
      %sub3A_394 = arith.subf %gather3A_382, %gather3A_391 : vector<16xf32>
      %abs3A_395 = math.absf %sub3A_394 : vector<16xf32>
      %lt3A_396 = arith.constant 0.111111112 : f32
      %lt3A_397 = vector.broadcast %lt3A_396 : f32 to vector<16xf32>
      %lt3A_398 = arith.cmpf olt, %abs3A_393, %lt3A_397 : vector<16xf32>
      %mul3A_399 = arith.constant 4.500000e+00 : f32
      %mul3A_400 = vector.broadcast %mul3A_399 : f32 to vector<16xf32>
      %mul3A_401 = arith.mulf %mul3A_400, %abs3A_393 : vector<16xf32>
      %mul3A_402 = arith.mulf %mul3A_401, %abs3A_393 : vector<16xf32>
      %sub3A_403 = arith.constant 0.055555556 : f32
      %sub3A_404 = vector.broadcast %sub3A_403 : f32 to vector<16xf32>
      %sub3A_405 = arith.subf %abs3A_393, %sub3A_404 : vector<16xf32>
      %select_n3A_406 = arith.select %lt3A_398, %mul3A_402, %sub3A_405 : vector<16xi1>, vector<16xf32>
      %lt3A_407 = arith.constant 0.111111112 : f32
      %lt3A_408 = vector.broadcast %lt3A_407 : f32 to vector<16xf32>
      %lt3A_409 = arith.cmpf olt, %abs3A_395, %lt3A_408 : vector<16xf32>
      %mul3A_410 = arith.constant 4.500000e+00 : f32
      %mul3A_411 = vector.broadcast %mul3A_410 : f32 to vector<16xf32>
      %mul3A_412 = arith.mulf %mul3A_411, %abs3A_395 : vector<16xf32>
      %mul3A_413 = arith.mulf %mul3A_412, %abs3A_395 : vector<16xf32>
      %sub3A_414 = arith.constant 0.055555556 : f32
      %sub3A_415 = vector.broadcast %sub3A_414 : f32 to vector<16xf32>
      %sub3A_416 = arith.subf %abs3A_395, %sub3A_415 : vector<16xf32>
      %select_n3A_417 = arith.select %lt3A_409, %mul3A_413, %sub3A_416 : vector<16xi1>, vector<16xf32>
      %eq3A_418 = arith.constant 1.000000e+00 : f32
      %eq3A_419 = vector.broadcast %eq3A_418 : f32 to vector<16xf32>
      %eq3A_420 = arith.cmpf oeq, %gather3A_370, %eq3A_419 : vector<16xf32>
      %add3A_421 = arith.addf %select_n3A_406, %select_n3A_417 : vector<16xf32>
      %jit3A_422 = arith.constant 0.000000e+00 : f32
      %broadcast_in_dim3A_423 = vector.broadcast %jit3A_422 : f32 to vector<16xf32>
      %select_n3A_424 = arith.select %eq3A_420, %add3A_421, %broadcast_in_dim3A_423 : vector<16xi1>, vector<16xf32>
      %add3A_425 = arith.addf %add3A_357, %select_n3A_424 : vector<16xf32>
      %jit3A_426 = arith.constant 1.000000e+00 : f32
      %jit3A_427 = arith.constant 0.000000e+00 : f32
      %broadcast_in_dim3A_428 = vector.broadcast %jit3A_426 : f32 to vector<16xf32>
      %broadcast_in_dim3A_429 = vector.broadcast %jit3A_427 : f32 to vector<16xf32>
      %select_n3A_430 = arith.select %eq3A_420, %broadcast_in_dim3A_428, %broadcast_in_dim3A_429 : vector<16xi1>, vector<16xf32>
      %add3A_431 = arith.addf %add3A_363, %select_n3A_430 : vector<16xf32>
      scf.yield %add3A_425, %add3A_431 : vector<16xf32>, vector<16xf32>
    }
    %scan3A_154 = arith.constant 128 : i32
    %swap3A = arith.constant 0 : index
    %swap3A_155 = tpu.vector_load %arg9[%swap3A] {strides = array<i32>} : memref<16xf32, #tpu.memory_space<vmem>>, vector<16xf32>,
    tpu.vector_store %arg9[%swap3A], %scan3A_153#0 {strides = array<i32>} : memref<16xf32, #tpu.memory_space<vmem>>, vector<16xf32>,
    %swap3A_156 = arith.constant 0 : index
    %swap3A_157 = tpu.vector_load %arg10[%swap3A_156] {strides = array<i32>} : memref<16xf32, #tpu.memory_space<vmem>>, vector<16xf32>,
    tpu.vector_store %arg10[%swap3A_156], %scan3A_153#1 {strides = array<i32>} : memref<16xf32, #tpu.memory_space<vmem>>, vector<16xf32>,
    "tpu.region"() ({
      %run_scoped3A = tpu.sem_alloc : memref<!tpu.dma_semaphore, #tpu.memory_space<semaphore_mem>>
      %dma_start3A_160 = arith.constant 0 : i32
      %dma_start3A_161 = tpu.memref_slice %arg4[%add3A, %dma_start3A_160] : memref<64x16xf32, #tpu.memory_space<hbm>> -> memref<1x16xf32, #tpu.memory_space<hbm>>
      %dma_start3A_162 = tpu.memref_squeeze %dma_start3A_161 : memref<1x16xf32, #tpu.memory_space<hbm>> -> memref<16xf32, #tpu.memory_space<hbm>>
      %dma_start3A_163 = arith.constant 0 : i32
      %dma_start3A_164 = tpu.memref_slice %arg4[%add3A, %dma_start3A_163] : memref<64x16xf32, #tpu.memory_space<hbm>> -> memref<1x16xf32, #tpu.memory_space<hbm>>
      %dma_start3A_165 = tpu.memref_squeeze %dma_start3A_164 : memref<1x16xf32, #tpu.memory_space<hbm>> -> memref<16xf32, #tpu.memory_space<hbm>>
      tpu.enqueue_dma source(%arg9 : memref<16xf32, #tpu.memory_space<vmem>>) target(%dma_start3A_165 : memref<16xf32, #tpu.memory_space<hbm>>) target_semaphore(%run_scoped3A : memref<!tpu.dma_semaphore, #tpu.memory_space<semaphore_mem>>)
      %dma_wait3A_166 = arith.constant 0 : i32
      %dma_wait3A_167 = tpu.memref_slice %arg4[%add3A, %dma_wait3A_166] : memref<64x16xf32, #tpu.memory_space<hbm>> -> memref<1x16xf32, #tpu.memory_space<hbm>>
      %dma_wait3A_168 = tpu.memref_squeeze %dma_wait3A_167 : memref<1x16xf32, #tpu.memory_space<hbm>> -> memref<16xf32, #tpu.memory_space<hbm>>
      %dma_wait3A_169 = arith.constant 0 : i32
      %dma_wait3A_170 = tpu.memref_slice %arg4[%add3A, %dma_wait3A_169] : memref<64x16xf32, #tpu.memory_space<hbm>> -> memref<1x16xf32, #tpu.memory_space<hbm>>
      %dma_wait3A_171 = tpu.memref_squeeze %dma_wait3A_170 : memref<1x16xf32, #tpu.memory_space<hbm>> -> memref<16xf32, #tpu.memory_space<hbm>>
      tpu.wait_dma2 semaphore(%run_scoped3A : memref<!tpu.dma_semaphore, #tpu.memory_space<semaphore_mem>>) src(%arg9 : memref<16xf32, #tpu.memory_space<vmem>>) dst(%dma_wait3A_171 : memref<16xf32, #tpu.memory_space<hbm>>)
      tpu.yield
    }) : () -> ()
    %add3A_158 = arith.constant 32 : i32
    %add3A_159 = arith.addi %add3A_158, %add3A : i32
    "tpu.region"() ({
      %run_scoped3A = tpu.sem_alloc : memref<!tpu.dma_semaphore, #tpu.memory_space<semaphore_mem>>
      %dma_start3A_160 = arith.constant 0 : i32
      %dma_start3A_161 = tpu.memref_slice %arg4[%add3A_159, %dma_start3A_160] : memref<64x16xf32, #tpu.memory_space<hbm>> -> memref<1x16xf32, #tpu.memory_space<hbm>>
      %dma_start3A_162 = tpu.memref_squeeze %dma_start3A_161 : memref<1x16xf32, #tpu.memory_space<hbm>> -> memref<16xf32, #tpu.memory_space<hbm>>
      %dma_start3A_163 = arith.constant 0 : i32
      %dma_start3A_164 = tpu.memref_slice %arg4[%add3A_159, %dma_start3A_163] : memref<64x16xf32, #tpu.memory_space<hbm>> -> memref<1x16xf32, #tpu.memory_space<hbm>>
      %dma_start3A_165 = tpu.memref_squeeze %dma_start3A_164 : memref<1x16xf32, #tpu.memory_space<hbm>> -> memref<16xf32, #tpu.memory_space<hbm>>
      tpu.enqueue_dma source(%arg10 : memref<16xf32, #tpu.memory_space<vmem>>) target(%dma_start3A_165 : memref<16xf32, #tpu.memory_space<hbm>>) target_semaphore(%run_scoped3A : memref<!tpu.dma_semaphore, #tpu.memory_space<semaphore_mem>>)
      %dma_wait3A_166 = arith.constant 0 : i32
      %dma_wait3A_167 = tpu.memref_slice %arg4[%add3A_159, %dma_wait3A_166] : memref<64x16xf32, #tpu.memory_space<hbm>> -> memref<1x16xf32, #tpu.memory_space<hbm>>
      %dma_wait3A_168 = tpu.memref_squeeze %dma_wait3A_167 : memref<1x16xf32, #tpu.memory_space<hbm>> -> memref<16xf32, #tpu.memory_space<hbm>>
      %dma_wait3A_169 = arith.constant 0 : i32
      %dma_wait3A_170 = tpu.memref_slice %arg4[%add3A_159, %dma_wait3A_169] : memref<64x16xf32, #tpu.memory_space<hbm>> -> memref<1x16xf32, #tpu.memory_space<hbm>>
      %dma_wait3A_171 = tpu.memref_squeeze %dma_wait3A_170 : memref<1x16xf32, #tpu.memory_space<hbm>> -> memref<16xf32, #tpu.memory_space<hbm>>
      tpu.wait_dma2 semaphore(%run_scoped3A : memref<!tpu.dma_semaphore, #tpu.memory_space<semaphore_mem>>) src(%arg10 : memref<16xf32, #tpu.memory_space<vmem>>) dst(%dma_wait3A_171 : memref<16xf32, #tpu.memory_space<hbm>>)
      tpu.yield
    }) : () -> ()
    return
  }
}

</mosaic_0001>

<sc_bundles>
// kernel: _run.3.cloned.1.call-start
scs
__scs_entry_jumppad:
0x0: {  	(pc) =	sbr.rel $0x88, $3  }
0x1: {  	(tag) =	ssettag $0x0;
	lr =	simm.s32 $0x1  }
0x2: {  	[smem:$0x3F9F] =	sst lr;
	_ =	strace $0xD0000000  }
0x3: {  	_ = 	snop  }
0x4: {  	_ = 	snop  }
0x5: {  	_ = 	snop  }
0x6: {  	_ = 	snop  }
0x7: {  	_ = 	snop  }
__scs_overlays_trampoline_lowered:
0x8: {  	[smem:$0x3FAE] =	sst s0  }
0x9: {  	[smem:$0x3FAF] =	sst s1  }
0xa: {  	[smem:$0x3FB0] =	sst s2  }
0xb: {  	[smem:$0x3FB1] =	sst s3  }
0xc: {  	[smem:$0x3FB2] =	sst s4  }
0xd: {  	[smem:$0x3FB3] =	sst s5  }
0xe: {  	[smem:$0x3FB4] =	sst s6  }
0xf: {  	[smem:$0x3FB5] =	sst s7  }
0x10: {  	[smem:$0x3FB6] =	sst s8  }
0x11: {  	[smem:$0x3FB7] =	sst s9;
	s0 =	simm.s32 @!p0 $0x0  }
0x12: {  	s1 =	sld [smem:$0x3F9D];
	s0 =	simm.s32 @p0 $0x1  }
0x13: {  	[smem:$0x3FB8] =	sst s0;
	s0 =	simm.s32 @!p1 $0x0  }
0x14: {  	s2 =	sld [smem:$0x3F9C];
	s0 =	simm.s32 @p1 $0x1  }
0x15: {  	[smem:$0x3FB9] =	sst s0;
	s0 =	simm.s32 @!p2 $0x0  }
0x16: {  	s3 =	sld [smem:$0x3FDB];
	s0 =	simm.s32 @p2 $0x1  }
0x17: {  	s4 =	simm.s32 $0x1BF5;
	[smem:$0x3FBB] =	sst s0  }
0x18: {  	s0 =	sld [smem:$0x3F9E];
	_ =	swait.ge [sflag:s4], $0x0  }
0x19: {  	s7 =	sld [smem:$0x3F9F]  }
0x1a: {  	s8 =	sadd.s32 $0xFFFFE003, lr  }
0x1b: {  	s9 =	sadd.s32 $0xFFFFFEF7, lr;
	s5 =	simm.s32 $0xFFFFFFFF;
	p2 =	slt.u32 s8, $0xFFFFF086  }
0x1c: {  	p1 =	slt.u32 s9, $0xF7A;
	s5 =	simm.s32 @!p2 $0x0  }
0x1d: {  	s5 =	simm.s32 @p1 $0x1;
	p0 =	seq.s32 s7, s2  }
0x1e: {  	s7 =	smul.u32 @!p0 $0xF7A, s2;
	p2 =	seq.s32 @!p0 s5, $0x0  }
0x1f: {  	s9 =	smul.u32 $0xF7A, s1;
	s8 =	simm.s32 @!p0 $0x1BF5;
	p2 =	por !p2, p0  }
0x20: {  	[sflag:s8] =	ssyncset.s32 @!p0 $0xFFFFF086;
	s6 =	sadd.s32 @!p0 s3, s7;
	s7 =	simm.s32 @!p0 $0x108  }
0x21: {  	s3 =	sadd.s32 s3, s9;
	s6 =	sadd.s32 @!p0 $0x88, s6;
	s7 =	simm.s32 @p2 $0x1082  }
0x22: {  	[simem:s7], [sflag:s8] =	dma.local @!p0 [hbm:s6], $0xF7A  }
0x23: {  	s9 =	sor.u32 $0xD0000000, s2;
	s6 =	simm.s32 $0x108;
	_ =	swait.ge @!p0 [sflag:s8], $0x0  }
0x24: {  	s3 =	sadd.s32 $0x88, s3;
	s6 =	simm.s32 @!p1 $0x1082;
	[sflag:s4] =	ssyncset.s32 $0xFFFFF086  }
0x25: {  	[simem:s6], [sflag:s4] =	dma.local [hbm:s3], $0xF7A  }
0x26: {  	[smem:$0x3F9F] =	sst s1;
	(tag) =	ssettag s2;
	_ =	strace s9  }
0x27: {  	s1 =	sld [smem:$0x3FAF]  }
0x28: {  	s2 =	sld [smem:$0x3FB0]  }
0x29: {  	s4 =	sld [smem:$0x3FB2]  }
0x2a: {  	p0 =	seq.s32 s5, $0x0;
	s5 =	sld [smem:$0x3FB3]  }
0x2b: {  	s6 =	sld [smem:$0x3FB4]  }
0x2c: {  	s7 =	sld [smem:$0x3FB5]  }
0x2d: {  	s3 =	simm.s32 $0x108;
	s8 =	sld [smem:$0x3FB6]  }
0x2e: {  	s3 =	simm.s32 @!p0 $0x1082;
	s9 =	sld [smem:$0x3FB7]  }
0x2f: {  	lr =	sadd.s32 s0, s3;
	s0 =	sld [smem:$0x3FAE]  }
0x30: {  	s3 =	sld [smem:$0x3FB1]  }
0x31: {  	[smem:$0x3FBA] =	sst s10  }
0x32: {  	s10 =	sld [smem:$0x3FB8];
	_ =	sdelay $0x3  }
0x33: {  	p0 =	seq.s32 s10, $0x1;
	s10 =	sld [smem:$0x3FBA];
	_ =	sdelay $0x3  }
0x34: {  	[smem:$0x3FBA] =	sst s10  }
0x35: {  	s10 =	sld [smem:$0x3FB9];
	_ =	sdelay $0x3  }
0x36: {  	p1 =	seq.s32 s10, $0x1;
	s10 =	sld [smem:$0x3FBA];
	_ =	sdelay $0x3  }
0x37: {  	[smem:$0x3FBA] =	sst s10  }
0x38: {  	s10 =	sld [smem:$0x3FBB]  }
0x39: {  	_ = 	snop;
	(pc) =	sbr.ind lr, $3  }
0x3a: {  	_ = 	snop  }
0x3b: {  	_ = 	snop  }
0x3c: {  	p2 =	seq.s32 s10, $0x1;
	s10 =	sld [smem:$0x3FBA]  }
0x3d: {  	_ =	shalt  }
0x3e: {  	_ =	shalt  }
0x3f: {  	_ =	shalt  }
0x40: {  	_ =	shalt  }
0x41: {  	_ =	shalt  }
0x42: {  	_ =	shalt  }
0x43: {  	_ =	shalt  }
0x44: {  	_ =	shalt  }
0x45: {  	_ =	shalt  }
0x46: {  	_ =	shalt  }
0x47: {  	_ =	shalt  }
0x48: {  	_ =	shalt  }
0x49: {  	_ =	shalt  }
0x4a: {  	_ =	shalt  }
0x4b: {  	_ =	shalt  }
0x4c: {  	_ =	shalt  }
0x4d: {  	_ =	shalt  }
0x4e: {  	_ =	shalt  }
0x4f: {  	_ =	shalt  }
0x50: {  	_ =	shalt  }
0x51: {  	_ =	shalt  }
0x52: {  	_ =	shalt  }
0x53: {  	_ =	shalt  }
0x54: {  	_ =	shalt  }
0x55: {  	_ =	shalt  }
0x56: {  	_ =	shalt  }
0x57: {  	_ =	shalt  }
0x58: {  	_ =	shalt  }
0x59: {  	_ =	shalt  }
0x5a: {  	_ =	shalt  }
0x5b: {  	_ =	shalt  }
0x5c: {  	_ =	shalt  }
0x5d: {  	_ =	shalt  }
0x5e: {  	_ =	shalt  }
0x5f: {  	_ =	shalt  }
0x60: {  	_ =	shalt  }
0x61: {  	_ =	shalt  }
0x62: {  	_ =	shalt  }
0x63: {  	_ =	shalt  }
0x64: {  	_ =	shalt  }
0x65: {  	_ =	shalt  }
0x66: {  	_ =	shalt  }
0x67: {  	_ =	shalt  }
0x68: {  	_ =	shalt  }
0x69: {  	_ =	shalt  }
0x6a: {  	_ =	shalt  }
0x6b: {  	_ =	shalt  }
0x6c: {  	_ =	shalt  }
0x6d: {  	_ =	shalt  }
0x6e: {  	_ =	shalt  }
0x6f: {  	_ =	shalt  }
0x70: {  	_ =	shalt  }
0x71: {  	_ =	shalt  }
0x72: {  	_ =	shalt  }
0x73: {  	_ =	shalt  }
0x74: {  	_ =	shalt  }
0x75: {  	_ =	shalt  }
0x76: {  	_ =	shalt  }
0x77: {  	_ =	shalt  }
0x78: {  	_ =	shalt  }
0x79: {  	_ =	shalt  }
0x7a: {  	_ =	shalt  }
0x7b: {  	_ =	shalt  }
0x7c: {  	_ =	shalt  }
0x7d: {  	_ =	shalt  }
0x7e: {  	_ =	shalt  }
0x7f: {  	_ =	shalt  }
0x80: {  	_ =	shalt  }
0x81: {  	_ =	shalt  }
0x82: {  	_ =	shalt  }
0x83: {  	_ =	shalt  }
0x84: {  	_ =	shalt  }
0x85: {  	_ =	shalt  }
0x86: {  	_ =	shalt  }
0x87: {  	_ =	shalt  }
.Lfunc_end0:
.L_simem_size_0:
called_computation_lowered:
.L_overlay_start_0:
0x88: {  	s2 =	sld [smem:$0x3FD9]  }
0x89: {  	s3 =	sld [smem:$0x3FFE];
	_ =	sdelay $0x1  }
0x8a: {  	s1 =	srdreg.scid  }
0x8b: {  	s0 =	sand.u32 $0x1, s1  }
0x8c: {  	s17 =	sshll.u32 s0, $0xA;
	s2 =	sadd.s32 s3, s2  }
0x8d: {  	s2 =	sadd.s32 s2, s17  }
0x8e: {  	[smem:$0x3FC6] =	sst s2  }
0x8f: {  	_ = 	snop  }
0x90: {  	s2 =	sld [smem:$0x3FC9]  }
0x91: {  	s18 =	sld [smem:$0x3FC8];
	(tm) =	ssettm $0x1  }
0x92: {  	s4 =	sld [smem:$0x3FFB];
	_ =	sdelay $0x3  }
0x93: {  	_ =	strace s4  }
0x94: {  	s4 =	sld [smem:$0x3FFC];
	_ =	sdelay $0x3  }
0x95: {  	_ =	strace s4  }
0x96: {  	s4 =	sld [smem:$0x3FFD];
	_ =	sdelay $0x3  }
0x97: {  	_ =	strace s4  }
0x98: {  	_ =	strace $0x8FFFFFFF  }
0x99: {  	s19 =	sld [smem:$0x3FDB];
	_ =	sdelay $0x1  }
0x9a: {  	s5 =	simm.s32 $_scs_section_size  }
0x9b: {  	s6 =	simm.s32 $_size__tile_overlayer_lowered;
	s7 =	simm.s32 $_tile_overlayer_lowered  }
0x9c: {  	s22 =	simm.s32 $0x1BFF;
	s21 =	sshll.u32 s7, $0x1;
	s4 =	sadd.s32 s5, s19  }
0x9d: {  	s8 =	simm.s32 $0x0;
	s20 =	sshll.u32 s6, $0x1;
	s6 =	sadd.s32 s21, s4  }
0x9e: {  	[timem:s8], [sflag:s22] =	dma.local [hbm:s6], s20  }
0x9f: {  	_ =	swait.ge [sflag:s22], s20  }
0xa0: {  	s5 =	ssub.s32 $0x0, s20;
	[sflag:s22] =	ssyncset.done $0x0  }
0xa1: {  	[sflag:s22] =	ssyncadd.s32 s5;
	_ =	sdelay $0x1  }
0xa2: {  	s23 =	simm.s32 $0x1B8B  }
0xa3: {  	_ =	swait.ge [sflag:s23], $0x1  }
0xa4: {  	[sflag:s23] =	ssyncset.done $0x0  }
0xa5: {  	s25 =	simm.s32 $0x1B8E;
	s24 =	sld [smem:$0x3FFE];
	[sflag:s23] =	ssyncadd.s32 $0xFFFFFFFF  }
0xa6: {  	s26 =	simm.s32 $execute0_lowered;
	[smem:$0x3FD2] =	sst s25  }
0xa7: {  	s6 =	sshll.u32 s26, $0x1;
	_ =	strace $0x80000046;
	[dreg:$0x1] =	wrdreg $0xFFFFFFFF  }
0xa8: {  	s28 =	simm.s32 $_size_execute0_lowered;
	s4 =	sadd.s32 s4, s6;
	[dreg:$0x0] =	wrdreg $0x0  }
0xa9: {  	s6 =	sshll.u32 s28, $0x1;
	[dreg:$0x2] =	wrdreg s4  }
0xaa: {  	[dreg:$0x3] =	wrdreg s6  }
0xab: {  	[dreg:$0x4] =	wrdreg $0xC0  }
0xac: {  	_ =	task [dreg:s8], $0x5FFFF  }
0xad: {  	[dreg:$0x1] =	wrdreg $0xFFFFFFFF  }
0xae: {  	[dreg:$0x0] =	wrdreg $0x60  }
0xaf: {  	[dreg:$0x2] =	wrdreg s2  }
0xb0: {  	[dreg:$0x3] =	wrdreg s18  }
0xb1: {  	[dreg:$0x4] =	wrdreg s24  }
0xb2: {  	[dreg:$0x5] =	wrdreg $0x9  }
0xb3: {  	_ =	task.clear_ibuf [dreg:s8], $0x6FFFF;
	_ =	strace $0x90000046  }
0xb4: {  	s29 =	simm.s32 $0x9;
	_ =	strace $0x80000048  }
0xb5: {  	_ =	swait.ge [sflag:s29], $0x1  }
0xb6: {  	[sflag:s29] =	ssyncadd.s32 $0xFFFFFFFF  }
0xb7: {  	_ =	strace $0x90000048  }
0xb8: {  	_ =	sfence  }
0xb9: {  	s30 =	sld [smem:$0x0];
	_ =	sdelay $0x2  }
0xba: {  	s31 =	sshll.u32 s1, $0xD;
	s1 =	sshrl.u32 s1, $0x2  }
0xbb: {  	s3 =	sand.u32 $0x4000, s31;
	s1 =	sadd.s32 s1, s30  }
0xbc: {  	s0 =	sor.u32 s3, s0;
	s1 =	sshll.u32 s1, $0x11  }
0xbd: {  	s0 =	sor.u32 s1, s0  }
0xbe: {  	s0 =	sadd.s32 $0x8F2B, s0  }
0xbf: {  	[sflag:s0] =	ssyncadd.remote.s32 $0x1  }
0xc0: {  	_ =	sfence.sel $0xFFFF  }
0xc1: {  	[dreg:$0x0] =	wrdreg $0xFFFFFFFF;
	(pc) =	sbr.abs _section_cstart, $3  }
0xc2: {  	[dreg:$0x1] =	wrdreg $0xFFFFFFFF  }
0xc3: {  	_ =	task.clear_ibuf [dreg:s8], $0x2FFFF;
	_ =	strace $0x9FFFFFFF  }
0xc4: {  	(tm) =	ssettm $0x7FFFFFFF  }
0xc5: {  	_ =	shalt  }
tec
execute0_lowered:
.L_overlay_start_1:
0x0: {  	(tag) =	ssettag $0x1  }
0x1: {  	s0 =	rddreg [dreg:$0x0]  }
0x2: {  	s1 =	srdreg.scid;
	s4 =	rddreg [dreg:$0x1]  }
0x3: {  	s18 =	rddreg [dreg:$0x2];
	s14 =	stileid.u32  }
0x4: {  	s2 =	simm.s32 $0x0;
	s22 =	simm.s32 $0x8000;
	s23 =	simm.s32 $0x4000  }
0x5: {  	s24 =	simm.s32 $0xE000;
	s29 =	simm.s32 $0x3;
	s1 =	sand.u32 $0x1, s1  }
0x6: {  	s31 =	simm.s32 $0x0;
	[smem:$0x7FF] =	sst s2;
	s3 =	sshll.u32 s1, $0x4  }
0x7: {  	_ =	strace $0x80000047;
	s1 =	ssub.s32 $0x2, s1;
	s13 =	sor.u32 s14, s3  }
0x8: {  	s6 =	sshrl.u32 s1, $0x1;
	s14 =	sshll.u32 s14, $0x4;
	s5 =	smul.u32 $0x30000, s13  }
0x9: {  	s3 =	sshll.u32 s13, $0xE;
	s1 =	ssub.s32 s1, s6;
	s30 =	sshll.u32 s13, $0x4  }
0xa: {  	s16 =	sand.u32 $0x70, s14;
	s3 =	sadd.s32 s0, s3;
	s0 =	sand.u32 $0x180, s30  }
0xb: {  	s21 =	smax.u32 s1, $0x1;
	s25 =	sshrl.u32 s5, $0x3;
	s26 =	sadd.s32 $0x800, s3  }
0xc: {  	s7 =	sadd.s32 $0x1000, s3;
	s9 =	sadd.s32 $0x1800, s3;
	s11 =	sadd.s32 $0x2000, s3  }
0xd: {  	v1 =	vlaneseq.u32;
	s13 =	sadd.s32 $0x2800, s3;
	s15 =	sadd.s32 $0x3000, s3;
	s0 =	sor.u32 s16, s0  }
0xe: {  	v0 =	vmul.u32 $0x3, v1;
	v1 =	vmul.u32 $0x2, v1;
	s17 =	sadd.s32 $0x3800, s3;
	s4 =	sadd.s32 s4, s25;
	[dreg:$0x4] =	wrdreg s26  }
0xf: {  	v5 =	vimm.f32 $0.0e+00;
	s18 =	sadd.s32 s18, s0;
	s25 =	simm.s32 $0x1;
	s26 =	simm.s32 $0x2  }
0x10: {  	v2 =	vadd.s32 $0x1, v0;
	v3 =	vadd.s32 $0x2, v0;
	v4 =	vor.u32 $0x1, v1;
	s28 =	sadd.s32 $0xC00, s4;
	s8 =	sadd.s32 $0x1800, s4;
	s10 =	sadd.s32 $0x2400, s4  }
0x11: {  	v6 =	vor.u32 $0x20, v1;
	v7 =	vor.u32 $0x21, v1;
	v8 =	vor.u32 $0x40, v1;
	s12 =	sadd.s32 $0x3000, s4;
	s14 =	sadd.s32 $0x3C00, s4;
	s16 =	sadd.s32 $0x4800, s4  }
0x12: {  	v9 =	vor.u32 $0x41, v1;
	v10 =	vor.u32 $0x60, v1;
	v11 =	vor.u32 $0x61, v1;
	s19 =	sadd.s32 $0x5400, s4;
	s20 =	sadd.s32 $0x200, s18;
	[dreg:$0x5] =	wrdreg s28  }
.LBB2_1:
0x13: {  	[tilespmem:s2], [sflag:$0x1] =	stream.linear.gather [hbm4b:s3+s2], $0x4000, $0x38;
	[tilespmem:$0x14100] =	vst v63  }
0x14: {  	_ = 	snop  }
0x15: {  	[tilespmem:s22], [sflag:$0x1] =	stream.linear.gather [hbm4b:s4+s2], $0x6000, $0x38;
	[tilespmem:$0x14100] =	vst v63  }
0x16: {  	s0 =	rddreg [dreg:$0x4]  }
0x17: {  	[tilespmem:s23], [sflag:$0x2] =	stream.linear.gather [hbm4b:s0+s2], $0x4000, $0x38;
	[tilespmem:$0x14100] =	vst v63  }
0x18: {  	s5 =	rddreg [dreg:$0x5]  }
0x19: {  	[tilespmem:s24], [sflag:$0x2] =	stream.linear.gather [hbm4b:s5+s2], $0x6000, $0x38;
	[tilespmem:$0x14100] =	vst v63  }
0x1a: {  	_ =	swait.ge [sflag:s25], $0x4000  }
0x1b: {  	v12 =	vor.u32 s2, v1;
	s6 =	simm.s32 $0x30;
	[sflag:s25] =	ssyncset.done $0x0  }
0x1c: {  	s1 =	simm.s32 $0x60;
	v13 =	vadd.s32 s6, v2;
	[sflag:s25] =	ssyncadd.s32 $0xFFFFC000  }
0x1d: {  	v14 =	vadd.s32 s1, v0;
	_ =	swait.ge [sflag:s25], $0x6000  }
0x1e: {  	s28 =	simm.s32 $0x0;
	v15 =	vadd.s32 s6, v0;
	[sflag:s25] =	ssyncset.done $0x0  }
0x1f: {  	v16 =	vor.u32 s28, v0;
	[sflag:s25] =	ssyncadd.s32 $0xFFFFA000  }
0x20: {  	v17 =	vor.u32 s2, v6;
	v12 =	vld.idx.msk [tilespmem:v12+s2+$0x0], $0xffff  }
0x21: {  	v18 =	vor.u32 s28, v3;
	v13 =	vld.idx.msk [tilespmem:v13+s22+$0x0], $0xffff  }
0x22: {  	v19 =	vor.u32 s2, v4;
	v14 =	vld.idx.msk [tilespmem:v14+s22+$0x0], $0xffff  }
0x23: {  	v20 =	vor.u32 s28, v2;
	v15 =	vld.idx.msk [tilespmem:v15+s22+$0x0], $0xffff  }
0x24: {  	v16 =	vld.idx.msk [tilespmem:v16+s22+$0x0], $0xffff  }
0x25: {  	v22 =	vadd.s32 s6, v3;
	v17 =	vld.idx.msk [tilespmem:v17+s2+$0x0], $0xffff  }
0x26: {  	v23 =	vor.u32 s2, v7;
	v18 =	vld.idx.msk [tilespmem:v18+s22+$0x0], $0xffff  }
0x27: {  	v24 =	vadd.s32 s1, v3;
	v19 =	vld.idx.msk [tilespmem:v19+s2+$0x0], $0xffff  }
0x28: {  	v25 =	vadd.s32 s1, v2;
	v20 =	vld.idx.msk [tilespmem:v20+s22+$0x0], $0xffff  }
0x29: {  	v26 =	vor.u32 s2, v8  }
0x2a: {  	v21 =	vor.u32 s2, v9;
	s30 =	simm.s32 $0x90;
	v27 =	vor.u32 s2, v11;
	vm0 =	veq.f32 v14, $1.000000000e+00;
	v14 =	vld.idx.msk [tilespmem:v22+s22+$0x0], $0xffff  }
0x2b: {  	v29 =	vor.u32 s2, v10;
	vm1 =	veq.f32 v15, $1.000000000e+00;
	v15 =	vadd.s32 s30, v0;
	v22 =	vld.idx.msk [tilespmem:v23+s2+$0x0], $0xffff  }
0x2c: {  	vm2 =	veq.f32 v16, $1.000000000e+00;
	v13 =	vsub.f32 v13, v17;
	v23 =	vld.idx.msk [tilespmem:v24+s22+$0x0], $0xffff;
	v24 =	vadd.s32 s30, v2  }
0x2d: {  	v18 =	vsub.f32 v18, v19;
	v19 =	vld.idx.msk [tilespmem:v25+s22+$0x0], $0xffff;
	v20 =	vsub.f32 v20, v12;
	v16 =	vsel vm2, $0x3F800000, v5  }
0x2e: {  	v25 =	vld.idx.msk [tilespmem:v26+s2+$0x0], $0xffff;
	v17 =	vsel vm0, $0x3F800000, v5;
	v26 =	vsel vm1, $0x3F800000, v5;
	v16 =	vadd.f32 v16, v5  }
0x2f: {  	v21 =	vld.idx.msk [tilespmem:v21+s2+$0x0], $0xffff;
	v13 =	vand.u32 $0x7FFFFFFF, v13;
	v18 =	vand.u32 $0x7FFFFFFF, v18;
	v20 =	vand.u32 $0x7FFFFFFF, v20  }
0x30: {  	v12 =	vmul.f32 $4.500000000e+00, v13;
	vm4 =	vlt.f32 v13, $1.111111120e-01;
	v30 =	vmul.f32 $4.500000000e+00, v18  }
0x31: {  	vm5 =	vlt.f32 v20, $1.111111120e-01;
	v33 =	vadd.f32 $-5.555555600e-02, v18;
	vm9 =	vlt.f32 v18, $1.111111120e-01  }
0x32: {  	v26 =	vadd.f32 v26, v16;
	v16 =	vadd.f32 $-5.555555600e-02, v13;
	v28 =	vld.idx.msk [tilespmem:v15+s22+$0x0], $0xffff;
	v15 =	vmul.f32 v12, v13  }
0x33: {  	v13 =	vsub.f32 v14, v22;
	v14 =	vadd.s32 s30, v3;
	v30 =	vmul.f32 v30, v18  }
0x34: {  	v21 =	vsub.f32 v23, v21;
	v23 =	vmul.f32 $4.500000000e+00, v20;
	v12 =	vadd.f32 v17, v26  }
0x35: {  	v17 =	vadd.f32 $-5.555555600e-02, v20;
	v26 =	vand.u32 $0x7FFFFFFF, v13;
	v13 =	vsub.f32 v19, v25  }
0x36: {  	vm8 =	vlt.f32 v26, $1.111111120e-01;
	v19 =	vmul.f32 $4.500000000e+00, v26;
	v31 =	vadd.f32 $-5.555555600e-02, v26  }
0x37: {  	v32 =	vand.u32 $0x7FFFFFFF, v13;
	vm3 =	veq.f32 v28, $1.000000000e+00;
	v28 =	vand.u32 $0x7FFFFFFF, v21;
	v21 =	vld.idx.msk [tilespmem:v24+s22+$0x0], $0xffff  }
0x38: {  	v25 =	vmul.f32 $4.500000000e+00, v32;
	vm6 =	vlt.f32 v32, $1.111111120e-01;
	v34 =	vmul.f32 v19, v26;
	v24 =	vld.idx.msk [tilespmem:v27+s2+$0x0], $0xffff  }
0x39: {  	v26 =	vadd.f32 $-5.555555600e-02, v32;
	v19 =	vsel vm9, v30, v33;
	v27 =	vld.idx.msk [tilespmem:v14+s22+$0x0], $0xffff;
	v14 =	vimm.f32 $0.0e+00  }
0x3a: {  	v22 =	vld.idx.msk [tilespmem:v29+s2+$0x0], $0xffff;
	v13 =	vsel vm3, $0x3F800000, v5;
	vm7 =	vlt.f32 v28, $1.111111120e-01;
	v29 =	vmul.f32 $4.500000000e+00, v28  }
0x3b: {  	s1 =	simm.s32 $0x80;
	s0 =	simm.s32 $0x150;
	v30 =	vadd.f32 $-5.555555600e-02, v28;
	v25 =	vmul.f32 v25, v32;
	v18 =	vsel vm8, v34, v31  }
.LBB2_2:
0x3c: {  	s30 =	sadd.s32 $0xFFFFFF70, s0  }
0x3d: {  	v31 =	vor.u32 s1, v1;
	v32 =	vor.u32 s1, v9;
	p0 =	sne.s32 s0, $0x5FD0;
	v28 =	vmul.f32 v29, v28;
	s28 =	smov.u32 s0;
	s0 =	sadd.s32 $0xC0, s0  }
0x3e: {  	v20 =	vmul.f32 v23, v20;
	v29 =	vor.u32 s30, v2;
	v33 =	vor.u32 s30, v3;
	s5 =	sadd.s32 $0xFFFFFFA0, s28  }
0x3f: {  	s6 =	sadd.s32 $0xFFFFFFD0, s28;
	v23 =	vadd.s32 s5, v2;
	v34 =	vadd.s32 s5, v3;
	v28 =	vsel vm7, v28, v30  }
0x40: {  	v24 =	vsub.f32 v27, v24;
	v30 =	vor.u32 s1, v7;
	v35 =	vadd.s32 s6, v2  }
0x41: {  	v27 =	vor.u32 s1, v4;
	v21 =	vsub.f32 v21, v22;
	v36 =	vadd.s32 s6, v0  }
0x42: {  	v37 =	vor.u32 s1, v6;
	v38 =	vor.u32 s1, v8;
	v22 =	vld.idx.msk [tilespmem:v31+s2+$0x0], $0xffff;
	v31 =	vadd.s32 s5, v0  }
0x43: {  	v25 =	vsel vm6, v25, v26;
	v39 =	vor.u32 s30, v0;
	v40 =	vadd.s32 s6, v3;
	v32 =	vld.idx.msk [tilespmem:v32+s2+$0x0], $0xffff  }
0x44: {  	v21 =	vand.u32 $0x7FFFFFFF, v21;
	v24 =	vand.u32 $0x7FFFFFFF, v24;
	v25 =	vadd.f32 v28, v25;
	v23 =	vld.idx.msk [tilespmem:v23+s22+$0x0], $0xffff  }
0x45: {  	v17 =	vsel vm5, v20, v17;
	v20 =	vmul.f32 $4.500000000e+00, v21;
	v28 =	vmul.f32 $4.500000000e+00, v24;
	v26 =	vld.idx.msk [tilespmem:v34+s22+$0x0], $0xffff  }
0x46: {  	v15 =	vsel vm4, v15, v16;
	v16 =	vadd.f32 $-5.555555600e-02, v21;
	v34 =	vld.idx.msk [tilespmem:v36+s22+$0x0], $0xffff;
	v36 =	vadd.f32 $-5.555555600e-02, v24  }
0x47: {  	v17 =	vadd.f32 v19, v17;
	v19 =	vmul.f32 v20, v21;
	v20 =	vmul.f32 v28, v24;
	v31 =	vld.idx.msk [tilespmem:v31+s22+$0x0], $0xffff  }
0x48: {  	v15 =	vadd.f32 v18, v15;
	vm4 =	vlt.f32 v21, $1.111111120e-01;
	vm5 =	vlt.f32 v24, $1.111111120e-01;
	v28 =	vld.idx.msk [tilespmem:v39+s22+$0x0], $0xffff  }
0x49: {  	v17 =	vnsel vm2, $0x0, v17;
	v16 =	vsel vm4, v19, v16;
	v19 =	vsel vm5, v20, v36;
	v18 =	vld.idx.msk [tilespmem:v37+s2+$0x0], $0xffff  }
0x4a: {  	v14 =	vadd.f32 v17, v14;
	v16 =	vadd.f32 v19, v16;
	v20 =	vld.idx.msk [tilespmem:v33+s22+$0x0], $0xffff  }
0x4b: {  	v12 =	vadd.f32 v13, v12;
	v15 =	vnsel vm1, $0x0, v15;
	v17 =	vld.idx.msk [tilespmem:v27+s2+$0x0], $0xffff  }
0x4c: {  	v14 =	vadd.f32 v15, v14;
	v15 =	vnsel vm0, $0x0, v25;
	v16 =	vnsel vm3, $0x0, v16;
	v13 =	vld.idx.msk [tilespmem:v29+s22+$0x0], $0xffff  }
0x4d: {  	v21 =	vadd.s32 s28, v0;
	vm0 =	veq.f32 v34, $1.000000000e+00;
	vm1 =	veq.f32 v31, $1.000000000e+00;
	v19 =	vld.idx.msk [tilespmem:v40+s22+$0x0], $0xffff  }
0x4e: {  	v24 =	vor.u32 s1, v11;
	v14 =	vadd.f32 v15, v14;
	vm2 =	veq.f32 v28, $1.000000000e+00  }
0x4f: {  	v15 =	vsub.f32 v23, v18;
	v18 =	vsel vm0, $0x3F800000, v5;
	v23 =	vor.u32 s1, v10;
	v25 =	vld.idx.msk [tilespmem:v30+s2+$0x0], $0xffff  }
0x50: {  	v29 =	vadd.s32 s28, v2;
	v14 =	vadd.f32 v16, v14;
	v27 =	vsel vm2, $0x3F800000, v5;
	v28 =	vld.idx.msk [tilespmem:v35+s22+$0x0], $0xffff  }
0x51: {  	v12 =	vadd.f32 v27, v12;
	v16 =	vsub.f32 v20, v17;
	v17 =	vand.u32 $0x7FFFFFFF, v15;
	v27 =	vld.idx.msk [tilespmem:v38+s2+$0x0], $0xffff  }
0x52: {  	v20 =	vsel vm1, $0x3F800000, v5;
	v13 =	vsub.f32 v13, v22;
	v15 =	vmul.f32 $4.500000000e+00, v17;
	v30 =	vld.idx.msk [tilespmem:v21+s22+$0x0], $0xffff  }
0x53: {  	vm4 =	vlt.f32 v17, $1.111111120e-01;
	v12 =	vadd.f32 v20, v12;
	v31 =	vand.u32 $0x7FFFFFFF, v16  }
0x54: {  	v16 =	vadd.f32 $-5.555555600e-02, v17;
	v22 =	vmul.f32 $4.500000000e+00, v31;
	v15 =	vmul.f32 v15, v17  }
0x55: {  	v12 =	vadd.f32 v18, v12;
	v18 =	vadd.s32 s28, v3;
	v25 =	vsub.f32 v26, v25;
	v21 =	vld.idx.msk [tilespmem:v29+s22+$0x0], $0xffff  }
0x56: {  	v19 =	vsub.f32 v19, v32;
	v20 =	vand.u32 $0x7FFFFFFF, v13;
	v33 =	vmul.f32 v22, v31  }
0x57: {  	v17 =	vadd.f32 $-5.555555600e-02, v20;
	v25 =	vand.u32 $0x7FFFFFFF, v25;
	v13 =	vsub.f32 v28, v27;
	v22 =	vld.idx.msk [tilespmem:v23+s2+$0x0], $0xffff  }
0x58: {  	vm8 =	vlt.f32 v25, $1.111111120e-01;
	v26 =	vmul.f32 $4.500000000e+00, v25;
	vm3 =	veq.f32 v30, $1.000000000e+00  }
0x59: {  	v30 =	vadd.f32 $-5.555555600e-02, v25;
	v32 =	vand.u32 $0x7FFFFFFF, v13;
	v13 =	vsel vm3, $0x3F800000, v5;
	v24 =	vld.idx.msk [tilespmem:v24+s2+$0x0], $0xffff  }
.Ltmp0:
0x5a: {  	v28 =	vand.u32 $0x7FFFFFFF, v19;
	v23 =	vmul.f32 $4.500000000e+00, v20;
	v19 =	vmul.f32 $4.500000000e+00, v32;
	v27 =	vld.idx.msk [tilespmem:v18+s22+$0x0], $0xffff;
	(pc) =	sbr.rel @p0 .LBB2_2-.Ltmp0, $4  }
0x5b: {  	vm5 =	vlt.f32 v20, $1.111111120e-01;
	vm7 =	vlt.f32 v28, $1.111111120e-01;
	vm6 =	vlt.f32 v32, $1.111111120e-01  }
0x5c: {  	v29 =	vmul.f32 $4.500000000e+00, v28;
	v34 =	vmul.f32 v26, v25;
	v18 =	vadd.f32 $-5.555555600e-02, v31  }
0x5d: {  	vm9 =	vlt.f32 v31, $1.111111120e-01;
	v26 =	vadd.f32 $-5.555555600e-02, v32;
	v25 =	vmul.f32 v19, v32  }
0x5e: {  	s1 =	sadd.s32 $0x80, s1;
	v19 =	vsel vm9, v33, v18;
	v18 =	vsel vm8, v34, v30;
	v30 =	vadd.f32 $-5.555555600e-02, v28  }
0x5f: {  	s0 =	simm.s32 $0x0  }
0x60: {  	[tilespmem:s0], [sflag:$0x1] =	stream.linear.gather [hbm4b:s7+s0], $0x4000, $0x38;
	[tilespmem:$0x14100] =	vst v63  }
0x61: {  	v28 =	vmul.f32 v29, v28;
	v24 =	vsub.f32 v27, v24;
	v21 =	vsub.f32 v21, v22;
	s1 =	simm.s32 $0x30;
	s5 =	simm.s32 $0x60  }
0x62: {  	v22 =	vsel vm6, v25, v26;
	v20 =	vmul.f32 v23, v20;
	v15 =	vsel vm4, v15, v16;
	[tilespmem:s22], [sflag:$0x1] =	stream.linear.gather [hbm4b:s8+s0], $0x6000, $0x38;
	[tilespmem:$0x14100] =	vst v63  }
0x63: {  	v23 =	vor.u32 s0, v1;
	v26 =	vadd.s32 s1, v2;
	v16 =	vadd.s32 s5, v0;
	_ =	swait.ge [sflag:s26], $0x4000  }
0x64: {  	v15 =	vadd.f32 v18, v15;
	v18 =	vor.u32 s0, v6;
	v28 =	vsel vm7, v28, v30;
	[sflag:s26] =	ssyncset.done $0x0  }
0x65: {  	v21 =	vand.u32 $0x7FFFFFFF, v21;
	v24 =	vand.u32 $0x7FFFFFFF, v24;
	v17 =	vsel vm5, v20, v17;
	[sflag:s26] =	ssyncadd.s32 $0xFFFFC000  }
0x66: {  	v30 =	vadd.s32 s1, v0;
	v22 =	vadd.f32 v28, v22;
	v20 =	vmul.f32 $4.500000000e+00, v21;
	_ =	swait.ge [sflag:s26], $0x6000  }
0x67: {  	v27 =	vmul.f32 $4.500000000e+00, v24;
	v28 =	vadd.f32 $-5.555555600e-02, v21;
	v17 =	vadd.f32 v19, v17;
	[sflag:s26] =	ssyncset.done $0x0  }
0x68: {  	s6 =	simm.s32 $0x0;
	v29 =	vadd.f32 $-5.555555600e-02, v24;
	vm4 =	vlt.f32 v21, $1.111111120e-01;
	v19 =	vmul.f32 v20, v21;
	[sflag:s26] =	ssyncadd.s32 $0xFFFFA000  }
0x69: {  	v27 =	vmul.f32 v27, v24;
	v17 =	vnsel vm2, $0x0, v17;
	v21 =	vor.u32 s6, v3;
	v20 =	vld.idx.msk [tilespmem:v23+s23+$0x0], $0xffff  }
0x6a: {  	vm2 =	vlt.f32 v24, $1.111111120e-01;
	v24 =	vor.u32 s6, v2;
	v14 =	vadd.f32 v17, v14;
	v26 =	vld.idx.msk [tilespmem:v26+s24+$0x0], $0xffff  }
0x6b: {  	v15 =	vnsel vm1, $0x0, v15;
	v17 =	vor.u32 s0, v4;
	v19 =	vsel vm4, v19, v28;
	v16 =	vld.idx.msk [tilespmem:v16+s24+$0x0], $0xffff  }
0x6c: {  	v27 =	vsel vm2, v27, v29;
	v14 =	vadd.f32 v15, v14;
	v23 =	vor.u32 s6, v0;
	v28 =	vld.idx.msk [tilespmem:v30+s24+$0x0], $0xffff  }
0x6d: {  	v22 =	vnsel vm0, $0x0, v22;
	v15 =	vadd.s32 s1, v3;
	v19 =	vadd.f32 v27, v19;
	v18 =	vld.idx.msk [tilespmem:v18+s23+$0x0], $0xffff  }
0x6e: {  	v14 =	vadd.f32 v22, v14;
	v22 =	vor.u32 s0, v7;
	v21 =	vld.idx.msk [tilespmem:v21+s24+$0x0], $0xffff  }
0x6f: {  	v13 =	vadd.f32 v13, v12;
	v12 =	vnsel vm3, $0x0, v19;
	v19 =	vadd.s32 s5, v2;
	v24 =	vld.idx.msk [tilespmem:v24+s24+$0x0], $0xffff  }
0x70: {  	v17 =	vld.idx.msk [tilespmem:v17+s23+$0x0], $0xffff  }
0x71: {  	v12 =	vadd.f32 v12, v14;
	v14 =	vor.u32 s0, v8;
	v23 =	vld.idx.msk [tilespmem:v23+s24+$0x0], $0xffff  }
0x72: {  	s30 =	simm.s32 $0x90;
	v25 =	vor.u32 s0, v9;
	v27 =	vadd.s32 s5, v3;
	vm1 =	veq.f32 v28, $1.000000000e+00;
	v28 =	vld.idx.msk [tilespmem:v15+s24+$0x0], $0xffff  }
0x73: {  	v30 =	vadd.s32 s30, v2;
	vm0 =	veq.f32 v16, $1.000000000e+00;
	v16 =	vsub.f32 v26, v18;
	v22 =	vld.idx.msk [tilespmem:v22+s23+$0x0], $0xffff  }
0x74: {  	v15 =	vadd.s32 s30, v0;
	v26 =	vor.u32 s0, v10;
	v31 =	vld.idx.msk [tilespmem:v19+s24+$0x0], $0xffff;
	v19 =	vsub.f32 v24, v20  }
0x75: {  	v18 =	vsel vm0, $0x3F800000, v5;
	v17 =	vsub.f32 v21, v17;
	v16 =	vand.u32 $0x7FFFFFFF, v16  }
0x76: {  	v21 =	vsel vm1, $0x3F800000, v5;
	v14 =	vld.idx.msk [tilespmem:v14+s23+$0x0], $0xffff;
	v19 =	vand.u32 $0x7FFFFFFF, v19;
	v20 =	vmul.f32 $4.500000000e+00, v16  }
0x77: {  	v25 =	vld.idx.msk [tilespmem:v25+s23+$0x0], $0xffff;
	v32 =	vand.u32 $0x7FFFFFFF, v17;
	vm4 =	vlt.f32 v16, $1.111111120e-01;
	vm5 =	vlt.f32 v19, $1.111111120e-01  }
0x78: {  	v17 =	vmul.f32 $4.500000000e+00, v32;
	vm9 =	vlt.f32 v32, $1.111111120e-01;
	vm2 =	veq.f32 v23, $1.000000000e+00;
	v23 =	vld.idx.msk [tilespmem:v27+s24+$0x0], $0xffff  }
0x79: {  	v24 =	vld.idx.msk [tilespmem:v15+s24+$0x0], $0xffff;
	v15 =	vmul.f32 v20, v16;
	v20 =	vsub.f32 v28, v22;
	v29 =	vsel vm2, $0x3F800000, v5  }
0x7a: {  	v27 =	vor.u32 s0, v11;
	v16 =	vadd.f32 $-5.555555600e-02, v16;
	v13 =	vadd.f32 v29, v13  }
0x7b: {  	v33 =	vmul.f32 v17, v32;
	v20 =	vand.u32 $0x7FFFFFFF, v20;
	v14 =	vsub.f32 v31, v14  }
0x7c: {  	v17 =	vadd.f32 $-5.555555600e-02, v19;
	vm8 =	vlt.f32 v20, $1.111111120e-01;
	v13 =	vadd.f32 v21, v13  }
0x7d: {  	v31 =	vadd.f32 $-5.555555600e-02, v20;
	v34 =	vand.u32 $0x7FFFFFFF, v14;
	v21 =	vsub.f32 v23, v25  }
0x7e: {  	v25 =	vmul.f32 $4.500000000e+00, v20;
	v13 =	vadd.f32 v18, v13;
	v18 =	vadd.s32 s30, v3  }
0x7f: {  	vm3 =	veq.f32 v24, $1.000000000e+00;
	v23 =	vmul.f32 $4.500000000e+00, v19;
	v35 =	vmul.f32 $4.500000000e+00, v34  }
0x80: {  	v22 =	vld.idx.msk [tilespmem:v26+s23+$0x0], $0xffff;
	vm6 =	vlt.f32 v34, $1.111111120e-01;
	v26 =	vadd.f32 $-5.555555600e-02, v34;
	v14 =	vsel vm3, $0x3F800000, v5  }
0x81: {  	v28 =	vand.u32 $0x7FFFFFFF, v21;
	v21 =	vld.idx.msk [tilespmem:v30+s24+$0x0], $0xffff;
	v30 =	vadd.f32 $-5.555555600e-02, v32;
	v36 =	vmul.f32 v25, v20  }
0x82: {  	v24 =	vld.idx.msk [tilespmem:v27+s23+$0x0], $0xffff;
	v25 =	vmul.f32 v35, v34;
	vm7 =	vlt.f32 v28, $1.111111120e-01;
	v29 =	vmul.f32 $4.500000000e+00, v28  }
0x83: {  	s1 =	simm.s32 $0x80;
	s0 =	simm.s32 $0x150;
	v20 =	vsel vm9, v33, v30;
	v30 =	vadd.f32 $-5.555555600e-02, v28;
	v27 =	vld.idx.msk [tilespmem:v18+s24+$0x0], $0xffff;
	v18 =	vsel vm8, v36, v31  }
.LBB2_4:
0x84: {  	s5 =	sadd.s32 $0xFFFFFF70, s0  }
0x85: {  	v31 =	vor.u32 s1, v1;
	v32 =	vor.u32 s1, v9;
	p0 =	sne.s32 s0, $0x5FD0;
	v28 =	vmul.f32 v29, v28;
	s28 =	smov.u32 s0;
	s0 =	sadd.s32 $0xC0, s0  }
0x86: {  	v19 =	vmul.f32 v23, v19;
	v29 =	vor.u32 s5, v2;
	v33 =	vor.u32 s5, v3;
	s6 =	sadd.s32 $0xFFFFFFA0, s28  }
0x87: {  	s30 =	sadd.s32 $0xFFFFFFD0, s28;
	v23 =	vadd.s32 s6, v2;
	v34 =	vadd.s32 s6, v3;
	v28 =	vsel vm7, v28, v30  }
0x88: {  	v24 =	vsub.f32 v27, v24;
	v30 =	vor.u32 s1, v7;
	v35 =	vadd.s32 s30, v2  }
0x89: {  	v27 =	vor.u32 s1, v4;
	v21 =	vsub.f32 v21, v22;
	v36 =	vadd.s32 s30, v0  }
0x8a: {  	v37 =	vor.u32 s1, v6;
	v38 =	vor.u32 s1, v8;
	v22 =	vld.idx.msk [tilespmem:v31+s23+$0x0], $0xffff;
	v31 =	vadd.s32 s6, v0  }
0x8b: {  	v25 =	vsel vm6, v25, v26;
	v39 =	vor.u32 s5, v0;
	v40 =	vadd.s32 s30, v3;
	v32 =	vld.idx.msk [tilespmem:v32+s23+$0x0], $0xffff  }
0x8c: {  	v21 =	vand.u32 $0x7FFFFFFF, v21;
	v24 =	vand.u32 $0x7FFFFFFF, v24;
	v25 =	vadd.f32 v28, v25;
	v23 =	vld.idx.msk [tilespmem:v23+s24+$0x0], $0xffff  }
0x8d: {  	v17 =	vsel vm5, v19, v17;
	v19 =	vmul.f32 $4.500000000e+00, v21;
	v28 =	vmul.f32 $4.500000000e+00, v24;
	v26 =	vld.idx.msk [tilespmem:v34+s24+$0x0], $0xffff  }
0x8e: {  	v15 =	vsel vm4, v15, v16;
	v16 =	vadd.f32 $-5.555555600e-02, v21;
	v34 =	vld.idx.msk [tilespmem:v36+s24+$0x0], $0xffff;
	v36 =	vadd.f32 $-5.555555600e-02, v24  }
0x8f: {  	v17 =	vadd.f32 v20, v17;
	v19 =	vmul.f32 v19, v21;
	v20 =	vmul.f32 v28, v24;
	v31 =	vld.idx.msk [tilespmem:v31+s24+$0x0], $0xffff  }
0x90: {  	v15 =	vadd.f32 v18, v15;
	vm4 =	vlt.f32 v21, $1.111111120e-01;
	vm5 =	vlt.f32 v24, $1.111111120e-01;
	v28 =	vld.idx.msk [tilespmem:v39+s24+$0x0], $0xffff  }
0x91: {  	v17 =	vnsel vm2, $0x0, v17;
	v16 =	vsel vm4, v19, v16;
	v19 =	vsel vm5, v20, v36;
	v18 =	vld.idx.msk [tilespmem:v37+s23+$0x0], $0xffff  }
0x92: {  	v12 =	vadd.f32 v17, v12;
	v16 =	vadd.f32 v19, v16;
	v20 =	vld.idx.msk [tilespmem:v33+s24+$0x0], $0xffff  }
0x93: {  	v13 =	vadd.f32 v14, v13;
	v15 =	vnsel vm1, $0x0, v15;
	v17 =	vld.idx.msk [tilespmem:v27+s23+$0x0], $0xffff  }
0x94: {  	v12 =	vadd.f32 v15, v12;
	v15 =	vnsel vm0, $0x0, v25;
	v16 =	vnsel vm3, $0x0, v16;
	v14 =	vld.idx.msk [tilespmem:v29+s24+$0x0], $0xffff  }
0x95: {  	v19 =	vadd.s32 s28, v0;
	vm0 =	veq.f32 v34, $1.000000000e+00;
	vm1 =	veq.f32 v31, $1.000000000e+00;
	v24 =	vld.idx.msk [tilespmem:v40+s24+$0x0], $0xffff  }
0x96: {  	v25 =	vor.u32 s1, v11;
	v12 =	vadd.f32 v15, v12;
	vm2 =	veq.f32 v28, $1.000000000e+00  }
0x97: {  	v15 =	vsub.f32 v23, v18;
	v18 =	vsel vm0, $0x3F800000, v5;
	v23 =	vor.u32 s1, v10;
	v21 =	vld.idx.msk [tilespmem:v30+s23+$0x0], $0xffff  }
0x98: {  	v29 =	vadd.s32 s28, v2;
	v12 =	vadd.f32 v16, v12;
	v27 =	vsel vm2, $0x3F800000, v5;
	v28 =	vld.idx.msk [tilespmem:v35+s24+$0x0], $0xffff  }
0x99: {  	v13 =	vadd.f32 v27, v13;
	v16 =	vsub.f32 v20, v17;
	v17 =	vand.u32 $0x7FFFFFFF, v15;
	v20 =	vld.idx.msk [tilespmem:v38+s23+$0x0], $0xffff  }
0x9a: {  	v14 =	vsub.f32 v14, v22;
	v15 =	vmul.f32 $4.500000000e+00, v17;
	v22 =	vsel vm1, $0x3F800000, v5;
	v27 =	vld.idx.msk [tilespmem:v19+s24+$0x0], $0xffff  }
0x9b: {  	vm4 =	vlt.f32 v17, $1.111111120e-01;
	v30 =	vand.u32 $0x7FFFFFFF, v16;
	v13 =	vadd.f32 v22, v13  }
0x9c: {  	v16 =	vadd.f32 $-5.555555600e-02, v17;
	v22 =	vmul.f32 $4.500000000e+00, v30;
	v15 =	vmul.f32 v15, v17  }
0x9d: {  	v26 =	vsub.f32 v26, v21;
	v13 =	vadd.f32 v18, v13;
	v18 =	vadd.s32 s28, v3;
	v21 =	vld.idx.msk [tilespmem:v29+s24+$0x0], $0xffff  }
0x9e: {  	v19 =	vand.u32 $0x7FFFFFFF, v14;
	v31 =	vmul.f32 v22, v30;
	v29 =	vsub.f32 v24, v32  }
0x9f: {  	v17 =	vadd.f32 $-5.555555600e-02, v19;
	v26 =	vand.u32 $0x7FFFFFFF, v26;
	v14 =	vsub.f32 v28, v20;
	v22 =	vld.idx.msk [tilespmem:v23+s23+$0x0], $0xffff  }
0xa0: {  	vm8 =	vlt.f32 v26, $1.111111120e-01;
	v20 =	vmul.f32 $4.500000000e+00, v26;
	vm3 =	veq.f32 v27, $1.000000000e+00  }
0xa1: {  	v32 =	vadd.f32 $-5.555555600e-02, v26;
	v33 =	vand.u32 $0x7FFFFFFF, v14;
	v14 =	vsel vm3, $0x3F800000, v5;
	v24 =	vld.idx.msk [tilespmem:v25+s23+$0x0], $0xffff  }
.Ltmp1:
0xa2: {  	v23 =	vmul.f32 $4.500000000e+00, v19;
	v28 =	vand.u32 $0x7FFFFFFF, v29;
	v25 =	vmul.f32 $4.500000000e+00, v33;
	v27 =	vld.idx.msk [tilespmem:v18+s24+$0x0], $0xffff;
	(pc) =	sbr.rel @p0 .LBB2_4-.Ltmp1, $4  }
0xa3: {  	vm5 =	vlt.f32 v19, $1.111111120e-01;
	vm7 =	vlt.f32 v28, $1.111111120e-01;
	vm6 =	vlt.f32 v33, $1.111111120e-01  }
0xa4: {  	v29 =	vmul.f32 $4.500000000e+00, v28;
	v34 =	vmul.f32 v20, v26;
	v18 =	vadd.f32 $-5.555555600e-02, v30  }
0xa5: {  	vm9 =	vlt.f32 v30, $1.111111120e-01;
	v26 =	vadd.f32 $-5.555555600e-02, v33;
	v25 =	vmul.f32 v25, v33  }
0xa6: {  	s1 =	sadd.s32 $0x80, s1;
	v30 =	vadd.f32 $-5.555555600e-02, v28;
	v20 =	vsel vm9, v31, v18;
	v18 =	vsel vm8, v34, v32  }
0xa7: {  	s0 =	simm.s32 $0x0  }
0xa8: {  	[tilespmem:s23], [sflag:$0x2] =	stream.linear.gather [hbm4b:s9+s0], $0x4000, $0x38;
	[tilespmem:$0x14100] =	vst v63  }
0xa9: {  	v28 =	vmul.f32 v29, v28;
	v24 =	vsub.f32 v27, v24;
	v21 =	vsub.f32 v21, v22;
	s1 =	simm.s32 $0x30;
	s5 =	simm.s32 $0x60  }
0xaa: {  	v22 =	vsel vm6, v25, v26;
	v19 =	vmul.f32 v23, v19;
	v15 =	vsel vm4, v15, v16;
	[tilespmem:s24], [sflag:$0x2] =	stream.linear.gather [hbm4b:s10+s0], $0x6000, $0x38;
	[tilespmem:$0x14100] =	vst v63  }
0xab: {  	v23 =	vor.u32 s0, v1;
	v26 =	vadd.s32 s1, v2;
	v16 =	vadd.s32 s5, v0;
	_ =	swait.ge [sflag:s25], $0x4000  }
0xac: {  	v15 =	vadd.f32 v18, v15;
	v18 =	vor.u32 s0, v6;
	v28 =	vsel vm7, v28, v30;
	[sflag:s25] =	ssyncset.done $0x0  }
0xad: {  	v21 =	vand.u32 $0x7FFFFFFF, v21;
	v24 =	vand.u32 $0x7FFFFFFF, v24;
	v17 =	vsel vm5, v19, v17;
	[sflag:s25] =	ssyncadd.s32 $0xFFFFC000  }
0xae: {  	v30 =	vadd.s32 s1, v0;
	v22 =	vadd.f32 v28, v22;
	v19 =	vmul.f32 $4.500000000e+00, v21;
	_ =	swait.ge [sflag:s25], $0x6000  }
0xaf: {  	v27 =	vmul.f32 $4.500000000e+00, v24;
	v28 =	vadd.f32 $-5.555555600e-02, v21;
	v17 =	vadd.f32 v20, v17;
	[sflag:s25] =	ssyncset.done $0x0  }
0xb0: {  	s6 =	simm.s32 $0x0;
	v29 =	vadd.f32 $-5.555555600e-02, v24;
	vm4 =	vlt.f32 v21, $1.111111120e-01;
	v19 =	vmul.f32 v19, v21;
	[sflag:s25] =	ssyncadd.s32 $0xFFFFA000  }
0xb1: {  	v27 =	vmul.f32 v27, v24;
	v17 =	vnsel vm2, $0x0, v17;
	v21 =	vor.u32 s6, v3;
	v20 =	vld.idx.msk [tilespmem:v23+s2+$0x0], $0xffff  }
0xb2: {  	vm2 =	vlt.f32 v24, $1.111111120e-01;
	v24 =	vor.u32 s6, v2;
	v12 =	vadd.f32 v17, v12;
	v26 =	vld.idx.msk [tilespmem:v26+s22+$0x0], $0xffff  }
0xb3: {  	v15 =	vnsel vm1, $0x0, v15;
	v17 =	vor.u32 s0, v4;
	v19 =	vsel vm4, v19, v28;
	v16 =	vld.idx.msk [tilespmem:v16+s22+$0x0], $0xffff  }
0xb4: {  	v27 =	vsel vm2, v27, v29;
	v12 =	vadd.f32 v15, v12;
	v23 =	vor.u32 s6, v0;
	v28 =	vld.idx.msk [tilespmem:v30+s22+$0x0], $0xffff  }
0xb5: {  	v22 =	vnsel vm0, $0x0, v22;
	v15 =	vadd.s32 s1, v3;
	v19 =	vadd.f32 v27, v19;
	v18 =	vld.idx.msk [tilespmem:v18+s2+$0x0], $0xffff  }
0xb6: {  	v12 =	vadd.f32 v22, v12;
	v22 =	vor.u32 s0, v7;
	v21 =	vld.idx.msk [tilespmem:v21+s22+$0x0], $0xffff  }
0xb7: {  	v13 =	vadd.f32 v14, v13;
	v14 =	vnsel vm3, $0x0, v19;
	v19 =	vadd.s32 s5, v2;
	v24 =	vld.idx.msk [tilespmem:v24+s22+$0x0], $0xffff  }
0xb8: {  	v17 =	vld.idx.msk [tilespmem:v17+s2+$0x0], $0xffff  }
0xb9: {  	v12 =	vadd.f32 v14, v12;
	v14 =	vor.u32 s0, v8;
	v23 =	vld.idx.msk [tilespmem:v23+s22+$0x0], $0xffff  }
0xba: {  	s30 =	simm.s32 $0x90;
	v25 =	vor.u32 s0, v9;
	v27 =	vadd.s32 s5, v3;
	vm1 =	veq.f32 v28, $1.000000000e+00;
	v28 =	vld.idx.msk [tilespmem:v15+s22+$0x0], $0xffff  }
0xbb: {  	v30 =	vadd.s32 s30, v2;
	vm0 =	veq.f32 v16, $1.000000000e+00;
	v16 =	vsub.f32 v26, v18;
	v22 =	vld.idx.msk [tilespmem:v22+s2+$0x0], $0xffff  }
0xbc: {  	v15 =	vadd.s32 s30, v0;
	v26 =	vor.u32 s0, v10;
	v31 =	vld.idx.msk [tilespmem:v19+s22+$0x0], $0xffff;
	v19 =	vsub.f32 v24, v20  }
0xbd: {  	v18 =	vsel vm0, $0x3F800000, v5;
	v17 =	vsub.f32 v21, v17;
	v16 =	vand.u32 $0x7FFFFFFF, v16  }
0xbe: {  	v21 =	vsel vm1, $0x3F800000, v5;
	v14 =	vld.idx.msk [tilespmem:v14+s2+$0x0], $0xffff;
	v19 =	vand.u32 $0x7FFFFFFF, v19;
	v20 =	vmul.f32 $4.500000000e+00, v16  }
0xbf: {  	v25 =	vld.idx.msk [tilespmem:v25+s2+$0x0], $0xffff;
	v32 =	vand.u32 $0x7FFFFFFF, v17;
	vm4 =	vlt.f32 v16, $1.111111120e-01;
	vm5 =	vlt.f32 v19, $1.111111120e-01  }
0xc0: {  	v17 =	vmul.f32 $4.500000000e+00, v32;
	vm9 =	vlt.f32 v32, $1.111111120e-01;
	vm2 =	veq.f32 v23, $1.000000000e+00;
	v23 =	vld.idx.msk [tilespmem:v27+s22+$0x0], $0xffff  }
0xc1: {  	v24 =	vld.idx.msk [tilespmem:v15+s22+$0x0], $0xffff;
	v15 =	vmul.f32 v20, v16;
	v20 =	vsub.f32 v28, v22;
	v29 =	vsel vm2, $0x3F800000, v5  }
0xc2: {  	v27 =	vor.u32 s0, v11;
	v16 =	vadd.f32 $-5.555555600e-02, v16;
	v13 =	vadd.f32 v29, v13  }
0xc3: {  	v33 =	vmul.f32 v17, v32;
	v20 =	vand.u32 $0x7FFFFFFF, v20;
	v14 =	vsub.f32 v31, v14  }
0xc4: {  	v17 =	vadd.f32 $-5.555555600e-02, v19;
	vm8 =	vlt.f32 v20, $1.111111120e-01;
	v13 =	vadd.f32 v21, v13  }
0xc5: {  	v31 =	vadd.f32 $-5.555555600e-02, v20;
	v34 =	vand.u32 $0x7FFFFFFF, v14;
	v21 =	vsub.f32 v23, v25  }
0xc6: {  	v25 =	vmul.f32 $4.500000000e+00, v20;
	v13 =	vadd.f32 v18, v13;
	v18 =	vadd.s32 s30, v3  }
0xc7: {  	vm3 =	veq.f32 v24, $1.000000000e+00;
	v23 =	vmul.f32 $4.500000000e+00, v19;
	v35 =	vmul.f32 $4.500000000e+00, v34  }
0xc8: {  	v22 =	vld.idx.msk [tilespmem:v26+s2+$0x0], $0xffff;
	vm6 =	vlt.f32 v34, $1.111111120e-01;
	v26 =	vadd.f32 $-5.555555600e-02, v34;
	v14 =	vsel vm3, $0x3F800000, v5  }
0xc9: {  	v28 =	vand.u32 $0x7FFFFFFF, v21;
	v21 =	vld.idx.msk [tilespmem:v30+s22+$0x0], $0xffff;
	v30 =	vadd.f32 $-5.555555600e-02, v32;
	v36 =	vmul.f32 v25, v20  }
0xca: {  	v24 =	vld.idx.msk [tilespmem:v27+s2+$0x0], $0xffff;
	v25 =	vmul.f32 v35, v34;
	vm7 =	vlt.f32 v28, $1.111111120e-01;
	v29 =	vmul.f32 $4.500000000e+00, v28  }
0xcb: {  	s1 =	simm.s32 $0x80;
	s0 =	simm.s32 $0x150;
	v20 =	vsel vm9, v33, v30;
	v30 =	vadd.f32 $-5.555555600e-02, v28;
	v27 =	vld.idx.msk [tilespmem:v18+s22+$0x0], $0xffff;
	v18 =	vsel vm8, v36, v31  }
.LBB2_6:
0xcc: {  	s5 =	sadd.s32 $0xFFFFFF70, s0  }
0xcd: {  	v31 =	vor.u32 s1, v1;
	v32 =	vor.u32 s1, v9;
	p0 =	sne.s32 s0, $0x5FD0;
	v28 =	vmul.f32 v29, v28;
	s28 =	smov.u32 s0;
	s0 =	sadd.s32 $0xC0, s0  }
0xce: {  	v19 =	vmul.f32 v23, v19;
	v29 =	vor.u32 s5, v2;
	v33 =	vor.u32 s5, v3;
	s6 =	sadd.s32 $0xFFFFFFA0, s28  }
0xcf: {  	s30 =	sadd.s32 $0xFFFFFFD0, s28;
	v23 =	vadd.s32 s6, v2;
	v34 =	vadd.s32 s6, v3;
	v28 =	vsel vm7, v28, v30  }
0xd0: {  	v24 =	vsub.f32 v27, v24;
	v30 =	vor.u32 s1, v7;
	v35 =	vadd.s32 s30, v2  }
0xd1: {  	v27 =	vor.u32 s1, v4;
	v21 =	vsub.f32 v21, v22;
	v36 =	vadd.s32 s30, v0  }
0xd2: {  	v37 =	vor.u32 s1, v6;
	v38 =	vor.u32 s1, v8;
	v22 =	vld.idx.msk [tilespmem:v31+s2+$0x0], $0xffff;
	v31 =	vadd.s32 s6, v0  }
0xd3: {  	v25 =	vsel vm6, v25, v26;
	v39 =	vor.u32 s5, v0;
	v40 =	vadd.s32 s30, v3;
	v32 =	vld.idx.msk [tilespmem:v32+s2+$0x0], $0xffff  }
0xd4: {  	v21 =	vand.u32 $0x7FFFFFFF, v21;
	v24 =	vand.u32 $0x7FFFFFFF, v24;
	v25 =	vadd.f32 v28, v25;
	v23 =	vld.idx.msk [tilespmem:v23+s22+$0x0], $0xffff  }
0xd5: {  	v17 =	vsel vm5, v19, v17;
	v19 =	vmul.f32 $4.500000000e+00, v21;
	v28 =	vmul.f32 $4.500000000e+00, v24;
	v26 =	vld.idx.msk [tilespmem:v34+s22+$0x0], $0xffff  }
0xd6: {  	v15 =	vsel vm4, v15, v16;
	v16 =	vadd.f32 $-5.555555600e-02, v21;
	v34 =	vld.idx.msk [tilespmem:v36+s22+$0x0], $0xffff;
	v36 =	vadd.f32 $-5.555555600e-02, v24  }
0xd7: {  	v17 =	vadd.f32 v20, v17;
	v19 =	vmul.f32 v19, v21;
	v20 =	vmul.f32 v28, v24;
	v31 =	vld.idx.msk [tilespmem:v31+s22+$0x0], $0xffff  }
0xd8: {  	v15 =	vadd.f32 v18, v15;
	vm4 =	vlt.f32 v21, $1.111111120e-01;
	vm5 =	vlt.f32 v24, $1.111111120e-01;
	v28 =	vld.idx.msk [tilespmem:v39+s22+$0x0], $0xffff  }
0xd9: {  	v17 =	vnsel vm2, $0x0, v17;
	v16 =	vsel vm4, v19, v16;
	v19 =	vsel vm5, v20, v36;
	v18 =	vld.idx.msk [tilespmem:v37+s2+$0x0], $0xffff  }
0xda: {  	v12 =	vadd.f32 v17, v12;
	v16 =	vadd.f32 v19, v16;
	v20 =	vld.idx.msk [tilespmem:v33+s22+$0x0], $0xffff  }
0xdb: {  	v13 =	vadd.f32 v14, v13;
	v15 =	vnsel vm1, $0x0, v15;
	v17 =	vld.idx.msk [tilespmem:v27+s2+$0x0], $0xffff  }
0xdc: {  	v12 =	vadd.f32 v15, v12;
	v15 =	vnsel vm0, $0x0, v25;
	v16 =	vnsel vm3, $0x0, v16;
	v14 =	vld.idx.msk [tilespmem:v29+s22+$0x0], $0xffff  }
0xdd: {  	v19 =	vadd.s32 s28, v0;
	vm0 =	veq.f32 v34, $1.000000000e+00;
	vm1 =	veq.f32 v31, $1.000000000e+00;
	v24 =	vld.idx.msk [tilespmem:v40+s22+$0x0], $0xffff  }
0xde: {  	v25 =	vor.u32 s1, v11;
	v12 =	vadd.f32 v15, v12;
	vm2 =	veq.f32 v28, $1.000000000e+00  }
0xdf: {  	v15 =	vsub.f32 v23, v18;
	v18 =	vsel vm0, $0x3F800000, v5;
	v23 =	vor.u32 s1, v10;
	v21 =	vld.idx.msk [tilespmem:v30+s2+$0x0], $0xffff  }
0xe0: {  	v29 =	vadd.s32 s28, v2;
	v12 =	vadd.f32 v16, v12;
	v27 =	vsel vm2, $0x3F800000, v5;
	v28 =	vld.idx.msk [tilespmem:v35+s22+$0x0], $0xffff  }
0xe1: {  	v13 =	vadd.f32 v27, v13;
	v16 =	vsub.f32 v20, v17;
	v17 =	vand.u32 $0x7FFFFFFF, v15;
	v20 =	vld.idx.msk [tilespmem:v38+s2+$0x0], $0xffff  }
0xe2: {  	v14 =	vsub.f32 v14, v22;
	v15 =	vmul.f32 $4.500000000e+00, v17;
	v22 =	vsel vm1, $0x3F800000, v5;
	v27 =	vld.idx.msk [tilespmem:v19+s22+$0x0], $0xffff  }
0xe3: {  	vm4 =	vlt.f32 v17, $1.111111120e-01;
	v30 =	vand.u32 $0x7FFFFFFF, v16;
	v13 =	vadd.f32 v22, v13  }
0xe4: {  	v16 =	vadd.f32 $-5.555555600e-02, v17;
	v22 =	vmul.f32 $4.500000000e+00, v30;
	v15 =	vmul.f32 v15, v17  }
0xe5: {  	v26 =	vsub.f32 v26, v21;
	v13 =	vadd.f32 v18, v13;
	v18 =	vadd.s32 s28, v3;
	v21 =	vld.idx.msk [tilespmem:v29+s22+$0x0], $0xffff  }
0xe6: {  	v19 =	vand.u32 $0x7FFFFFFF, v14;
	v31 =	vmul.f32 v22, v30;
	v29 =	vsub.f32 v24, v32  }
0xe7: {  	v17 =	vadd.f32 $-5.555555600e-02, v19;
	v26 =	vand.u32 $0x7FFFFFFF, v26;
	v14 =	vsub.f32 v28, v20;
	v22 =	vld.idx.msk [tilespmem:v23+s2+$0x0], $0xffff  }
0xe8: {  	vm8 =	vlt.f32 v26, $1.111111120e-01;
	v20 =	vmul.f32 $4.500000000e+00, v26;
	vm3 =	veq.f32 v27, $1.000000000e+00  }
0xe9: {  	v32 =	vadd.f32 $-5.555555600e-02, v26;
	v33 =	vand.u32 $0x7FFFFFFF, v14;
	v14 =	vsel vm3, $0x3F800000, v5;
	v24 =	vld.idx.msk [tilespmem:v25+s2+$0x0], $0xffff  }
.Ltmp2:
0xea: {  	v23 =	vmul.f32 $4.500000000e+00, v19;
	v28 =	vand.u32 $0x7FFFFFFF, v29;
	v25 =	vmul.f32 $4.500000000e+00, v33;
	v27 =	vld.idx.msk [tilespmem:v18+s22+$0x0], $0xffff;
	(pc) =	sbr.rel @p0 .LBB2_6-.Ltmp2, $4  }
0xeb: {  	vm5 =	vlt.f32 v19, $1.111111120e-01;
	vm7 =	vlt.f32 v28, $1.111111120e-01;
	vm6 =	vlt.f32 v33, $1.111111120e-01  }
0xec: {  	v29 =	vmul.f32 $4.500000000e+00, v28;
	v34 =	vmul.f32 v20, v26;
	v18 =	vadd.f32 $-5.555555600e-02, v30  }
0xed: {  	vm9 =	vlt.f32 v30, $1.111111120e-01;
	v26 =	vadd.f32 $-5.555555600e-02, v33;
	v25 =	vmul.f32 v25, v33  }
0xee: {  	s1 =	sadd.s32 $0x80, s1;
	v30 =	vadd.f32 $-5.555555600e-02, v28;
	v20 =	vsel vm9, v31, v18;
	v18 =	vsel vm8, v34, v32  }
0xef: {  	s0 =	simm.s32 $0x0  }
0xf0: {  	[tilespmem:s0], [sflag:$0x1] =	stream.linear.gather [hbm4b:s11+s0], $0x4000, $0x38;
	[tilespmem:$0x14100] =	vst v63  }
0xf1: {  	v28 =	vmul.f32 v29, v28;
	v24 =	vsub.f32 v27, v24;
	v21 =	vsub.f32 v21, v22;
	s1 =	simm.s32 $0x30;
	s5 =	simm.s32 $0x60  }
0xf2: {  	v22 =	vsel vm6, v25, v26;
	v19 =	vmul.f32 v23, v19;
	v15 =	vsel vm4, v15, v16;
	[tilespmem:s22], [sflag:$0x1] =	stream.linear.gather [hbm4b:s12+s0], $0x6000, $0x38;
	[tilespmem:$0x14100] =	vst v63  }
0xf3: {  	v23 =	vor.u32 s0, v1;
	v26 =	vadd.s32 s1, v2;
	v16 =	vadd.s32 s5, v0;
	_ =	swait.ge [sflag:s26], $0x4000  }
0xf4: {  	v15 =	vadd.f32 v18, v15;
	v18 =	vor.u32 s0, v6;
	v28 =	vsel vm7, v28, v30;
	[sflag:s26] =	ssyncset.done $0x0  }
0xf5: {  	v21 =	vand.u32 $0x7FFFFFFF, v21;
	v24 =	vand.u32 $0x7FFFFFFF, v24;
	v17 =	vsel vm5, v19, v17;
	[sflag:s26] =	ssyncadd.s32 $0xFFFFC000  }
0xf6: {  	v30 =	vadd.s32 s1, v0;
	v22 =	vadd.f32 v28, v22;
	v19 =	vmul.f32 $4.500000000e+00, v21;
	_ =	swait.ge [sflag:s26], $0x6000  }
0xf7: {  	v27 =	vmul.f32 $4.500000000e+00, v24;
	v28 =	vadd.f32 $-5.555555600e-02, v21;
	v17 =	vadd.f32 v20, v17;
	[sflag:s26] =	ssyncset.done $0x0  }
0xf8: {  	s6 =	simm.s32 $0x0;
	v29 =	vadd.f32 $-5.555555600e-02, v24;
	vm4 =	vlt.f32 v21, $1.111111120e-01;
	v19 =	vmul.f32 v19, v21;
	[sflag:s26] =	ssyncadd.s32 $0xFFFFA000  }
0xf9: {  	v27 =	vmul.f32 v27, v24;
	v17 =	vnsel vm2, $0x0, v17;
	v21 =	vor.u32 s6, v3;
	v20 =	vld.idx.msk [tilespmem:v23+s23+$0x0], $0xffff  }
0xfa: {  	vm2 =	vlt.f32 v24, $1.111111120e-01;
	v24 =	vor.u32 s6, v2;
	v12 =	vadd.f32 v17, v12;
	v26 =	vld.idx.msk [tilespmem:v26+s24+$0x0], $0xffff  }
0xfb: {  	v15 =	vnsel vm1, $0x0, v15;
	v17 =	vor.u32 s0, v4;
	v19 =	vsel vm4, v19, v28;
	v16 =	vld.idx.msk [tilespmem:v16+s24+$0x0], $0xffff  }
0xfc: {  	v27 =	vsel vm2, v27, v29;
	v12 =	vadd.f32 v15, v12;
	v23 =	vor.u32 s6, v0;
	v28 =	vld.idx.msk [tilespmem:v30+s24+$0x0], $0xffff  }
0xfd: {  	v22 =	vnsel vm0, $0x0, v22;
	v15 =	vadd.s32 s1, v3;
	v19 =	vadd.f32 v27, v19;
	v18 =	vld.idx.msk [tilespmem:v18+s23+$0x0], $0xffff  }
0xfe: {  	v12 =	vadd.f32 v22, v12;
	v22 =	vor.u32 s0, v7;
	v21 =	vld.idx.msk [tilespmem:v21+s24+$0x0], $0xffff  }
0xff: {  	v13 =	vadd.f32 v14, v13;
	v14 =	vnsel vm3, $0x0, v19;
	v19 =	vadd.s32 s5, v2;
	v24 =	vld.idx.msk [tilespmem:v24+s24+$0x0], $0xffff  }
0x100: {  	v17 =	vld.idx.msk [tilespmem:v17+s23+$0x0], $0xffff  }
0x101: {  	v12 =	vadd.f32 v14, v12;
	v14 =	vor.u32 s0, v8;
	v23 =	vld.idx.msk [tilespmem:v23+s24+$0x0], $0xffff  }
0x102: {  	s30 =	simm.s32 $0x90;
	v25 =	vor.u32 s0, v9;
	v27 =	vadd.s32 s5, v3;
	vm1 =	veq.f32 v28, $1.000000000e+00;
	v28 =	vld.idx.msk [tilespmem:v15+s24+$0x0], $0xffff  }
0x103: {  	v30 =	vadd.s32 s30, v2;
	vm0 =	veq.f32 v16, $1.000000000e+00;
	v16 =	vsub.f32 v26, v18;
	v22 =	vld.idx.msk [tilespmem:v22+s23+$0x0], $0xffff  }
0x104: {  	v15 =	vadd.s32 s30, v0;
	v26 =	vor.u32 s0, v10;
	v31 =	vld.idx.msk [tilespmem:v19+s24+$0x0], $0xffff;
	v19 =	vsub.f32 v24, v20  }
0x105: {  	v18 =	vsel vm0, $0x3F800000, v5;
	v17 =	vsub.f32 v21, v17;
	v16 =	vand.u32 $0x7FFFFFFF, v16  }
0x106: {  	v21 =	vsel vm1, $0x3F800000, v5;
	v14 =	vld.idx.msk [tilespmem:v14+s23+$0x0], $0xffff;
	v19 =	vand.u32 $0x7FFFFFFF, v19;
	v20 =	vmul.f32 $4.500000000e+00, v16  }
0x107: {  	v25 =	vld.idx.msk [tilespmem:v25+s23+$0x0], $0xffff;
	v32 =	vand.u32 $0x7FFFFFFF, v17;
	vm4 =	vlt.f32 v16, $1.111111120e-01;
	vm5 =	vlt.f32 v19, $1.111111120e-01  }
0x108: {  	v17 =	vmul.f32 $4.500000000e+00, v32;
	vm9 =	vlt.f32 v32, $1.111111120e-01;
	vm2 =	veq.f32 v23, $1.000000000e+00;
	v23 =	vld.idx.msk [tilespmem:v27+s24+$0x0], $0xffff  }
0x109: {  	v24 =	vld.idx.msk [tilespmem:v15+s24+$0x0], $0xffff;
	v15 =	vmul.f32 v20, v16;
	v20 =	vsub.f32 v28, v22;
	v29 =	vsel vm2, $0x3F800000, v5  }
0x10a: {  	v27 =	vor.u32 s0, v11;
	v16 =	vadd.f32 $-5.555555600e-02, v16;
	v13 =	vadd.f32 v29, v13  }
0x10b: {  	v33 =	vmul.f32 v17, v32;
	v20 =	vand.u32 $0x7FFFFFFF, v20;
	v14 =	vsub.f32 v31, v14  }
0x10c: {  	v17 =	vadd.f32 $-5.555555600e-02, v19;
	vm8 =	vlt.f32 v20, $1.111111120e-01;
	v13 =	vadd.f32 v21, v13  }
0x10d: {  	v31 =	vadd.f32 $-5.555555600e-02, v20;
	v34 =	vand.u32 $0x7FFFFFFF, v14;
	v21 =	vsub.f32 v23, v25  }
0x10e: {  	v25 =	vmul.f32 $4.500000000e+00, v20;
	v13 =	vadd.f32 v18, v13;
	v18 =	vadd.s32 s30, v3  }
0x10f: {  	vm3 =	veq.f32 v24, $1.000000000e+00;
	v23 =	vmul.f32 $4.500000000e+00, v19;
	v35 =	vmul.f32 $4.500000000e+00, v34  }
0x110: {  	v22 =	vld.idx.msk [tilespmem:v26+s23+$0x0], $0xffff;
	vm6 =	vlt.f32 v34, $1.111111120e-01;
	v26 =	vadd.f32 $-5.555555600e-02, v34;
	v14 =	vsel vm3, $0x3F800000, v5  }
0x111: {  	v28 =	vand.u32 $0x7FFFFFFF, v21;
	v21 =	vld.idx.msk [tilespmem:v30+s24+$0x0], $0xffff;
	v30 =	vadd.f32 $-5.555555600e-02, v32;
	v36 =	vmul.f32 v25, v20  }
0x112: {  	v24 =	vld.idx.msk [tilespmem:v27+s23+$0x0], $0xffff;
	v25 =	vmul.f32 v35, v34;
	vm7 =	vlt.f32 v28, $1.111111120e-01;
	v29 =	vmul.f32 $4.500000000e+00, v28  }
0x113: {  	s1 =	simm.s32 $0x80;
	s0 =	simm.s32 $0x150;
	v20 =	vsel vm9, v33, v30;
	v30 =	vadd.f32 $-5.555555600e-02, v28;
	v27 =	vld.idx.msk [tilespmem:v18+s24+$0x0], $0xffff;
	v18 =	vsel vm8, v36, v31  }
.LBB2_8:
0x114: {  	s5 =	sadd.s32 $0xFFFFFF70, s0  }
0x115: {  	v31 =	vor.u32 s1, v1;
	v32 =	vor.u32 s1, v9;
	p0 =	sne.s32 s0, $0x5FD0;
	v28 =	vmul.f32 v29, v28;
	s28 =	smov.u32 s0;
	s0 =	sadd.s32 $0xC0, s0  }
0x116: {  	v19 =	vmul.f32 v23, v19;
	v29 =	vor.u32 s5, v2;
	v33 =	vor.u32 s5, v3;
	s6 =	sadd.s32 $0xFFFFFFA0, s28  }
0x117: {  	s30 =	sadd.s32 $0xFFFFFFD0, s28;
	v23 =	vadd.s32 s6, v2;
	v34 =	vadd.s32 s6, v3;
	v28 =	vsel vm7, v28, v30  }
0x118: {  	v24 =	vsub.f32 v27, v24;
	v30 =	vor.u32 s1, v7;
	v35 =	vadd.s32 s30, v2  }
0x119: {  	v27 =	vor.u32 s1, v4;
	v21 =	vsub.f32 v21, v22;
	v36 =	vadd.s32 s30, v0  }
0x11a: {  	v37 =	vor.u32 s1, v6;
	v38 =	vor.u32 s1, v8;
	v22 =	vld.idx.msk [tilespmem:v31+s23+$0x0], $0xffff;
	v31 =	vadd.s32 s6, v0  }
0x11b: {  	v25 =	vsel vm6, v25, v26;
	v39 =	vor.u32 s5, v0;
	v40 =	vadd.s32 s30, v3;
	v32 =	vld.idx.msk [tilespmem:v32+s23+$0x0], $0xffff  }
0x11c: {  	v21 =	vand.u32 $0x7FFFFFFF, v21;
	v24 =	vand.u32 $0x7FFFFFFF, v24;
	v25 =	vadd.f32 v28, v25;
	v23 =	vld.idx.msk [tilespmem:v23+s24+$0x0], $0xffff  }
0x11d: {  	v17 =	vsel vm5, v19, v17;
	v19 =	vmul.f32 $4.500000000e+00, v21;
	v28 =	vmul.f32 $4.500000000e+00, v24;
	v26 =	vld.idx.msk [tilespmem:v34+s24+$0x0], $0xffff  }
0x11e: {  	v15 =	vsel vm4, v15, v16;
	v16 =	vadd.f32 $-5.555555600e-02, v21;
	v34 =	vld.idx.msk [tilespmem:v36+s24+$0x0], $0xffff;
	v36 =	vadd.f32 $-5.555555600e-02, v24  }
0x11f: {  	v17 =	vadd.f32 v20, v17;
	v19 =	vmul.f32 v19, v21;
	v20 =	vmul.f32 v28, v24;
	v31 =	vld.idx.msk [tilespmem:v31+s24+$0x0], $0xffff  }
0x120: {  	v15 =	vadd.f32 v18, v15;
	vm4 =	vlt.f32 v21, $1.111111120e-01;
	vm5 =	vlt.f32 v24, $1.111111120e-01;
	v28 =	vld.idx.msk [tilespmem:v39+s24+$0x0], $0xffff  }
0x121: {  	v17 =	vnsel vm2, $0x0, v17;
	v16 =	vsel vm4, v19, v16;
	v19 =	vsel vm5, v20, v36;
	v18 =	vld.idx.msk [tilespmem:v37+s23+$0x0], $0xffff  }
0x122: {  	v12 =	vadd.f32 v17, v12;
	v16 =	vadd.f32 v19, v16;
	v20 =	vld.idx.msk [tilespmem:v33+s24+$0x0], $0xffff  }
0x123: {  	v13 =	vadd.f32 v14, v13;
	v15 =	vnsel vm1, $0x0, v15;
	v17 =	vld.idx.msk [tilespmem:v27+s23+$0x0], $0xffff  }
0x124: {  	v12 =	vadd.f32 v15, v12;
	v15 =	vnsel vm0, $0x0, v25;
	v16 =	vnsel vm3, $0x0, v16;
	v14 =	vld.idx.msk [tilespmem:v29+s24+$0x0], $0xffff  }
0x125: {  	v19 =	vadd.s32 s28, v0;
	vm0 =	veq.f32 v34, $1.000000000e+00;
	vm1 =	veq.f32 v31, $1.000000000e+00;
	v24 =	vld.idx.msk [tilespmem:v40+s24+$0x0], $0xffff  }
0x126: {  	v25 =	vor.u32 s1, v11;
	v12 =	vadd.f32 v15, v12;
	vm2 =	veq.f32 v28, $1.000000000e+00  }
0x127: {  	v15 =	vsub.f32 v23, v18;
	v18 =	vsel vm0, $0x3F800000, v5;
	v23 =	vor.u32 s1, v10;
	v21 =	vld.idx.msk [tilespmem:v30+s23+$0x0], $0xffff  }
0x128: {  	v29 =	vadd.s32 s28, v2;
	v12 =	vadd.f32 v16, v12;
	v27 =	vsel vm2, $0x3F800000, v5;
	v28 =	vld.idx.msk [tilespmem:v35+s24+$0x0], $0xffff  }
0x129: {  	v13 =	vadd.f32 v27, v13;
	v16 =	vsub.f32 v20, v17;
	v17 =	vand.u32 $0x7FFFFFFF, v15;
	v20 =	vld.idx.msk [tilespmem:v38+s23+$0x0], $0xffff  }
0x12a: {  	v14 =	vsub.f32 v14, v22;
	v15 =	vmul.f32 $4.500000000e+00, v17;
	v22 =	vsel vm1, $0x3F800000, v5;
	v27 =	vld.idx.msk [tilespmem:v19+s24+$0x0], $0xffff  }
0x12b: {  	vm4 =	vlt.f32 v17, $1.111111120e-01;
	v30 =	vand.u32 $0x7FFFFFFF, v16;
	v13 =	vadd.f32 v22, v13  }
0x12c: {  	v16 =	vadd.f32 $-5.555555600e-02, v17;
	v22 =	vmul.f32 $4.500000000e+00, v30;
	v15 =	vmul.f32 v15, v17  }
0x12d: {  	v26 =	vsub.f32 v26, v21;
	v13 =	vadd.f32 v18, v13;
	v18 =	vadd.s32 s28, v3;
	v21 =	vld.idx.msk [tilespmem:v29+s24+$0x0], $0xffff  }
0x12e: {  	v19 =	vand.u32 $0x7FFFFFFF, v14;
	v31 =	vmul.f32 v22, v30;
	v29 =	vsub.f32 v24, v32  }
0x12f: {  	v17 =	vadd.f32 $-5.555555600e-02, v19;
	v26 =	vand.u32 $0x7FFFFFFF, v26;
	v14 =	vsub.f32 v28, v20;
	v22 =	vld.idx.msk [tilespmem:v23+s23+$0x0], $0xffff  }
0x130: {  	vm8 =	vlt.f32 v26, $1.111111120e-01;
	v20 =	vmul.f32 $4.500000000e+00, v26;
	vm3 =	veq.f32 v27, $1.000000000e+00  }
0x131: {  	v32 =	vadd.f32 $-5.555555600e-02, v26;
	v33 =	vand.u32 $0x7FFFFFFF, v14;
	v14 =	vsel vm3, $0x3F800000, v5;
	v24 =	vld.idx.msk [tilespmem:v25+s23+$0x0], $0xffff  }
.Ltmp3:
0x132: {  	v23 =	vmul.f32 $4.500000000e+00, v19;
	v28 =	vand.u32 $0x7FFFFFFF, v29;
	v25 =	vmul.f32 $4.500000000e+00, v33;
	v27 =	vld.idx.msk [tilespmem:v18+s24+$0x0], $0xffff;
	(pc) =	sbr.rel @p0 .LBB2_8-.Ltmp3, $4  }
0x133: {  	vm5 =	vlt.f32 v19, $1.111111120e-01;
	vm7 =	vlt.f32 v28, $1.111111120e-01;
	vm6 =	vlt.f32 v33, $1.111111120e-01  }
0x134: {  	v29 =	vmul.f32 $4.500000000e+00, v28;
	v34 =	vmul.f32 v20, v26;
	v18 =	vadd.f32 $-5.555555600e-02, v30  }
0x135: {  	vm9 =	vlt.f32 v30, $1.111111120e-01;
	v26 =	vadd.f32 $-5.555555600e-02, v33;
	v25 =	vmul.f32 v25, v33  }
0x136: {  	s1 =	sadd.s32 $0x80, s1;
	v30 =	vadd.f32 $-5.555555600e-02, v28;
	v20 =	vsel vm9, v31, v18;
	v18 =	vsel vm8, v34, v32  }
0x137: {  	s0 =	simm.s32 $0x0  }
0x138: {  	[tilespmem:s23], [sflag:$0x2] =	stream.linear.gather [hbm4b:s13+s0], $0x4000, $0x38;
	[tilespmem:$0x14100] =	vst v63  }
0x139: {  	v28 =	vmul.f32 v29, v28;
	v24 =	vsub.f32 v27, v24;
	v21 =	vsub.f32 v21, v22;
	s1 =	simm.s32 $0x30;
	s5 =	simm.s32 $0x60  }
0x13a: {  	v22 =	vsel vm6, v25, v26;
	v19 =	vmul.f32 v23, v19;
	v15 =	vsel vm4, v15, v16;
	[tilespmem:s24], [sflag:$0x2] =	stream.linear.gather [hbm4b:s14+s0], $0x6000, $0x38;
	[tilespmem:$0x14100] =	vst v63  }
0x13b: {  	v23 =	vor.u32 s0, v1;
	v26 =	vadd.s32 s1, v2;
	v16 =	vadd.s32 s5, v0;
	_ =	swait.ge [sflag:s25], $0x4000  }
0x13c: {  	v15 =	vadd.f32 v18, v15;
	v18 =	vor.u32 s0, v6;
	v28 =	vsel vm7, v28, v30;
	[sflag:s25] =	ssyncset.done $0x0  }
0x13d: {  	v21 =	vand.u32 $0x7FFFFFFF, v21;
	v24 =	vand.u32 $0x7FFFFFFF, v24;
	v17 =	vsel vm5, v19, v17;
	[sflag:s25] =	ssyncadd.s32 $0xFFFFC000  }
0x13e: {  	v30 =	vadd.s32 s1, v0;
	v22 =	vadd.f32 v28, v22;
	v19 =	vmul.f32 $4.500000000e+00, v21;
	_ =	swait.ge [sflag:s25], $0x6000  }
0x13f: {  	v27 =	vmul.f32 $4.500000000e+00, v24;
	v28 =	vadd.f32 $-5.555555600e-02, v21;
	v17 =	vadd.f32 v20, v17;
	[sflag:s25] =	ssyncset.done $0x0  }
0x140: {  	s6 =	simm.s32 $0x0;
	v29 =	vadd.f32 $-5.555555600e-02, v24;
	vm4 =	vlt.f32 v21, $1.111111120e-01;
	v19 =	vmul.f32 v19, v21;
	[sflag:s25] =	ssyncadd.s32 $0xFFFFA000  }
0x141: {  	v27 =	vmul.f32 v27, v24;
	v17 =	vnsel vm2, $0x0, v17;
	v21 =	vor.u32 s6, v3;
	v20 =	vld.idx.msk [tilespmem:v23+s2+$0x0], $0xffff  }
0x142: {  	vm2 =	vlt.f32 v24, $1.111111120e-01;
	v24 =	vor.u32 s6, v2;
	v12 =	vadd.f32 v17, v12;
	v26 =	vld.idx.msk [tilespmem:v26+s22+$0x0], $0xffff  }
0x143: {  	v15 =	vnsel vm1, $0x0, v15;
	v17 =	vor.u32 s0, v4;
	v19 =	vsel vm4, v19, v28;
	v16 =	vld.idx.msk [tilespmem:v16+s22+$0x0], $0xffff  }
0x144: {  	v27 =	vsel vm2, v27, v29;
	v12 =	vadd.f32 v15, v12;
	v23 =	vor.u32 s6, v0;
	v28 =	vld.idx.msk [tilespmem:v30+s22+$0x0], $0xffff  }
0x145: {  	v22 =	vnsel vm0, $0x0, v22;
	v15 =	vadd.s32 s1, v3;
	v19 =	vadd.f32 v27, v19;
	v18 =	vld.idx.msk [tilespmem:v18+s2+$0x0], $0xffff  }
0x146: {  	v12 =	vadd.f32 v22, v12;
	v22 =	vor.u32 s0, v7;
	v21 =	vld.idx.msk [tilespmem:v21+s22+$0x0], $0xffff  }
0x147: {  	v13 =	vadd.f32 v14, v13;
	v14 =	vnsel vm3, $0x0, v19;
	v19 =	vadd.s32 s5, v2;
	v24 =	vld.idx.msk [tilespmem:v24+s22+$0x0], $0xffff  }
0x148: {  	v17 =	vld.idx.msk [tilespmem:v17+s2+$0x0], $0xffff  }
0x149: {  	v12 =	vadd.f32 v14, v12;
	v14 =	vor.u32 s0, v8;
	v23 =	vld.idx.msk [tilespmem:v23+s22+$0x0], $0xffff  }
0x14a: {  	s30 =	simm.s32 $0x90;
	v25 =	vor.u32 s0, v9;
	v27 =	vadd.s32 s5, v3;
	vm1 =	veq.f32 v28, $1.000000000e+00;
	v28 =	vld.idx.msk [tilespmem:v15+s22+$0x0], $0xffff  }
0x14b: {  	v30 =	vadd.s32 s30, v2;
	vm0 =	veq.f32 v16, $1.000000000e+00;
	v16 =	vsub.f32 v26, v18;
	v22 =	vld.idx.msk [tilespmem:v22+s2+$0x0], $0xffff  }
0x14c: {  	v15 =	vadd.s32 s30, v0;
	v26 =	vor.u32 s0, v10;
	v31 =	vld.idx.msk [tilespmem:v19+s22+$0x0], $0xffff;
	v19 =	vsub.f32 v24, v20  }
0x14d: {  	v18 =	vsel vm0, $0x3F800000, v5;
	v17 =	vsub.f32 v21, v17;
	v16 =	vand.u32 $0x7FFFFFFF, v16  }
0x14e: {  	v21 =	vsel vm1, $0x3F800000, v5;
	v14 =	vld.idx.msk [tilespmem:v14+s2+$0x0], $0xffff;
	v19 =	vand.u32 $0x7FFFFFFF, v19;
	v20 =	vmul.f32 $4.500000000e+00, v16  }
0x14f: {  	v25 =	vld.idx.msk [tilespmem:v25+s2+$0x0], $0xffff;
	v32 =	vand.u32 $0x7FFFFFFF, v17;
	vm4 =	vlt.f32 v16, $1.111111120e-01;
	vm5 =	vlt.f32 v19, $1.111111120e-01  }
0x150: {  	v17 =	vmul.f32 $4.500000000e+00, v32;
	vm9 =	vlt.f32 v32, $1.111111120e-01;
	vm2 =	veq.f32 v23, $1.000000000e+00;
	v23 =	vld.idx.msk [tilespmem:v27+s22+$0x0], $0xffff  }
0x151: {  	v24 =	vld.idx.msk [tilespmem:v15+s22+$0x0], $0xffff;
	v15 =	vmul.f32 v20, v16;
	v20 =	vsub.f32 v28, v22;
	v29 =	vsel vm2, $0x3F800000, v5  }
0x152: {  	v27 =	vor.u32 s0, v11;
	v16 =	vadd.f32 $-5.555555600e-02, v16;
	v13 =	vadd.f32 v29, v13  }
0x153: {  	v33 =	vmul.f32 v17, v32;
	v20 =	vand.u32 $0x7FFFFFFF, v20;
	v14 =	vsub.f32 v31, v14  }
0x154: {  	v17 =	vadd.f32 $-5.555555600e-02, v19;
	vm8 =	vlt.f32 v20, $1.111111120e-01;
	v13 =	vadd.f32 v21, v13  }
0x155: {  	v31 =	vadd.f32 $-5.555555600e-02, v20;
	v34 =	vand.u32 $0x7FFFFFFF, v14;
	v21 =	vsub.f32 v23, v25  }
0x156: {  	v25 =	vmul.f32 $4.500000000e+00, v20;
	v13 =	vadd.f32 v18, v13;
	v18 =	vadd.s32 s30, v3  }
0x157: {  	vm3 =	veq.f32 v24, $1.000000000e+00;
	v23 =	vmul.f32 $4.500000000e+00, v19;
	v35 =	vmul.f32 $4.500000000e+00, v34  }
0x158: {  	v22 =	vld.idx.msk [tilespmem:v26+s2+$0x0], $0xffff;
	vm6 =	vlt.f32 v34, $1.111111120e-01;
	v26 =	vadd.f32 $-5.555555600e-02, v34;
	v14 =	vsel vm3, $0x3F800000, v5  }
0x159: {  	v28 =	vand.u32 $0x7FFFFFFF, v21;
	v21 =	vld.idx.msk [tilespmem:v30+s22+$0x0], $0xffff;
	v30 =	vadd.f32 $-5.555555600e-02, v32;
	v36 =	vmul.f32 v25, v20  }
0x15a: {  	v24 =	vld.idx.msk [tilespmem:v27+s2+$0x0], $0xffff;
	v25 =	vmul.f32 v35, v34;
	vm7 =	vlt.f32 v28, $1.111111120e-01;
	v29 =	vmul.f32 $4.500000000e+00, v28  }
0x15b: {  	s1 =	simm.s32 $0x80;
	s0 =	simm.s32 $0x150;
	v20 =	vsel vm9, v33, v30;
	v30 =	vadd.f32 $-5.555555600e-02, v28;
	v27 =	vld.idx.msk [tilespmem:v18+s22+$0x0], $0xffff;
	v18 =	vsel vm8, v36, v31  }
.LBB2_10:
0x15c: {  	s5 =	sadd.s32 $0xFFFFFF70, s0  }
0x15d: {  	v31 =	vor.u32 s1, v1;
	v32 =	vor.u32 s1, v9;
	p0 =	sne.s32 s0, $0x5FD0;
	v28 =	vmul.f32 v29, v28;
	s28 =	smov.u32 s0;
	s0 =	sadd.s32 $0xC0, s0  }
0x15e: {  	v19 =	vmul.f32 v23, v19;
	v29 =	vor.u32 s5, v2;
	v33 =	vor.u32 s5, v3;
	s6 =	sadd.s32 $0xFFFFFFA0, s28  }
0x15f: {  	s30 =	sadd.s32 $0xFFFFFFD0, s28;
	v23 =	vadd.s32 s6, v2;
	v34 =	vadd.s32 s6, v3;
	v28 =	vsel vm7, v28, v30  }
0x160: {  	v24 =	vsub.f32 v27, v24;
	v30 =	vor.u32 s1, v7;
	v35 =	vadd.s32 s30, v2  }
0x161: {  	v27 =	vor.u32 s1, v4;
	v21 =	vsub.f32 v21, v22;
	v36 =	vadd.s32 s30, v0  }
0x162: {  	v37 =	vor.u32 s1, v6;
	v38 =	vor.u32 s1, v8;
	v22 =	vld.idx.msk [tilespmem:v31+s2+$0x0], $0xffff;
	v31 =	vadd.s32 s6, v0  }
0x163: {  	v25 =	vsel vm6, v25, v26;
	v39 =	vor.u32 s5, v0;
	v40 =	vadd.s32 s30, v3;
	v32 =	vld.idx.msk [tilespmem:v32+s2+$0x0], $0xffff  }
0x164: {  	v21 =	vand.u32 $0x7FFFFFFF, v21;
	v24 =	vand.u32 $0x7FFFFFFF, v24;
	v25 =	vadd.f32 v28, v25;
	v23 =	vld.idx.msk [tilespmem:v23+s22+$0x0], $0xffff  }
0x165: {  	v17 =	vsel vm5, v19, v17;
	v19 =	vmul.f32 $4.500000000e+00, v21;
	v28 =	vmul.f32 $4.500000000e+00, v24;
	v26 =	vld.idx.msk [tilespmem:v34+s22+$0x0], $0xffff  }
0x166: {  	v15 =	vsel vm4, v15, v16;
	v16 =	vadd.f32 $-5.555555600e-02, v21;
	v34 =	vld.idx.msk [tilespmem:v36+s22+$0x0], $0xffff;
	v36 =	vadd.f32 $-5.555555600e-02, v24  }
0x167: {  	v17 =	vadd.f32 v20, v17;
	v19 =	vmul.f32 v19, v21;
	v20 =	vmul.f32 v28, v24;
	v31 =	vld.idx.msk [tilespmem:v31+s22+$0x0], $0xffff  }
0x168: {  	v15 =	vadd.f32 v18, v15;
	vm4 =	vlt.f32 v21, $1.111111120e-01;
	vm5 =	vlt.f32 v24, $1.111111120e-01;
	v28 =	vld.idx.msk [tilespmem:v39+s22+$0x0], $0xffff  }
0x169: {  	v17 =	vnsel vm2, $0x0, v17;
	v16 =	vsel vm4, v19, v16;
	v19 =	vsel vm5, v20, v36;
	v18 =	vld.idx.msk [tilespmem:v37+s2+$0x0], $0xffff  }
0x16a: {  	v12 =	vadd.f32 v17, v12;
	v16 =	vadd.f32 v19, v16;
	v20 =	vld.idx.msk [tilespmem:v33+s22+$0x0], $0xffff  }
0x16b: {  	v13 =	vadd.f32 v14, v13;
	v15 =	vnsel vm1, $0x0, v15;
	v17 =	vld.idx.msk [tilespmem:v27+s2+$0x0], $0xffff  }
0x16c: {  	v12 =	vadd.f32 v15, v12;
	v15 =	vnsel vm0, $0x0, v25;
	v16 =	vnsel vm3, $0x0, v16;
	v14 =	vld.idx.msk [tilespmem:v29+s22+$0x0], $0xffff  }
0x16d: {  	v19 =	vadd.s32 s28, v0;
	vm0 =	veq.f32 v34, $1.000000000e+00;
	vm1 =	veq.f32 v31, $1.000000000e+00;
	v24 =	vld.idx.msk [tilespmem:v40+s22+$0x0], $0xffff  }
0x16e: {  	v25 =	vor.u32 s1, v11;
	v12 =	vadd.f32 v15, v12;
	vm2 =	veq.f32 v28, $1.000000000e+00  }
0x16f: {  	v15 =	vsub.f32 v23, v18;
	v18 =	vsel vm0, $0x3F800000, v5;
	v23 =	vor.u32 s1, v10;
	v21 =	vld.idx.msk [tilespmem:v30+s2+$0x0], $0xffff  }
0x170: {  	v29 =	vadd.s32 s28, v2;
	v12 =	vadd.f32 v16, v12;
	v27 =	vsel vm2, $0x3F800000, v5;
	v28 =	vld.idx.msk [tilespmem:v35+s22+$0x0], $0xffff  }
0x171: {  	v13 =	vadd.f32 v27, v13;
	v16 =	vsub.f32 v20, v17;
	v17 =	vand.u32 $0x7FFFFFFF, v15;
	v20 =	vld.idx.msk [tilespmem:v38+s2+$0x0], $0xffff  }
0x172: {  	v14 =	vsub.f32 v14, v22;
	v15 =	vmul.f32 $4.500000000e+00, v17;
	v22 =	vsel vm1, $0x3F800000, v5;
	v27 =	vld.idx.msk [tilespmem:v19+s22+$0x0], $0xffff  }
0x173: {  	vm4 =	vlt.f32 v17, $1.111111120e-01;
	v30 =	vand.u32 $0x7FFFFFFF, v16;
	v13 =	vadd.f32 v22, v13  }
0x174: {  	v16 =	vadd.f32 $-5.555555600e-02, v17;
	v22 =	vmul.f32 $4.500000000e+00, v30;
	v15 =	vmul.f32 v15, v17  }
0x175: {  	v26 =	vsub.f32 v26, v21;
	v13 =	vadd.f32 v18, v13;
	v18 =	vadd.s32 s28, v3;
	v21 =	vld.idx.msk [tilespmem:v29+s22+$0x0], $0xffff  }
0x176: {  	v19 =	vand.u32 $0x7FFFFFFF, v14;
	v31 =	vmul.f32 v22, v30;
	v29 =	vsub.f32 v24, v32  }
0x177: {  	v17 =	vadd.f32 $-5.555555600e-02, v19;
	v26 =	vand.u32 $0x7FFFFFFF, v26;
	v14 =	vsub.f32 v28, v20;
	v22 =	vld.idx.msk [tilespmem:v23+s2+$0x0], $0xffff  }
0x178: {  	vm8 =	vlt.f32 v26, $1.111111120e-01;
	v20 =	vmul.f32 $4.500000000e+00, v26;
	vm3 =	veq.f32 v27, $1.000000000e+00  }
0x179: {  	v32 =	vadd.f32 $-5.555555600e-02, v26;
	v33 =	vand.u32 $0x7FFFFFFF, v14;
	v14 =	vsel vm3, $0x3F800000, v5;
	v24 =	vld.idx.msk [tilespmem:v25+s2+$0x0], $0xffff  }
.Ltmp4:
0x17a: {  	v23 =	vmul.f32 $4.500000000e+00, v19;
	v28 =	vand.u32 $0x7FFFFFFF, v29;
	v25 =	vmul.f32 $4.500000000e+00, v33;
	v27 =	vld.idx.msk [tilespmem:v18+s22+$0x0], $0xffff;
	(pc) =	sbr.rel @p0 .LBB2_10-.Ltmp4, $4  }
0x17b: {  	vm5 =	vlt.f32 v19, $1.111111120e-01;
	vm7 =	vlt.f32 v28, $1.111111120e-01;
	vm6 =	vlt.f32 v33, $1.111111120e-01  }
0x17c: {  	v29 =	vmul.f32 $4.500000000e+00, v28;
	v34 =	vmul.f32 v20, v26;
	v18 =	vadd.f32 $-5.555555600e-02, v30  }
0x17d: {  	vm9 =	vlt.f32 v30, $1.111111120e-01;
	v26 =	vadd.f32 $-5.555555600e-02, v33;
	v25 =	vmul.f32 v25, v33  }
0x17e: {  	s1 =	sadd.s32 $0x80, s1;
	v30 =	vadd.f32 $-5.555555600e-02, v28;
	v20 =	vsel vm9, v31, v18;
	v18 =	vsel vm8, v34, v32  }
0x17f: {  	s0 =	simm.s32 $0x0  }
0x180: {  	[tilespmem:s0], [sflag:$0x1] =	stream.linear.gather [hbm4b:s15+s0], $0x4000, $0x38;
	[tilespmem:$0x14100] =	vst v63  }
0x181: {  	v28 =	vmul.f32 v29, v28;
	v24 =	vsub.f32 v27, v24;
	v21 =	vsub.f32 v21, v22;
	s1 =	simm.s32 $0x30;
	s5 =	simm.s32 $0x60  }
0x182: {  	v22 =	vsel vm6, v25, v26;
	v19 =	vmul.f32 v23, v19;
	v15 =	vsel vm4, v15, v16;
	[tilespmem:s22], [sflag:$0x1] =	stream.linear.gather [hbm4b:s16+s0], $0x6000, $0x38;
	[tilespmem:$0x14100] =	vst v63  }
0x183: {  	v23 =	vor.u32 s0, v1;
	v26 =	vadd.s32 s1, v2;
	v16 =	vadd.s32 s5, v0;
	_ =	swait.ge [sflag:s26], $0x4000  }
0x184: {  	v15 =	vadd.f32 v18, v15;
	v18 =	vor.u32 s0, v6;
	v28 =	vsel vm7, v28, v30;
	[sflag:s26] =	ssyncset.done $0x0  }
0x185: {  	v21 =	vand.u32 $0x7FFFFFFF, v21;
	v24 =	vand.u32 $0x7FFFFFFF, v24;
	v17 =	vsel vm5, v19, v17;
	[sflag:s26] =	ssyncadd.s32 $0xFFFFC000  }
0x186: {  	v30 =	vadd.s32 s1, v0;
	v22 =	vadd.f32 v28, v22;
	v19 =	vmul.f32 $4.500000000e+00, v21;
	_ =	swait.ge [sflag:s26], $0x6000  }
0x187: {  	v27 =	vmul.f32 $4.500000000e+00, v24;
	v28 =	vadd.f32 $-5.555555600e-02, v21;
	v17 =	vadd.f32 v20, v17;
	[sflag:s26] =	ssyncset.done $0x0  }
0x188: {  	s6 =	simm.s32 $0x0;
	v29 =	vadd.f32 $-5.555555600e-02, v24;
	vm4 =	vlt.f32 v21, $1.111111120e-01;
	v19 =	vmul.f32 v19, v21;
	[sflag:s26] =	ssyncadd.s32 $0xFFFFA000  }
0x189: {  	v27 =	vmul.f32 v27, v24;
	v17 =	vnsel vm2, $0x0, v17;
	v21 =	vor.u32 s6, v3;
	v20 =	vld.idx.msk [tilespmem:v23+s23+$0x0], $0xffff  }
0x18a: {  	vm2 =	vlt.f32 v24, $1.111111120e-01;
	v24 =	vor.u32 s6, v2;
	v12 =	vadd.f32 v17, v12;
	v26 =	vld.idx.msk [tilespmem:v26+s24+$0x0], $0xffff  }
0x18b: {  	v15 =	vnsel vm1, $0x0, v15;
	v17 =	vor.u32 s0, v4;
	v19 =	vsel vm4, v19, v28;
	v16 =	vld.idx.msk [tilespmem:v16+s24+$0x0], $0xffff  }
0x18c: {  	v27 =	vsel vm2, v27, v29;
	v12 =	vadd.f32 v15, v12;
	v23 =	vor.u32 s6, v0;
	v28 =	vld.idx.msk [tilespmem:v30+s24+$0x0], $0xffff  }
0x18d: {  	v22 =	vnsel vm0, $0x0, v22;
	v15 =	vadd.s32 s1, v3;
	v19 =	vadd.f32 v27, v19;
	v18 =	vld.idx.msk [tilespmem:v18+s23+$0x0], $0xffff  }
0x18e: {  	v12 =	vadd.f32 v22, v12;
	v22 =	vor.u32 s0, v7;
	v21 =	vld.idx.msk [tilespmem:v21+s24+$0x0], $0xffff  }
0x18f: {  	v13 =	vadd.f32 v14, v13;
	v14 =	vnsel vm3, $0x0, v19;
	v19 =	vadd.s32 s5, v2;
	v24 =	vld.idx.msk [tilespmem:v24+s24+$0x0], $0xffff  }
0x190: {  	v17 =	vld.idx.msk [tilespmem:v17+s23+$0x0], $0xffff  }
0x191: {  	v12 =	vadd.f32 v14, v12;
	v14 =	vor.u32 s0, v8;
	v23 =	vld.idx.msk [tilespmem:v23+s24+$0x0], $0xffff  }
0x192: {  	s30 =	simm.s32 $0x90;
	v25 =	vor.u32 s0, v9;
	v27 =	vadd.s32 s5, v3;
	vm1 =	veq.f32 v28, $1.000000000e+00;
	v28 =	vld.idx.msk [tilespmem:v15+s24+$0x0], $0xffff  }
0x193: {  	v30 =	vadd.s32 s30, v2;
	vm0 =	veq.f32 v16, $1.000000000e+00;
	v16 =	vsub.f32 v26, v18;
	v22 =	vld.idx.msk [tilespmem:v22+s23+$0x0], $0xffff  }
0x194: {  	v15 =	vadd.s32 s30, v0;
	v26 =	vor.u32 s0, v10;
	v31 =	vld.idx.msk [tilespmem:v19+s24+$0x0], $0xffff;
	v19 =	vsub.f32 v24, v20  }
0x195: {  	v18 =	vsel vm0, $0x3F800000, v5;
	v17 =	vsub.f32 v21, v17;
	v16 =	vand.u32 $0x7FFFFFFF, v16  }
0x196: {  	v21 =	vsel vm1, $0x3F800000, v5;
	v14 =	vld.idx.msk [tilespmem:v14+s23+$0x0], $0xffff;
	v19 =	vand.u32 $0x7FFFFFFF, v19;
	v20 =	vmul.f32 $4.500000000e+00, v16  }
0x197: {  	v25 =	vld.idx.msk [tilespmem:v25+s23+$0x0], $0xffff;
	v32 =	vand.u32 $0x7FFFFFFF, v17;
	vm4 =	vlt.f32 v16, $1.111111120e-01;
	vm5 =	vlt.f32 v19, $1.111111120e-01  }
0x198: {  	v17 =	vmul.f32 $4.500000000e+00, v32;
	vm9 =	vlt.f32 v32, $1.111111120e-01;
	vm2 =	veq.f32 v23, $1.000000000e+00;
	v23 =	vld.idx.msk [tilespmem:v27+s24+$0x0], $0xffff  }
0x199: {  	v24 =	vld.idx.msk [tilespmem:v15+s24+$0x0], $0xffff;
	v15 =	vmul.f32 v20, v16;
	v20 =	vsub.f32 v28, v22;
	v29 =	vsel vm2, $0x3F800000, v5  }
0x19a: {  	v27 =	vor.u32 s0, v11;
	v16 =	vadd.f32 $-5.555555600e-02, v16;
	v13 =	vadd.f32 v29, v13  }
0x19b: {  	v33 =	vmul.f32 v17, v32;
	v20 =	vand.u32 $0x7FFFFFFF, v20;
	v14 =	vsub.f32 v31, v14  }
0x19c: {  	v17 =	vadd.f32 $-5.555555600e-02, v19;
	vm8 =	vlt.f32 v20, $1.111111120e-01;
	v13 =	vadd.f32 v21, v13  }
0x19d: {  	v31 =	vadd.f32 $-5.555555600e-02, v20;
	v34 =	vand.u32 $0x7FFFFFFF, v14;
	v21 =	vsub.f32 v23, v25  }
0x19e: {  	v25 =	vmul.f32 $4.500000000e+00, v20;
	v13 =	vadd.f32 v18, v13;
	v18 =	vadd.s32 s30, v3  }
0x19f: {  	vm3 =	veq.f32 v24, $1.000000000e+00;
	v23 =	vmul.f32 $4.500000000e+00, v19;
	v35 =	vmul.f32 $4.500000000e+00, v34  }
0x1a0: {  	v22 =	vld.idx.msk [tilespmem:v26+s23+$0x0], $0xffff;
	vm6 =	vlt.f32 v34, $1.111111120e-01;
	v26 =	vadd.f32 $-5.555555600e-02, v34;
	v14 =	vsel vm3, $0x3F800000, v5  }
0x1a1: {  	v28 =	vand.u32 $0x7FFFFFFF, v21;
	v21 =	vld.idx.msk [tilespmem:v30+s24+$0x0], $0xffff;
	v30 =	vadd.f32 $-5.555555600e-02, v32;
	v36 =	vmul.f32 v25, v20  }
0x1a2: {  	v24 =	vld.idx.msk [tilespmem:v27+s23+$0x0], $0xffff;
	v25 =	vmul.f32 v35, v34;
	vm7 =	vlt.f32 v28, $1.111111120e-01;
	v29 =	vmul.f32 $4.500000000e+00, v28  }
0x1a3: {  	s1 =	simm.s32 $0x80;
	s0 =	simm.s32 $0x150;
	v20 =	vsel vm9, v33, v30;
	v30 =	vadd.f32 $-5.555555600e-02, v28;
	v27 =	vld.idx.msk [tilespmem:v18+s24+$0x0], $0xffff;
	v18 =	vsel vm8, v36, v31  }
.LBB2_12:
0x1a4: {  	s5 =	sadd.s32 $0xFFFFFF70, s0  }
0x1a5: {  	v31 =	vor.u32 s1, v1;
	v32 =	vor.u32 s1, v9;
	p0 =	sne.s32 s0, $0x5FD0;
	v28 =	vmul.f32 v29, v28;
	s28 =	smov.u32 s0;
	s0 =	sadd.s32 $0xC0, s0  }
0x1a6: {  	v19 =	vmul.f32 v23, v19;
	v29 =	vor.u32 s5, v2;
	v33 =	vor.u32 s5, v3;
	s6 =	sadd.s32 $0xFFFFFFA0, s28  }
0x1a7: {  	s30 =	sadd.s32 $0xFFFFFFD0, s28;
	v23 =	vadd.s32 s6, v2;
	v34 =	vadd.s32 s6, v3;
	v28 =	vsel vm7, v28, v30  }
0x1a8: {  	v24 =	vsub.f32 v27, v24;
	v30 =	vor.u32 s1, v7;
	v35 =	vadd.s32 s30, v2  }
0x1a9: {  	v27 =	vor.u32 s1, v4;
	v21 =	vsub.f32 v21, v22;
	v36 =	vadd.s32 s30, v0  }
0x1aa: {  	v37 =	vor.u32 s1, v6;
	v38 =	vor.u32 s1, v8;
	v22 =	vld.idx.msk [tilespmem:v31+s23+$0x0], $0xffff;
	v31 =	vadd.s32 s6, v0  }
0x1ab: {  	v25 =	vsel vm6, v25, v26;
	v39 =	vor.u32 s5, v0;
	v40 =	vadd.s32 s30, v3;
	v32 =	vld.idx.msk [tilespmem:v32+s23+$0x0], $0xffff  }
0x1ac: {  	v21 =	vand.u32 $0x7FFFFFFF, v21;
	v24 =	vand.u32 $0x7FFFFFFF, v24;
	v25 =	vadd.f32 v28, v25;
	v23 =	vld.idx.msk [tilespmem:v23+s24+$0x0], $0xffff  }
0x1ad: {  	v17 =	vsel vm5, v19, v17;
	v19 =	vmul.f32 $4.500000000e+00, v21;
	v28 =	vmul.f32 $4.500000000e+00, v24;
	v26 =	vld.idx.msk [tilespmem:v34+s24+$0x0], $0xffff  }
0x1ae: {  	v15 =	vsel vm4, v15, v16;
	v16 =	vadd.f32 $-5.555555600e-02, v21;
	v34 =	vld.idx.msk [tilespmem:v36+s24+$0x0], $0xffff;
	v36 =	vadd.f32 $-5.555555600e-02, v24  }
0x1af: {  	v17 =	vadd.f32 v20, v17;
	v19 =	vmul.f32 v19, v21;
	v20 =	vmul.f32 v28, v24;
	v31 =	vld.idx.msk [tilespmem:v31+s24+$0x0], $0xffff  }
0x1b0: {  	v15 =	vadd.f32 v18, v15;
	vm4 =	vlt.f32 v21, $1.111111120e-01;
	vm5 =	vlt.f32 v24, $1.111111120e-01;
	v28 =	vld.idx.msk [tilespmem:v39+s24+$0x0], $0xffff  }
0x1b1: {  	v17 =	vnsel vm2, $0x0, v17;
	v16 =	vsel vm4, v19, v16;
	v19 =	vsel vm5, v20, v36;
	v18 =	vld.idx.msk [tilespmem:v37+s23+$0x0], $0xffff  }
0x1b2: {  	v12 =	vadd.f32 v17, v12;
	v16 =	vadd.f32 v19, v16;
	v20 =	vld.idx.msk [tilespmem:v33+s24+$0x0], $0xffff  }
0x1b3: {  	v13 =	vadd.f32 v14, v13;
	v15 =	vnsel vm1, $0x0, v15;
	v17 =	vld.idx.msk [tilespmem:v27+s23+$0x0], $0xffff  }
0x1b4: {  	v12 =	vadd.f32 v15, v12;
	v15 =	vnsel vm0, $0x0, v25;
	v16 =	vnsel vm3, $0x0, v16;
	v14 =	vld.idx.msk [tilespmem:v29+s24+$0x0], $0xffff  }
0x1b5: {  	v19 =	vadd.s32 s28, v0;
	vm0 =	veq.f32 v34, $1.000000000e+00;
	vm1 =	veq.f32 v31, $1.000000000e+00;
	v24 =	vld.idx.msk [tilespmem:v40+s24+$0x0], $0xffff  }
0x1b6: {  	v25 =	vor.u32 s1, v11;
	v12 =	vadd.f32 v15, v12;
	vm2 =	veq.f32 v28, $1.000000000e+00  }
0x1b7: {  	v15 =	vsub.f32 v23, v18;
	v18 =	vsel vm0, $0x3F800000, v5;
	v23 =	vor.u32 s1, v10;
	v21 =	vld.idx.msk [tilespmem:v30+s23+$0x0], $0xffff  }
0x1b8: {  	v29 =	vadd.s32 s28, v2;
	v12 =	vadd.f32 v16, v12;
	v27 =	vsel vm2, $0x3F800000, v5;
	v28 =	vld.idx.msk [tilespmem:v35+s24+$0x0], $0xffff  }
0x1b9: {  	v13 =	vadd.f32 v27, v13;
	v16 =	vsub.f32 v20, v17;
	v17 =	vand.u32 $0x7FFFFFFF, v15;
	v20 =	vld.idx.msk [tilespmem:v38+s23+$0x0], $0xffff  }
0x1ba: {  	v14 =	vsub.f32 v14, v22;
	v15 =	vmul.f32 $4.500000000e+00, v17;
	v22 =	vsel vm1, $0x3F800000, v5;
	v27 =	vld.idx.msk [tilespmem:v19+s24+$0x0], $0xffff  }
0x1bb: {  	vm4 =	vlt.f32 v17, $1.111111120e-01;
	v30 =	vand.u32 $0x7FFFFFFF, v16;
	v13 =	vadd.f32 v22, v13  }
0x1bc: {  	v16 =	vadd.f32 $-5.555555600e-02, v17;
	v22 =	vmul.f32 $4.500000000e+00, v30;
	v15 =	vmul.f32 v15, v17  }
0x1bd: {  	v26 =	vsub.f32 v26, v21;
	v13 =	vadd.f32 v18, v13;
	v18 =	vadd.s32 s28, v3;
	v21 =	vld.idx.msk [tilespmem:v29+s24+$0x0], $0xffff  }
0x1be: {  	v19 =	vand.u32 $0x7FFFFFFF, v14;
	v31 =	vmul.f32 v22, v30;
	v29 =	vsub.f32 v24, v32  }
0x1bf: {  	v17 =	vadd.f32 $-5.555555600e-02, v19;
	v26 =	vand.u32 $0x7FFFFFFF, v26;
	v14 =	vsub.f32 v28, v20;
	v22 =	vld.idx.msk [tilespmem:v23+s23+$0x0], $0xffff  }
0x1c0: {  	vm8 =	vlt.f32 v26, $1.111111120e-01;
	v20 =	vmul.f32 $4.500000000e+00, v26;
	vm3 =	veq.f32 v27, $1.000000000e+00  }
0x1c1: {  	v32 =	vadd.f32 $-5.555555600e-02, v26;
	v33 =	vand.u32 $0x7FFFFFFF, v14;
	v14 =	vsel vm3, $0x3F800000, v5;
	v24 =	vld.idx.msk [tilespmem:v25+s23+$0x0], $0xffff  }
.Ltmp5:
0x1c2: {  	v23 =	vmul.f32 $4.500000000e+00, v19;
	v28 =	vand.u32 $0x7FFFFFFF, v29;
	v25 =	vmul.f32 $4.500000000e+00, v33;
	v27 =	vld.idx.msk [tilespmem:v18+s24+$0x0], $0xffff;
	(pc) =	sbr.rel @p0 .LBB2_12-.Ltmp5, $4  }
0x1c3: {  	vm5 =	vlt.f32 v19, $1.111111120e-01;
	vm7 =	vlt.f32 v28, $1.111111120e-01;
	vm6 =	vlt.f32 v33, $1.111111120e-01  }
0x1c4: {  	v29 =	vmul.f32 $4.500000000e+00, v28;
	v34 =	vmul.f32 v20, v26;
	v18 =	vadd.f32 $-5.555555600e-02, v30  }
0x1c5: {  	vm9 =	vlt.f32 v30, $1.111111120e-01;
	v26 =	vadd.f32 $-5.555555600e-02, v33;
	v25 =	vmul.f32 v25, v33  }
0x1c6: {  	s1 =	sadd.s32 $0x80, s1;
	v30 =	vadd.f32 $-5.555555600e-02, v28;
	v20 =	vsel vm9, v31, v18;
	v18 =	vsel vm8, v34, v32  }
0x1c7: {  	s0 =	simm.s32 $0x0  }
0x1c8: {  	[tilespmem:s23], [sflag:$0x2] =	stream.linear.gather [hbm4b:s17+s0], $0x4000, $0x38;
	[tilespmem:$0x14100] =	vst v63  }
0x1c9: {  	v28 =	vmul.f32 v29, v28;
	v24 =	vsub.f32 v27, v24;
	v21 =	vsub.f32 v21, v22;
	s1 =	simm.s32 $0x30;
	s5 =	simm.s32 $0x60  }
0x1ca: {  	v22 =	vsel vm6, v25, v26;
	v19 =	vmul.f32 v23, v19;
	v15 =	vsel vm4, v15, v16;
	[tilespmem:s24], [sflag:$0x2] =	stream.linear.gather [hbm4b:s19+s0], $0x6000, $0x38;
	[tilespmem:$0x14100] =	vst v63  }
0x1cb: {  	v23 =	vor.u32 s0, v1;
	v26 =	vadd.s32 s1, v2;
	v16 =	vadd.s32 s5, v0;
	_ =	swait.ge [sflag:s25], $0x4000  }
0x1cc: {  	v15 =	vadd.f32 v18, v15;
	v18 =	vor.u32 s0, v6;
	v28 =	vsel vm7, v28, v30;
	[sflag:s25] =	ssyncset.done $0x0  }
0x1cd: {  	v21 =	vand.u32 $0x7FFFFFFF, v21;
	v24 =	vand.u32 $0x7FFFFFFF, v24;
	v17 =	vsel vm5, v19, v17;
	[sflag:s25] =	ssyncadd.s32 $0xFFFFC000  }
0x1ce: {  	v30 =	vadd.s32 s1, v0;
	v22 =	vadd.f32 v28, v22;
	v19 =	vmul.f32 $4.500000000e+00, v21;
	_ =	swait.ge [sflag:s25], $0x6000  }
0x1cf: {  	v27 =	vmul.f32 $4.500000000e+00, v24;
	v28 =	vadd.f32 $-5.555555600e-02, v21;
	v17 =	vadd.f32 v20, v17;
	[sflag:s25] =	ssyncset.done $0x0  }
0x1d0: {  	s6 =	simm.s32 $0x0;
	v29 =	vadd.f32 $-5.555555600e-02, v24;
	vm4 =	vlt.f32 v21, $1.111111120e-01;
	v19 =	vmul.f32 v19, v21;
	[sflag:s25] =	ssyncadd.s32 $0xFFFFA000  }
0x1d1: {  	v27 =	vmul.f32 v27, v24;
	v17 =	vnsel vm2, $0x0, v17;
	v21 =	vor.u32 s6, v3;
	v20 =	vld.idx.msk [tilespmem:v23+s2+$0x0], $0xffff  }
0x1d2: {  	vm2 =	vlt.f32 v24, $1.111111120e-01;
	v24 =	vor.u32 s6, v2;
	v12 =	vadd.f32 v17, v12;
	v26 =	vld.idx.msk [tilespmem:v26+s22+$0x0], $0xffff  }
0x1d3: {  	v15 =	vnsel vm1, $0x0, v15;
	v17 =	vor.u32 s0, v4;
	v19 =	vsel vm4, v19, v28;
	v16 =	vld.idx.msk [tilespmem:v16+s22+$0x0], $0xffff  }
0x1d4: {  	v27 =	vsel vm2, v27, v29;
	v12 =	vadd.f32 v15, v12;
	v23 =	vor.u32 s6, v0;
	v28 =	vld.idx.msk [tilespmem:v30+s22+$0x0], $0xffff  }
0x1d5: {  	v22 =	vnsel vm0, $0x0, v22;
	v15 =	vadd.s32 s1, v3;
	v19 =	vadd.f32 v27, v19;
	v18 =	vld.idx.msk [tilespmem:v18+s2+$0x0], $0xffff  }
0x1d6: {  	v12 =	vadd.f32 v22, v12;
	v22 =	vor.u32 s0, v7;
	v21 =	vld.idx.msk [tilespmem:v21+s22+$0x0], $0xffff  }
0x1d7: {  	v13 =	vadd.f32 v14, v13;
	v14 =	vnsel vm3, $0x0, v19;
	v19 =	vadd.s32 s5, v2;
	v24 =	vld.idx.msk [tilespmem:v24+s22+$0x0], $0xffff  }
0x1d8: {  	v17 =	vld.idx.msk [tilespmem:v17+s2+$0x0], $0xffff  }
0x1d9: {  	v12 =	vadd.f32 v14, v12;
	v14 =	vor.u32 s0, v8;
	v23 =	vld.idx.msk [tilespmem:v23+s22+$0x0], $0xffff  }
0x1da: {  	s30 =	simm.s32 $0x90;
	v25 =	vor.u32 s0, v9;
	v27 =	vadd.s32 s5, v3;
	vm1 =	veq.f32 v28, $1.000000000e+00;
	v28 =	vld.idx.msk [tilespmem:v15+s22+$0x0], $0xffff  }
0x1db: {  	v30 =	vadd.s32 s30, v2;
	vm0 =	veq.f32 v16, $1.000000000e+00;
	v16 =	vsub.f32 v26, v18;
	v22 =	vld.idx.msk [tilespmem:v22+s2+$0x0], $0xffff  }
0x1dc: {  	v15 =	vadd.s32 s30, v0;
	v26 =	vor.u32 s0, v10;
	v31 =	vld.idx.msk [tilespmem:v19+s22+$0x0], $0xffff;
	v19 =	vsub.f32 v24, v20  }
0x1dd: {  	v18 =	vsel vm0, $0x3F800000, v5;
	v17 =	vsub.f32 v21, v17;
	v16 =	vand.u32 $0x7FFFFFFF, v16  }
0x1de: {  	v21 =	vsel vm1, $0x3F800000, v5;
	v14 =	vld.idx.msk [tilespmem:v14+s2+$0x0], $0xffff;
	v19 =	vand.u32 $0x7FFFFFFF, v19;
	v20 =	vmul.f32 $4.500000000e+00, v16  }
0x1df: {  	v25 =	vld.idx.msk [tilespmem:v25+s2+$0x0], $0xffff;
	v32 =	vand.u32 $0x7FFFFFFF, v17;
	vm4 =	vlt.f32 v16, $1.111111120e-01;
	vm5 =	vlt.f32 v19, $1.111111120e-01  }
0x1e0: {  	v17 =	vmul.f32 $4.500000000e+00, v32;
	vm9 =	vlt.f32 v32, $1.111111120e-01;
	vm2 =	veq.f32 v23, $1.000000000e+00;
	v23 =	vld.idx.msk [tilespmem:v27+s22+$0x0], $0xffff  }
0x1e1: {  	v24 =	vld.idx.msk [tilespmem:v15+s22+$0x0], $0xffff;
	v15 =	vmul.f32 v20, v16;
	v20 =	vsub.f32 v28, v22;
	v29 =	vsel vm2, $0x3F800000, v5  }
0x1e2: {  	v27 =	vor.u32 s0, v11;
	v16 =	vadd.f32 $-5.555555600e-02, v16;
	v13 =	vadd.f32 v29, v13  }
0x1e3: {  	v33 =	vmul.f32 v17, v32;
	v20 =	vand.u32 $0x7FFFFFFF, v20;
	v14 =	vsub.f32 v31, v14  }
0x1e4: {  	v17 =	vadd.f32 $-5.555555600e-02, v19;
	vm8 =	vlt.f32 v20, $1.111111120e-01;
	v13 =	vadd.f32 v21, v13  }
0x1e5: {  	v31 =	vadd.f32 $-5.555555600e-02, v20;
	v34 =	vand.u32 $0x7FFFFFFF, v14;
	v21 =	vsub.f32 v23, v25  }
0x1e6: {  	v25 =	vmul.f32 $4.500000000e+00, v20;
	v13 =	vadd.f32 v18, v13;
	v18 =	vadd.s32 s30, v3  }
0x1e7: {  	vm3 =	veq.f32 v24, $1.000000000e+00;
	v23 =	vmul.f32 $4.500000000e+00, v19;
	v35 =	vmul.f32 $4.500000000e+00, v34  }
0x1e8: {  	v22 =	vld.idx.msk [tilespmem:v26+s2+$0x0], $0xffff;
	vm6 =	vlt.f32 v34, $1.111111120e-01;
	v26 =	vadd.f32 $-5.555555600e-02, v34;
	v14 =	vsel vm3, $0x3F800000, v5  }
0x1e9: {  	v28 =	vand.u32 $0x7FFFFFFF, v21;
	v21 =	vld.idx.msk [tilespmem:v30+s22+$0x0], $0xffff;
	v30 =	vadd.f32 $-5.555555600e-02, v32;
	v36 =	vmul.f32 v25, v20  }
0x1ea: {  	v24 =	vld.idx.msk [tilespmem:v27+s2+$0x0], $0xffff;
	v25 =	vmul.f32 v35, v34;
	vm7 =	vlt.f32 v28, $1.111111120e-01;
	v29 =	vmul.f32 $4.500000000e+00, v28  }
0x1eb: {  	s1 =	simm.s32 $0x80;
	s0 =	simm.s32 $0x150;
	v20 =	vsel vm9, v33, v30;
	v30 =	vadd.f32 $-5.555555600e-02, v28;
	v27 =	vld.idx.msk [tilespmem:v18+s22+$0x0], $0xffff;
	v18 =	vsel vm8, v36, v31  }
.LBB2_14:
0x1ec: {  	s5 =	sadd.s32 $0xFFFFFF70, s0  }
0x1ed: {  	v31 =	vor.u32 s1, v1;
	v32 =	vor.u32 s1, v9;
	p0 =	sne.s32 s0, $0x5FD0;
	v28 =	vmul.f32 v29, v28;
	s28 =	smov.u32 s0;
	s0 =	sadd.s32 $0xC0, s0  }
0x1ee: {  	v19 =	vmul.f32 v23, v19;
	v29 =	vor.u32 s5, v2;
	v33 =	vor.u32 s5, v3;
	s6 =	sadd.s32 $0xFFFFFFA0, s28  }
0x1ef: {  	s30 =	sadd.s32 $0xFFFFFFD0, s28;
	v23 =	vadd.s32 s6, v2;
	v34 =	vadd.s32 s6, v3;
	v28 =	vsel vm7, v28, v30  }
0x1f0: {  	v24 =	vsub.f32 v27, v24;
	v30 =	vor.u32 s1, v7;
	v35 =	vadd.s32 s30, v2  }
0x1f1: {  	v27 =	vor.u32 s1, v4;
	v21 =	vsub.f32 v21, v22;
	v36 =	vadd.s32 s30, v0  }
0x1f2: {  	v37 =	vor.u32 s1, v6;
	v38 =	vor.u32 s1, v8;
	v22 =	vld.idx.msk [tilespmem:v31+s2+$0x0], $0xffff;
	v31 =	vadd.s32 s6, v0  }
0x1f3: {  	v25 =	vsel vm6, v25, v26;
	v39 =	vor.u32 s5, v0;
	v40 =	vadd.s32 s30, v3;
	v32 =	vld.idx.msk [tilespmem:v32+s2+$0x0], $0xffff  }
0x1f4: {  	v21 =	vand.u32 $0x7FFFFFFF, v21;
	v24 =	vand.u32 $0x7FFFFFFF, v24;
	v25 =	vadd.f32 v28, v25;
	v23 =	vld.idx.msk [tilespmem:v23+s22+$0x0], $0xffff  }
0x1f5: {  	v17 =	vsel vm5, v19, v17;
	v19 =	vmul.f32 $4.500000000e+00, v21;
	v28 =	vmul.f32 $4.500000000e+00, v24;
	v26 =	vld.idx.msk [tilespmem:v34+s22+$0x0], $0xffff  }
0x1f6: {  	v15 =	vsel vm4, v15, v16;
	v16 =	vadd.f32 $-5.555555600e-02, v21;
	v34 =	vld.idx.msk [tilespmem:v36+s22+$0x0], $0xffff;
	v36 =	vadd.f32 $-5.555555600e-02, v24  }
0x1f7: {  	v17 =	vadd.f32 v20, v17;
	v19 =	vmul.f32 v19, v21;
	v20 =	vmul.f32 v28, v24;
	v31 =	vld.idx.msk [tilespmem:v31+s22+$0x0], $0xffff  }
0x1f8: {  	v15 =	vadd.f32 v18, v15;
	vm4 =	vlt.f32 v21, $1.111111120e-01;
	vm5 =	vlt.f32 v24, $1.111111120e-01;
	v28 =	vld.idx.msk [tilespmem:v39+s22+$0x0], $0xffff  }
0x1f9: {  	v17 =	vnsel vm2, $0x0, v17;
	v16 =	vsel vm4, v19, v16;
	v19 =	vsel vm5, v20, v36;
	v18 =	vld.idx.msk [tilespmem:v37+s2+$0x0], $0xffff  }
0x1fa: {  	v12 =	vadd.f32 v17, v12;
	v16 =	vadd.f32 v19, v16;
	v20 =	vld.idx.msk [tilespmem:v33+s22+$0x0], $0xffff  }
0x1fb: {  	v13 =	vadd.f32 v14, v13;
	v15 =	vnsel vm1, $0x0, v15;
	v17 =	vld.idx.msk [tilespmem:v27+s2+$0x0], $0xffff  }
0x1fc: {  	v12 =	vadd.f32 v15, v12;
	v15 =	vnsel vm0, $0x0, v25;
	v16 =	vnsel vm3, $0x0, v16;
	v14 =	vld.idx.msk [tilespmem:v29+s22+$0x0], $0xffff  }
0x1fd: {  	v19 =	vadd.s32 s28, v0;
	vm0 =	veq.f32 v34, $1.000000000e+00;
	vm1 =	veq.f32 v31, $1.000000000e+00;
	v24 =	vld.idx.msk [tilespmem:v40+s22+$0x0], $0xffff  }
0x1fe: {  	v25 =	vor.u32 s1, v11;
	v12 =	vadd.f32 v15, v12;
	vm2 =	veq.f32 v28, $1.000000000e+00  }
0x1ff: {  	v15 =	vsub.f32 v23, v18;
	v18 =	vsel vm0, $0x3F800000, v5;
	v23 =	vor.u32 s1, v10;
	v21 =	vld.idx.msk [tilespmem:v30+s2+$0x0], $0xffff  }
0x200: {  	v29 =	vadd.s32 s28, v2;
	v12 =	vadd.f32 v16, v12;
	v27 =	vsel vm2, $0x3F800000, v5;
	v28 =	vld.idx.msk [tilespmem:v35+s22+$0x0], $0xffff  }
0x201: {  	v13 =	vadd.f32 v27, v13;
	v16 =	vsub.f32 v20, v17;
	v17 =	vand.u32 $0x7FFFFFFF, v15;
	v20 =	vld.idx.msk [tilespmem:v38+s2+$0x0], $0xffff  }
0x202: {  	v14 =	vsub.f32 v14, v22;
	v15 =	vmul.f32 $4.500000000e+00, v17;
	v22 =	vsel vm1, $0x3F800000, v5;
	v27 =	vld.idx.msk [tilespmem:v19+s22+$0x0], $0xffff  }
0x203: {  	vm4 =	vlt.f32 v17, $1.111111120e-01;
	v30 =	vand.u32 $0x7FFFFFFF, v16;
	v13 =	vadd.f32 v22, v13  }
0x204: {  	v16 =	vadd.f32 $-5.555555600e-02, v17;
	v22 =	vmul.f32 $4.500000000e+00, v30;
	v15 =	vmul.f32 v15, v17  }
0x205: {  	v26 =	vsub.f32 v26, v21;
	v13 =	vadd.f32 v18, v13;
	v18 =	vadd.s32 s28, v3;
	v21 =	vld.idx.msk [tilespmem:v29+s22+$0x0], $0xffff  }
0x206: {  	v19 =	vand.u32 $0x7FFFFFFF, v14;
	v31 =	vmul.f32 v22, v30;
	v29 =	vsub.f32 v24, v32  }
0x207: {  	v17 =	vadd.f32 $-5.555555600e-02, v19;
	v26 =	vand.u32 $0x7FFFFFFF, v26;
	v14 =	vsub.f32 v28, v20;
	v22 =	vld.idx.msk [tilespmem:v23+s2+$0x0], $0xffff  }
0x208: {  	vm8 =	vlt.f32 v26, $1.111111120e-01;
	v20 =	vmul.f32 $4.500000000e+00, v26;
	vm3 =	veq.f32 v27, $1.000000000e+00  }
0x209: {  	v32 =	vadd.f32 $-5.555555600e-02, v26;
	v33 =	vand.u32 $0x7FFFFFFF, v14;
	v14 =	vsel vm3, $0x3F800000, v5;
	v24 =	vld.idx.msk [tilespmem:v25+s2+$0x0], $0xffff  }
.Ltmp6:
0x20a: {  	v23 =	vmul.f32 $4.500000000e+00, v19;
	v28 =	vand.u32 $0x7FFFFFFF, v29;
	v25 =	vmul.f32 $4.500000000e+00, v33;
	v27 =	vld.idx.msk [tilespmem:v18+s22+$0x0], $0xffff;
	(pc) =	sbr.rel @p0 .LBB2_14-.Ltmp6, $4  }
0x20b: {  	vm5 =	vlt.f32 v19, $1.111111120e-01;
	vm7 =	vlt.f32 v28, $1.111111120e-01;
	vm6 =	vlt.f32 v33, $1.111111120e-01  }
0x20c: {  	v29 =	vmul.f32 $4.500000000e+00, v28;
	v34 =	vmul.f32 v20, v26;
	v18 =	vadd.f32 $-5.555555600e-02, v30  }
0x20d: {  	vm9 =	vlt.f32 v30, $1.111111120e-01;
	v26 =	vadd.f32 $-5.555555600e-02, v33;
	v25 =	vmul.f32 v25, v33  }
0x20e: {  	s1 =	sadd.s32 $0x80, s1;
	v30 =	vadd.f32 $-5.555555600e-02, v28;
	v20 =	vsel vm9, v31, v18;
	v18 =	vsel vm8, v34, v32  }
0x20f: {  	v28 =	vmul.f32 v29, v28;
	v24 =	vsub.f32 v27, v24  }
0x210: {  	v21 =	vsub.f32 v21, v22;
	v22 =	vsel vm6, v25, v26;
	s0 =	simm.s32 $0x0;
	v19 =	vmul.f32 v23, v19;
	s1 =	simm.s32 $0x30  }
0x211: {  	_ =	swait.ge [sflag:s26], $0x4000;
	s5 =	simm.s32 $0x60;
	v15 =	vsel vm4, v15, v16;
	v23 =	vor.u32 s0, v1;
	v26 =	vadd.s32 s1, v2  }
0x212: {  	[sflag:s26] =	ssyncset.done $0x0;
	v16 =	vadd.s32 s5, v0;
	v15 =	vadd.f32 v18, v15;
	v18 =	vor.u32 s0, v6  }
0x213: {  	v28 =	vsel vm7, v28, v30;
	v21 =	vand.u32 $0x7FFFFFFF, v21;
	v24 =	vand.u32 $0x7FFFFFFF, v24;
	[sflag:s26] =	ssyncadd.s32 $0xFFFFC000  }
0x214: {  	v17 =	vsel vm5, v19, v17;
	v30 =	vadd.s32 s1, v0;
	v22 =	vadd.f32 v28, v22;
	_ =	swait.ge [sflag:s26], $0x6000  }
0x215: {  	v19 =	vmul.f32 $4.500000000e+00, v21;
	v27 =	vmul.f32 $4.500000000e+00, v24;
	v28 =	vadd.f32 $-5.555555600e-02, v21;
	[sflag:s26] =	ssyncset.done $0x0  }
0x216: {  	s6 =	simm.s32 $0x0;
	v29 =	vadd.f32 $-5.555555600e-02, v24;
	v17 =	vadd.f32 v20, v17;
	vm4 =	vlt.f32 v21, $1.111111120e-01;
	[sflag:s26] =	ssyncadd.s32 $0xFFFFA000  }
0x217: {  	v19 =	vmul.f32 v19, v21;
	v27 =	vmul.f32 v27, v24;
	v21 =	vor.u32 s6, v3;
	v20 =	vld.idx.msk [tilespmem:v23+s23+$0x0], $0xffff  }
0x218: {  	v17 =	vnsel vm2, $0x0, v17;
	vm2 =	vlt.f32 v24, $1.111111120e-01;
	v24 =	vor.u32 s6, v2;
	v26 =	vld.idx.msk [tilespmem:v26+s24+$0x0], $0xffff  }
0x219: {  	v23 =	vor.u32 s6, v0;
	v12 =	vadd.f32 v17, v12;
	v16 =	vld.idx.msk [tilespmem:v16+s24+$0x0], $0xffff  }
0x21a: {  	v15 =	vnsel vm1, $0x0, v15;
	v17 =	vor.u32 s0, v4;
	v18 =	vld.idx.msk [tilespmem:v18+s23+$0x0], $0xffff  }
0x21b: {  	v19 =	vsel vm4, v19, v28;
	v28 =	vld.idx.msk [tilespmem:v30+s24+$0x0], $0xffff;
	v27 =	vsel vm2, v27, v29;
	v12 =	vadd.f32 v15, v12  }
0x21c: {  	v22 =	vnsel vm0, $0x0, v22;
	v15 =	vadd.s32 s1, v3;
	v19 =	vadd.f32 v27, v19;
	v21 =	vld.idx.msk [tilespmem:v21+s24+$0x0], $0xffff  }
0x21d: {  	v12 =	vadd.f32 v22, v12;
	v22 =	vor.u32 s0, v7;
	v24 =	vld.idx.msk [tilespmem:v24+s24+$0x0], $0xffff  }
0x21e: {  	v13 =	vadd.f32 v14, v13;
	s30 =	simm.s32 $0x90;
	v14 =	vnsel vm3, $0x0, v19;
	v19 =	vadd.s32 s5, v2;
	v23 =	vld.idx.msk [tilespmem:v23+s24+$0x0], $0xffff  }
0x21f: {  	v25 =	vor.u32 s0, v9;
	v30 =	vadd.s32 s30, v2;
	v17 =	vld.idx.msk [tilespmem:v17+s23+$0x0], $0xffff  }
0x220: {  	v27 =	vadd.s32 s5, v3;
	vm0 =	veq.f32 v16, $1.000000000e+00;
	v16 =	vsub.f32 v26, v18  }
0x221: {  	v12 =	vadd.f32 v14, v12;
	v14 =	vor.u32 s0, v8;
	vm1 =	veq.f32 v28, $1.000000000e+00;
	v28 =	vld.idx.msk [tilespmem:v15+s24+$0x0], $0xffff  }
0x222: {  	v26 =	vor.u32 s0, v10;
	v15 =	vadd.s32 s30, v0;
	v16 =	vand.u32 $0x7FFFFFFF, v16;
	v22 =	vld.idx.msk [tilespmem:v22+s23+$0x0], $0xffff  }
0x223: {  	v18 =	vsel vm0, $0x3F800000, v5;
	vm4 =	vlt.f32 v16, $1.111111120e-01;
	v31 =	vld.idx.msk [tilespmem:v19+s24+$0x0], $0xffff;
	v19 =	vsub.f32 v24, v20  }
0x224: {  	v25 =	vld.idx.msk [tilespmem:v25+s23+$0x0], $0xffff;
	v20 =	vmul.f32 $4.500000000e+00, v16;
	vm2 =	veq.f32 v23, $1.000000000e+00;
	v17 =	vsub.f32 v21, v17  }
0x225: {  	v23 =	vld.idx.msk [tilespmem:v27+s24+$0x0], $0xffff;
	v27 =	vor.u32 s0, v11;
	v21 =	vsel vm1, $0x3F800000, v5;
	v29 =	vsel vm2, $0x3F800000, v5  }
0x226: {  	v14 =	vld.idx.msk [tilespmem:v14+s23+$0x0], $0xffff;
	v19 =	vand.u32 $0x7FFFFFFF, v19;
	v13 =	vadd.f32 v29, v13;
	v32 =	vand.u32 $0x7FFFFFFF, v17  }
0x227: {  	v24 =	vld.idx.msk [tilespmem:v15+s24+$0x0], $0xffff;
	v15 =	vmul.f32 v20, v16;
	v16 =	vadd.f32 $-5.555555600e-02, v16;
	v17 =	vmul.f32 $4.500000000e+00, v32  }
0x228: {  	vm5 =	vlt.f32 v19, $1.111111120e-01;
	v13 =	vadd.f32 v21, v13;
	v20 =	vsub.f32 v28, v22  }
0x229: {  	vm9 =	vlt.f32 v32, $1.111111120e-01;
	v22 =	vadd.s32 s30, v3;
	v33 =	vmul.f32 v17, v32  }
0x22a: {  	v17 =	vadd.f32 $-5.555555600e-02, v19;
	v13 =	vadd.f32 v18, v13;
	v20 =	vand.u32 $0x7FFFFFFF, v20  }
0x22b: {  	v18 =	vsub.f32 v23, v25;
	v14 =	vsub.f32 v31, v14;
	vm8 =	vlt.f32 v20, $1.111111120e-01  }
0x22c: {  	v23 =	vmul.f32 $4.500000000e+00, v20;
	vm3 =	veq.f32 v24, $1.000000000e+00;
	v31 =	vadd.f32 $-5.555555600e-02, v20  }
0x22d: {  	v21 =	vld.idx.msk [tilespmem:v26+s23+$0x0], $0xffff;
	v24 =	vmul.f32 $4.500000000e+00, v19;
	v34 =	vand.u32 $0x7FFFFFFF, v14;
	v14 =	vsel vm3, $0x3F800000, v5  }
0x22e: {  	v28 =	vand.u32 $0x7FFFFFFF, v18;
	v18 =	vld.idx.msk [tilespmem:v30+s24+$0x0], $0xffff;
	v30 =	vadd.f32 $-5.555555600e-02, v32;
	v25 =	vmul.f32 $4.500000000e+00, v34  }
0x22f: {  	vm6 =	vlt.f32 v34, $1.111111120e-01;
	vm7 =	vlt.f32 v28, $1.111111120e-01;
	v20 =	vmul.f32 v23, v20;
	v23 =	vld.idx.msk [tilespmem:v27+s23+$0x0], $0xffff  }
0x230: {  	v29 =	vmul.f32 $4.500000000e+00, v28;
	v26 =	vadd.f32 $-5.555555600e-02, v34;
	v27 =	vld.idx.msk [tilespmem:v22+s24+$0x0], $0xffff;
	v22 =	vsel vm9, v33, v30  }
0x231: {  	s1 =	simm.s32 $0x80;
	s0 =	simm.s32 $0x150;
	v30 =	vadd.f32 $-5.555555600e-02, v28;
	v25 =	vmul.f32 v25, v34;
	v20 =	vsel vm8, v20, v31  }
.LBB2_16:
0x232: {  	s5 =	sadd.s32 $0xFFFFFF70, s0  }
0x233: {  	v31 =	vor.u32 s1, v1;
	v32 =	vor.u32 s1, v9;
	p0 =	sne.s32 s0, $0x5FD0;
	v28 =	vmul.f32 v29, v28;
	s28 =	smov.u32 s0;
	s0 =	sadd.s32 $0xC0, s0  }
0x234: {  	v19 =	vmul.f32 v24, v19;
	v29 =	vor.u32 s5, v2;
	v33 =	vor.u32 s5, v3;
	s6 =	sadd.s32 $0xFFFFFFA0, s28  }
0x235: {  	s30 =	sadd.s32 $0xFFFFFFD0, s28;
	v24 =	vadd.s32 s6, v2;
	v34 =	vadd.s32 s6, v3;
	v28 =	vsel vm7, v28, v30  }
0x236: {  	v23 =	vsub.f32 v27, v23;
	v30 =	vor.u32 s1, v7;
	v35 =	vadd.s32 s30, v2  }
0x237: {  	v27 =	vor.u32 s1, v4;
	v18 =	vsub.f32 v18, v21;
	v36 =	vadd.s32 s30, v0  }
0x238: {  	v37 =	vor.u32 s1, v6;
	v38 =	vor.u32 s1, v8;
	v21 =	vld.idx.msk [tilespmem:v31+s23+$0x0], $0xffff;
	v31 =	vadd.s32 s6, v0  }
0x239: {  	v25 =	vsel vm6, v25, v26;
	v39 =	vor.u32 s5, v0;
	v40 =	vadd.s32 s30, v3;
	v32 =	vld.idx.msk [tilespmem:v32+s23+$0x0], $0xffff  }
0x23a: {  	v18 =	vand.u32 $0x7FFFFFFF, v18;
	v23 =	vand.u32 $0x7FFFFFFF, v23;
	v25 =	vadd.f32 v28, v25;
	v24 =	vld.idx.msk [tilespmem:v24+s24+$0x0], $0xffff  }
0x23b: {  	v17 =	vsel vm5, v19, v17;
	v19 =	vmul.f32 $4.500000000e+00, v18;
	v28 =	vmul.f32 $4.500000000e+00, v23;
	v26 =	vld.idx.msk [tilespmem:v34+s24+$0x0], $0xffff  }
0x23c: {  	v15 =	vsel vm4, v15, v16;
	v16 =	vadd.f32 $-5.555555600e-02, v18;
	v34 =	vld.idx.msk [tilespmem:v36+s24+$0x0], $0xffff;
	v36 =	vadd.f32 $-5.555555600e-02, v23  }
0x23d: {  	v17 =	vadd.f32 v22, v17;
	v19 =	vmul.f32 v19, v18;
	v22 =	vmul.f32 v28, v23;
	v31 =	vld.idx.msk [tilespmem:v31+s24+$0x0], $0xffff  }
0x23e: {  	v15 =	vadd.f32 v20, v15;
	vm4 =	vlt.f32 v18, $1.111111120e-01;
	vm5 =	vlt.f32 v23, $1.111111120e-01;
	v28 =	vld.idx.msk [tilespmem:v39+s24+$0x0], $0xffff  }
0x23f: {  	v17 =	vnsel vm2, $0x0, v17;
	v16 =	vsel vm4, v19, v16;
	v19 =	vsel vm5, v22, v36;
	v18 =	vld.idx.msk [tilespmem:v37+s23+$0x0], $0xffff  }
0x240: {  	v12 =	vadd.f32 v17, v12;
	v16 =	vadd.f32 v19, v16;
	v20 =	vld.idx.msk [tilespmem:v33+s24+$0x0], $0xffff  }
0x241: {  	v13 =	vadd.f32 v14, v13;
	v15 =	vnsel vm1, $0x0, v15;
	v17 =	vld.idx.msk [tilespmem:v27+s23+$0x0], $0xffff  }
0x242: {  	v12 =	vadd.f32 v15, v12;
	v15 =	vnsel vm0, $0x0, v25;
	v16 =	vnsel vm3, $0x0, v16;
	v14 =	vld.idx.msk [tilespmem:v29+s24+$0x0], $0xffff  }
0x243: {  	v19 =	vadd.s32 s28, v0;
	vm0 =	veq.f32 v34, $1.000000000e+00;
	vm1 =	veq.f32 v31, $1.000000000e+00;
	v22 =	vld.idx.msk [tilespmem:v40+s24+$0x0], $0xffff  }
0x244: {  	v23 =	vor.u32 s1, v11;
	v12 =	vadd.f32 v15, v12;
	vm2 =	veq.f32 v28, $1.000000000e+00  }
0x245: {  	v15 =	vsub.f32 v24, v18;
	v18 =	vsel vm0, $0x3F800000, v5;
	v24 =	vor.u32 s1, v10;
	v25 =	vld.idx.msk [tilespmem:v30+s23+$0x0], $0xffff  }
0x246: {  	v29 =	vadd.s32 s28, v2;
	v12 =	vadd.f32 v16, v12;
	v27 =	vsel vm2, $0x3F800000, v5;
	v28 =	vld.idx.msk [tilespmem:v35+s24+$0x0], $0xffff  }
0x247: {  	v13 =	vadd.f32 v27, v13;
	v16 =	vsub.f32 v20, v17;
	v17 =	vand.u32 $0x7FFFFFFF, v15;
	v20 =	vld.idx.msk [tilespmem:v38+s23+$0x0], $0xffff  }
0x248: {  	v14 =	vsub.f32 v14, v21;
	v15 =	vmul.f32 $4.500000000e+00, v17;
	v21 =	vsel vm1, $0x3F800000, v5;
	v27 =	vld.idx.msk [tilespmem:v19+s24+$0x0], $0xffff  }
0x249: {  	vm4 =	vlt.f32 v17, $1.111111120e-01;
	v30 =	vand.u32 $0x7FFFFFFF, v16;
	v13 =	vadd.f32 v21, v13  }
0x24a: {  	v16 =	vadd.f32 $-5.555555600e-02, v17;
	v21 =	vmul.f32 $4.500000000e+00, v30;
	v15 =	vmul.f32 v15, v17  }
0x24b: {  	v25 =	vsub.f32 v26, v25;
	v13 =	vadd.f32 v18, v13;
	v26 =	vadd.s32 s28, v3;
	v18 =	vld.idx.msk [tilespmem:v29+s24+$0x0], $0xffff  }
0x24c: {  	v22 =	vsub.f32 v22, v32;
	v19 =	vand.u32 $0x7FFFFFFF, v14;
	v31 =	vmul.f32 v21, v30  }
0x24d: {  	v17 =	vadd.f32 $-5.555555600e-02, v19;
	v25 =	vand.u32 $0x7FFFFFFF, v25;
	v14 =	vsub.f32 v28, v20;
	v21 =	vld.idx.msk [tilespmem:v24+s23+$0x0], $0xffff  }
0x24e: {  	vm8 =	vlt.f32 v25, $1.111111120e-01;
	v20 =	vmul.f32 $4.500000000e+00, v25;
	vm3 =	veq.f32 v27, $1.000000000e+00  }
0x24f: {  	v32 =	vadd.f32 $-5.555555600e-02, v25;
	v33 =	vand.u32 $0x7FFFFFFF, v14;
	v14 =	vsel vm3, $0x3F800000, v5;
	v23 =	vld.idx.msk [tilespmem:v23+s23+$0x0], $0xffff  }
.Ltmp7:
0x250: {  	v28 =	vand.u32 $0x7FFFFFFF, v22;
	v24 =	vmul.f32 $4.500000000e+00, v19;
	v22 =	vmul.f32 $4.500000000e+00, v33;
	v27 =	vld.idx.msk [tilespmem:v26+s24+$0x0], $0xffff;
	(pc) =	sbr.rel @p0 .LBB2_16-.Ltmp7, $4  }
0x251: {  	vm5 =	vlt.f32 v19, $1.111111120e-01;
	vm7 =	vlt.f32 v28, $1.111111120e-01;
	vm6 =	vlt.f32 v33, $1.111111120e-01  }
0x252: {  	v34 =	vadd.f32 $-5.555555600e-02, v30;
	v29 =	vmul.f32 $4.500000000e+00, v28;
	v20 =	vmul.f32 v20, v25  }
0x253: {  	vm9 =	vlt.f32 v30, $1.111111120e-01;
	v26 =	vadd.f32 $-5.555555600e-02, v33;
	v25 =	vmul.f32 v22, v33  }
0x254: {  	s1 =	sadd.s32 $0x80, s1;
	v30 =	vadd.f32 $-5.555555600e-02, v28;
	v22 =	vsel vm9, v31, v34;
	v20 =	vsel vm8, v20, v32  }
0x255: {  	v28 =	vmul.f32 v29, v28;
	v19 =	vmul.f32 v24, v19;
	v18 =	vsub.f32 v18, v21  }
0x256: {  	v23 =	vsub.f32 v27, v23;
	v54 =	vsel vm6, v25, v26;
	v15 =	vsel vm4, v15, v16  }
0x257: {  	v15 =	vadd.f32 v20, v15;
	v53 =	vsel vm7, v28, v30;
	v17 =	vsel vm5, v19, v17  }
0x258: {  	v18 =	vand.u32 $0x7FFFFFFF, v18;
	v55 =	vand.u32 $0x7FFFFFFF, v23;
	v17 =	vadd.f32 v22, v17  }
0x259: {  	v21 =	vadd.f32 v53, v54;
	v56 =	vmul.f32 $4.500000000e+00, v18;
	v57 =	vmul.f32 $4.500000000e+00, v55  }
0x25a: {  	v58 =	vadd.f32 $-5.555555600e-02, v18;
	v59 =	vadd.f32 $-5.555555600e-02, v55;
	v17 =	vnsel vm2, $0x0, v17  }
0x25b: {  	v60 =	vmul.f32 v56, v18;
	v22 =	vmul.f32 v57, v55;
	v12 =	vadd.f32 v17, v12  }
0x25c: {  	vm14 =	vlt.f32 v18, $1.111111120e-01;
	vm15 =	vlt.f32 v55, $1.111111120e-01;
	v15 =	vnsel vm1, $0x0, v15  }
0x25d: {  	v16 =	vsel vm14, v60, v58;
	v61 =	vsel vm15, v22, v59;
	v12 =	vadd.f32 v15, v12  }
0x25e: {  	v63 =	vnsel vm0, $0x0, v21;
	v62 =	vadd.f32 v61, v16  }
0x25f: {  	v12 =	vadd.f32 v63, v12  }
0x260: {  	v13 =	vadd.f32 v14, v13;
	v15 =	vnsel vm3, $0x0, v62  }
0x261: {  	v12 =	vadd.f32 v15, v12  }
0x262: {  	[tilespmem:$0x14080] =	vst v13  }
0x263: {  	s0 =	simm.s32 $0x14000;
	[tilespmem:$0x14000] =	vst v12  }
0x264: {  	[hbm4b:s18+s2] =	stream.linear.scatter [tilespmem:s0], [sflag:$0x3], $0x80, $0x38;
	[tilespmem:$0x14100] =	vst v63  }
0x265: {  	s31 =	sadd.s32 $0x1, s31;
	_ =	swait.ge [sflag:s29], $0x80  }
0x266: {  	p0 =	sne.s32 s31, s21;
	[sflag:s29] =	ssyncset.done $0x0  }
.Ltmp8:
0x267: {  	s30 =	simm.s32 $0x14080;
	[sflag:s29] =	ssyncadd.s32 $0xFFFFFF80;
	(pc) =	sbr.rel @p0 .LBB2_1-.Ltmp8, $4  }
0x268: {  	[hbm4b:s20+s2] =	stream.linear.scatter [tilespmem:s30], [sflag:$0x3], $0x80, $0x38;
	[tilespmem:$0x14100] =	vst v63  }
0x269: {  	_ =	swait.ge [sflag:s29], $0x80  }
0x26a: {  	[sflag:s29] =	ssyncset.done $0x0  }
0x26b: {  	[sflag:s29] =	ssyncadd.s32 $0xFFFFFF80  }
0x26c: {  	_ =	sfence.sel $0x180000  }
0x26d: {  	[bflag:$0x0] =	sbarrier.arrive $0xFFFF  }
0x26e: {  	_ =	strace $0x90000047  }
0x26f: {  	s0 =	stileid.u32;
	[bflag:$0x2] =	sbarrier.arrive $0xFFFF  }
0x270: {  	p0 =	sne.s32 s0, $0x0;
	s0 =	rddreg [dreg:$0x3]  }
0x271: {  	s0 =	sadd.s32 @!p0 $0x100000, s0  }
0x272: {  	[sflag:s0] =	ssyncadd.tile.s32 @!p0 $0x1;
	_ =	shalt  }
.Lfunc_end2:
_tile_overlayer_lowered:
.L_overlay_start_2:
0x273: {  	(tag) =	ssettag $0x2  }
0x274: {  	s0 =	rddreg [dreg:$0x0];
	s2 =	stileid.u32  }
0x275: {  	s1 =	rddreg [dreg:$0x1];
	p0 =	sne.s32 s2, $0x0  }
0x276: {  	s3 =	rddreg [dreg:$0x2];
	[bflag:$0x3] =	sbarrier.arrive $0xFFFF;
	s2 =	simm.s32 @!p0 $0x1C03  }
0x277: {  	[timem:s3], [sflag:s2] =	dma.local @!p0 [hbm:s0], s1  }
0x278: {  	s0 =	simm.s32 @!p0 $0x3  }
0x279: {  	_ =	swait.ge @!p0 [sflag:s0], s1  }
0x27a: {  	s1 =	ssub.s32 @!p0 $0x0, s1;
	[sflag:s0] =	ssyncset.done @!p0 $0x0  }
0x27b: {  	[sflag:s0] =	ssyncadd.s32 @!p0 s1  }
0x27c: {  	[bflag:$0x3] =	sbarrier.arrive $0xFFFF  }
0x27d: {  	_ =	shalt  }

</sc_bundles>
